<compile_context>
chip_gen: v7x
topology: tpu7x:2x2x1
jax: 0.10.2.dev20260603
libtpu: 0.0.44.dev20260713+nightly
codegen_flags: <defaults>
</compile_context>

<pallas_src>
import functools

import jax
import jax.numpy as jnp
from jax import lax
from jax.experimental import pallas as pl
from jax.experimental.pallas import tpu as pltpu
from jax.experimental.pallas import tpu_sc as plsc

NC = 2
NS = 16
CHUNK = 128
NBUF = 4



def _sc_degree(n_pad, e_pad):
    ept = e_pad // (NC * NS)
    nch = ept // CHUNK
    rounds = nch // NBUF
    rpt = n_pad // NS
    mesh = plsc.VectorSubcoreMesh(core_axis_name="c", subcore_axis_name="s")

    @functools.partial(
        pl.kernel,
        out_type=jax.ShapeDtypeStruct((NC * n_pad, 128), jnp.float32),
        mesh=mesh,
        scratch_types=[
            pltpu.VMEM_SHARED((n_pad, 128), jnp.float32),
            pltpu.VMEM((nch, CHUNK), jnp.int32),
            pltpu.VMEM((CHUNK, 128), jnp.float32),
        ] + [pltpu.SemaphoreType.DMA] * NBUF,
    )
    def k(dst_hbm, zeros_hbm, ones_hbm, out_hbm, acc, dst_all, ones_v, *ssem):
        c = lax.axis_index("c")
        s = lax.axis_index("s")
        r0 = s * rpt
        pltpu.sync_copy(dst_hbm.at[c, s], dst_all)
        pltpu.sync_copy(ones_hbm, ones_v)
        pltpu.sync_copy(zeros_hbm.at[pl.ds(r0, rpt)], acc.at[pl.ds(r0, rpt)])
        plsc.subcore_barrier()

        def body(k_, carry):
            @pl.when(k_ > 0)
            def _():
                for b in range(NBUF):
                    pltpu.make_async_copy(
                        ones_v, acc.at[dst_all.at[(k_ - 1) * NBUF + b]],
                        ssem[b]).wait()
            for b in range(NBUF):
                pltpu.async_copy(ones_v, acc.at[dst_all.at[k_ * NBUF + b]],
                                 ssem[b], add=True)
            return carry

        lax.fori_loop(0, rounds, body, 0)
        for b in range(NBUF):
            pltpu.make_async_copy(
                ones_v, acc.at[dst_all.at[(rounds - 1) * NBUF + b]],
                ssem[b]).wait()
        plsc.subcore_barrier()
        pltpu.sync_copy(acc.at[pl.ds(r0, rpt)],
                        out_hbm.at[pl.ds(c * n_pad + r0, rpt)])

    return k


def _sc_scatter(n_pad, d2, e_pad):
    ept = e_pad // NS
    nch = ept // CHUNK
    G = 8
    ngroups = nch // G
    ngp = ngroups // 2
    rpt = n_pad // NS
    mesh = plsc.VectorSubcoreMesh(core_axis_name="c", subcore_axis_name="s")

    @functools.partial(
        pl.kernel,
        out_type=jax.ShapeDtypeStruct((NC * n_pad, d2), jnp.float32),
        mesh=mesh,
        scratch_types=[
            pltpu.VMEM_SHARED((n_pad, d2), jnp.float32),
        ] + [pltpu.VMEM((G, CHUNK), jnp.int32)] * 4
          + [pltpu.VMEM((CHUNK, d2), jnp.float32)] * 2
          + [pltpu.SemaphoreType.DMA] * 6,
    )
    def k(y_hbm, src_hbm, dst_hbm, zeros_hbm, out_hbm, acc,
          srcg0, srcg1, dstg0, dstg1, rows0, rows1,
          isem0, isem1, gsem0, gsem1, ssem0, ssem1):
        srcg = (srcg0, srcg1)
        dstg = (dstg0, dstg1)
        rows = (rows0, rows1)
        isem = (isem0, isem1)
        gsem = (gsem0, gsem1)
        ssem = (ssem0, ssem1)
        c = lax.axis_index("c")
        s = lax.axis_index("s")
        r0 = s * rpt

        def idx_load(g_, q, wait):
            srcd = pltpu.make_async_copy(
                src_hbm.at[c, s, pl.ds(g_ * G, G)], srcg[q], isem[q])
            dstd = pltpu.make_async_copy(
                dst_hbm.at[s, pl.ds(g_ * G, G)], dstg[q], isem[q])
            if wait:
                srcd.wait()
                dstd.wait()
            else:
                srcd.start()
                dstd.start()

        def gather(q, j, b, wait):
            d = pltpu.make_async_copy(y_hbm.at[srcg[q].at[j]], rows[b],
                                      gsem[b])
            d.wait() if wait else d.start()

        def scatter(q, j, b, wait):
            d = pltpu.make_async_copy(rows[b], acc.at[dstg[q].at[j]], ssem[b])
            d.wait() if wait else d.start(add=True)

        pltpu.sync_copy(src_hbm.at[c, s, pl.ds(0, G)], srcg[0])
        pltpu.sync_copy(dst_hbm.at[s, pl.ds(0, G)], dstg[0])
        gather(0, 0, 0, False)
        pltpu.sync_copy(zeros_hbm.at[pl.ds(r0, rpt)], acc.at[pl.ds(r0, rpt)])
        plsc.subcore_barrier()

        def body(gp, carry):
            for p in (0, 1):
                q = p
                for j in range(G):
                    b = j % 2
                    gather(q, j, b, True)
                    scatter(q, j, b, False)
                    if j == 1:
                        if p == 0:
                            idx_load(2 * gp + 1, 1, False)
                        else:
                            @pl.when(gp < ngp - 1)
                            def _():
                                idx_load(2 * gp + 2, 0, False)
                    if p == 0 and j == 0:
                        @pl.when(gp > 0)
                        def _():
                            scatter(1, G - 1, 1, True)
                    else:
                        pq, pj = (q, j - 1) if j > 0 else (q ^ 1, G - 1)
                        scatter(pq, pj, b ^ 1, True)
                    if j < G - 1:
                        gather(q, j + 1, b ^ 1, False)
                    elif p == 0:
                        idx_load(2 * gp + 1, 1, True)
                        gather(1, 0, b ^ 1, False)
                    else:
                        @pl.when(gp < ngp - 1)
                        def _():
                            idx_load(2 * gp + 2, 0, True)
                            gather(0, 0, b ^ 1, False)
            return carry

        lax.fori_loop(0, ngp, body, 0)
        scatter(1, G - 1, 1, True)
        plsc.subcore_barrier()
        pltpu.sync_copy(acc.at[pl.ds(r0, rpt)],
                        out_hbm.at[pl.ds(c * n_pad + r0, rpt)])

    return k



def _dis_from_hist(hist_blk):
    deg = 1.0 + hist_blk[0, :, 0] + hist_blk[1, :, 0]
    return lax.rsqrt(deg)


_HIST_SPEC = lambda R: pl.BlockSpec((2, R, 128), lambda i: (0, i, 0))


def _tc_xw(x_p, W1, n_pad, in_ch, hid):
    R = n_pad // 8

    def body(x_ref, w_ref, o_ref):
        o_ref[...] = jnp.dot(x_ref[...], w_ref[...],
                             preferred_element_type=jnp.float32)

    return pl.pallas_call(
        body,
        grid=(n_pad // R,),
        in_specs=[
            pl.BlockSpec((R, in_ch), lambda i: (i, 0)),
            pl.BlockSpec((in_ch, hid), lambda i: (0, 0)),
        ],
        out_specs=pl.BlockSpec((R, hid), lambda i: (i, 0)),
        out_shape=jax.ShapeDtypeStruct((n_pad, hid), jnp.float32),
    )(x_p, W1)


def _tc_first(xw, hist, n_pad, hid):
    R = n_pad // 8
    h2 = hid // 2

    def body(xw_ref, hist_ref, y_ref):
        dis = _dis_from_hist(hist_ref)
        y = xw_ref[...] * dis[:, None]
        y_ref[0] = y[:, :h2]
        y_ref[1] = y[:, h2:]

    return pl.pallas_call(
        body,
        grid=(n_pad // R,),
        in_specs=[
            pl.BlockSpec((R, hid), lambda i: (i, 0)),
            _HIST_SPEC(R),
        ],
        out_specs=pl.BlockSpec((2, R, h2), lambda i: (0, i, 0)),
        out_shape=jax.ShapeDtypeStruct((2, n_pad, h2), jnp.float32),
    )(xw, hist)


def _tc_mid(s1, y1, hist, wg_cat, b1r, n_pad, hid, dg):
    R = n_pad // 8
    h2 = hid // 2
    g2 = dg // 2

    def body(s_ref, y_ref, hist_ref, w_ref, b_ref, o_ref):
        dis = _dis_from_hist(hist_ref)
        S = jnp.concatenate([s_ref[0], s_ref[1]], axis=1)
        Y = jnp.concatenate([y_ref[0], y_ref[1]], axis=1)
        h = jnp.maximum((S + Y) * dis[:, None] + b_ref[...], 0.0)
        y2 = jnp.dot(h, w_ref[...], preferred_element_type=jnp.float32)
        y2 = y2 * dis[:, None]
        o_ref[0] = y2[:, :g2]
        o_ref[1] = y2[:, g2:]

    return pl.pallas_call(
        body,
        grid=(n_pad // R,),
        in_specs=[
            pl.BlockSpec((2, R, h2), lambda i: (0, i, 0)),
            pl.BlockSpec((2, R, h2), lambda i: (0, i, 0)),
            _HIST_SPEC(R),
            pl.BlockSpec((hid, dg), lambda i: (0, 0)),
            pl.BlockSpec((1, hid), lambda i: (0, 0)),
        ],
        out_specs=pl.BlockSpec((2, R, g2), lambda i: (0, i, 0)),
        out_shape=jax.ShapeDtypeStruct((2, n_pad, g2), jnp.float32),
    )(s1, y1, hist, wg_cat, b1r)


def _tc_heads(s2, y2, hist, wl_cat, bg_r, bl_r, n_pad, dg, zo):
    R = n_pad // 8
    g2 = dg // 2

    def body(s_ref, y_ref, hist_ref, w_ref, bg_ref, bl_ref, p_ref):
        dis = _dis_from_hist(hist_ref)
        S = jnp.concatenate([s_ref[0], s_ref[1]], axis=1)
        Y = jnp.concatenate([y_ref[0], y_ref[1]], axis=1)
        g = (S + Y) * dis[:, None] + bg_ref[...]
        z = jnp.dot(g, w_ref[...], preferred_element_type=jnp.float32)
        z = z + bl_ref[...]
        for k in range(zo // 128):
            zk = z[:, 128 * k:128 * (k + 1)]
            m = jnp.max(zk, axis=1, keepdims=True)
            e = jnp.exp(zk - m)
            p_ref[:, 128 * k:128 * (k + 1)] = e / jnp.sum(e, axis=1, keepdims=True)

    return pl.pallas_call(
        body,
        grid=(n_pad // R,),
        in_specs=[
            pl.BlockSpec((2, R, g2), lambda i: (0, i, 0)),
            pl.BlockSpec((2, R, g2), lambda i: (0, i, 0)),
            _HIST_SPEC(R),
            pl.BlockSpec((dg, zo), lambda i: (0, 0)),
            pl.BlockSpec((1, dg), lambda i: (0, 0)),
            pl.BlockSpec((1, zo), lambda i: (0, 0)),
        ],
        out_specs=pl.BlockSpec((R, zo), lambda i: (i, 0)),
        out_shape=jax.ShapeDtypeStruct((n_pad, zo), jnp.float32),
    )(s2, y2, hist, wl_cat, bg_r, bl_r)



def kernel(x, edge_index, W1, b1,
           Wg_type, bg_type, Wl_type, bl_type,
           Wg_school, bg_school, Wl_school, bl_school,
           Wg_time, bg_time, Wl_time, bl_time,
           Wg_author, bg_author, Wl_author, bl_author):
    N, in_ch = x.shape
    E = edge_index.shape[1]
    hid = W1.shape[1]

    n_pad = ((N + 1 + 255) // 256) * 256
    egrp = NS * CHUNK * 16
    e_pad = ((E + egrp - 1) // egrp) * egrp

    src = edge_index[0]
    dst = edge_index[1]
    pad_e = e_pad - E
    src_p = jnp.concatenate([src, jnp.zeros((pad_e,), jnp.int32)])
    dst_p = jnp.concatenate([dst, jnp.full((pad_e,), N, jnp.int32)])
    src2 = jnp.concatenate([src_p, src_p + n_pad])
    src2_r = src2.reshape(NC, NS, e_pad // NS // CHUNK, CHUNK)
    dst_sc = dst_p.reshape(NS, e_pad // NS // CHUNK, CHUNK)
    dst_dg = dst_p.reshape(NC, NS, e_pad // (NC * NS) // CHUNK, CHUNK)

    x_p = jnp.pad(x, ((0, n_pad - N), (0, 0)))

    heads = [
        (Wg_type, bg_type, Wl_type, bl_type),
        (Wg_school, bg_school, Wl_school, bl_school),
        (Wg_time, bg_time, Wl_time, bl_time),
        (Wg_author, bg_author, Wl_author, bl_author),
    ]
    dims = [w.shape[1] for (w, _, _, _) in heads]
    offs = [0]
    for d in dims[:-1]:
        offs.append(offs[-1] + d)
    dg = ((offs[-1] + dims[-1] + 255) // 256) * 256
    zo = 128 * len(heads)

    wg_cat = jnp.zeros((hid, dg), jnp.float32)
    bg_cat = jnp.zeros((1, dg), jnp.float32)
    wl_cat = jnp.zeros((dg, zo), jnp.float32)
    bl_cat = jnp.full((1, zo), -1e30, jnp.float32)
    for k, (wg, bg, wl, bl) in enumerate(heads):
        d = dims[k]
        o = offs[k]
        wg_cat = wg_cat.at[:, o:o + d].set(wg)
        bg_cat = bg_cat.at[0, o:o + d].set(bg)
        wl_cat = wl_cat.at[o:o + d, 128 * k:128 * k + d].set(wl.T)
        bl_cat = bl_cat.at[0, 128 * k:128 * k + d].set(bl)

    zeros_h2 = jnp.zeros((n_pad, hid // 2), jnp.float32)
    ones128 = jnp.zeros((CHUNK, 128), jnp.float32).at[:, 0].set(1.0)
    zeros_g2 = zeros_h2 if dg == hid else jnp.zeros((n_pad, dg // 2), jnp.float32)

    xw = _tc_xw(x_p, W1, n_pad, in_ch, hid)
    hist = _sc_degree(n_pad, e_pad)(dst_dg, zeros_h2, ones128)
    hist = hist.reshape(NC, n_pad, 128)

    y1 = _tc_first(xw, hist, n_pad, hid)
    s1 = _sc_scatter(n_pad, hid // 2, e_pad)(
        y1.reshape(NC * n_pad, hid // 2), src2_r, dst_sc, zeros_h2)
    s1 = s1.reshape(NC, n_pad, hid // 2)

    y2 = _tc_mid(s1, y1, hist, wg_cat, b1.reshape(1, hid), n_pad, hid, dg)
    s2 = _sc_scatter(n_pad, dg // 2, e_pad)(
        y2.reshape(NC * n_pad, dg // 2), src2_r, dst_sc, zeros_g2)
    s2 = s2.reshape(NC, n_pad, dg // 2)

    P = _tc_heads(s2, y2, hist, wl_cat, bg_cat, bl_cat, n_pad, dg, zo)

    return tuple(P[:N, 128 * k:128 * k + dims[k]] for k in range(len(heads)))

# --- scband reference (transcript-rebuilt; emitter-appended) ---
"""Pipeline reference for scband-gcn-53395033424176 (READ-ONLY COPY).

The authoritative reference and input builder live on the scoring server;
editing this copy changes nothing except your own understanding.
"""

import jax, jax.numpy as jnp
import numpy as np

N = 10000
E = 320000
IN_CH = 128
HID = 256
NTYPE, NSCHOOL, NTIME, NAUTHOR = 10, 50, 20, 100


def _gcn_conv(x, src, dst, W, b):
    # Faithful GCNConv: add self-loops, symmetric deg^{-1/2} normalization,
    # message = norm * (x W), scatter-add into dst, then add bias.
    n = x.shape[0]
    loop = jnp.arange(n, dtype=src.dtype)
    s = jnp.concatenate([src, loop])
    d = jnp.concatenate([dst, loop])
    deg = jnp.zeros((n,), x.dtype).at[d].add(1.0)
    dis = jax.lax.rsqrt(jnp.maximum(deg, 1e-12))
    dis = jnp.where(deg > 0, dis, 0.0)
    norm = dis[s] * dis[d]
    xw = x @ W
    msg = xw[s] * norm[:, None]
    out = jnp.zeros((n, W.shape[1]), x.dtype).at[d].add(msg)
    return out + b


def setup_inputs(seed: int = 0) -> dict:
    key = jax.random.key(seed)
    ks = jax.random.split(key, 20)
    inp = {}
    inp["x"] = jax.random.normal(ks[0], (N, IN_CH), jnp.float32)
    inp["edge_index"] = jax.random.randint(ks[1], (2, E), 0, N, jnp.int32)
    inp["W1"] = jax.random.normal(ks[2], (IN_CH, HID), jnp.float32) * 0.05
    inp["b1"] = jnp.zeros((HID,), jnp.float32)
    dims = [NTYPE, NSCHOOL, NTIME, NAUTHOR]
    names = ["type", "school", "time", "author"]
    for i, (nm, dd) in enumerate(zip(names, dims)):
        inp["Wg_" + nm] = jax.random.normal(ks[3 + 2 * i], (HID, dd), jnp.float32) * 0.05
        inp["bg_" + nm] = jnp.zeros((dd,), jnp.float32)
        inp["Wl_" + nm] = jax.random.normal(ks[4 + 2 * i], (dd, dd), jnp.float32) * 0.05
        inp["bl_" + nm] = jnp.zeros((dd,), jnp.float32)
    return inp


def reference(x, edge_index, W1, b1,
              Wg_type, bg_type, Wl_type, bl_type,
              Wg_school, bg_school, Wl_school, bl_school,
              Wg_time, bg_time, Wl_time, bl_time,
              Wg_author, bg_author, Wl_author, bl_author):
    src = edge_index[0]
    dst = edge_index[1]
    h = jax.nn.relu(_gcn_conv(x, src, dst, W1, b1))
    # F.dropout(x, training=self.training) is identity in eval mode
    heads = [
        (Wg_type, bg_type, Wl_type, bl_type),
        (Wg_school, bg_school, Wl_school, bl_school),
        (Wg_time, bg_time, Wl_time, bl_time),
        (Wg_author, bg_author, Wl_author, bl_author),
    ]
    outs = []
    for Wg, bg, Wl, bl in heads:
        g = _gcn_conv(h, src, dst, Wg, bg)
        # nn.Linear (weight [out,in]) + nn.Softmax over dim=1 for 2D input
        outs.append(jax.nn.softmax(g @ Wl.T + bl, axis=1))
    return tuple(outs)

if __name__ == "__main__":
    import jax
    _d = setup_inputs()
    print(jax.jit(kernel)(*tuple(_d.values())))

</pallas_src>

<mosaic_0001>
#map = affine_map<(d0, d1) -> (0, 0)>
#map1 = affine_map<(d0, d1) -> (0, 0, 0, 0)>
#map2 = affine_map<(d0, d1) -> (0, 0, 0)>
module attributes {stable_mosaic.version = 14 : i64} {
  func.func @k(%arg0: i32, %arg1: i32, %arg2: memref<20480x128xf32, #tpu.memory_space<hbm>>, %arg3: memref<2x16x160x128xi32, #tpu.memory_space<hbm>>, %arg4: memref<16x160x128xi32, #tpu.memory_space<hbm>>, %arg5: memref<10240x128xf32, #tpu.memory_space<hbm>>, %arg6: memref<20480x128xf32, #tpu.memory_space<hbm>>, %arg7: memref<10240x128xf32, #tpu.memory_space<vmem_shared>>, %arg8: memref<8x128xi32, #tpu.memory_space<vmem>>, %arg9: memref<8x128xi32, #tpu.memory_space<vmem>>, %arg10: memref<8x128xi32, #tpu.memory_space<vmem>>, %arg11: memref<8x128xi32, #tpu.memory_space<vmem>>, %arg12: memref<128x128xf32, #tpu.memory_space<vmem>>, %arg13: memref<128x128xf32, #tpu.memory_space<vmem>>, %arg14: memref<!tpu.dma_semaphore, #tpu.memory_space<semaphore_mem>>, %arg15: memref<!tpu.dma_semaphore, #tpu.memory_space<semaphore_mem>>, %arg16: memref<!tpu.dma_semaphore, #tpu.memory_space<semaphore_mem>>, %arg17: memref<!tpu.dma_semaphore, #tpu.memory_space<semaphore_mem>>, %arg18: memref<!tpu.dma_semaphore, #tpu.memory_space<semaphore_mem>>, %arg19: memref<!tpu.dma_semaphore, #tpu.memory_space<semaphore_mem>>) attributes {dimension_semantics = [#tpu.dimension_semantics<core_parallel>, #tpu.dimension_semantics<subcore_parallel>], iteration_bounds = array<i64: 2, 16>, scalar_prefetch = 0 : i64, scratch_operands = 13 : i64, tpu.core_type = #tpu.core_type<sc_vector_subcore>, window_params = [{transform_indices = #map}, {transform_indices = #map1}, {transform_indices = #map2}, {transform_indices = #map}, {transform_indices = #map}]} {
    %mul3A = arith.constant 640 : i32
    %mul3A_0 = arith.muli %arg1, %mul3A : i32
    "tpu.region"() ({
      %run_scoped3A = tpu.sem_alloc : memref<!tpu.dma_semaphore, #tpu.memory_space<semaphore_mem>>
      %dma_start3A_21 = arith.constant 0 : i32
      %dma_start3A_22 = arith.constant 0 : i32
      %dma_start3A_23 = tpu.memref_slice %arg3[%arg0, %arg1, %dma_start3A_21, %dma_start3A_22] : memref<2x16x160x128xi32, #tpu.memory_space<hbm>> -> memref<1x1x8x128xi32, #tpu.memory_space<hbm>>
      %dma_start3A_24 = tpu.memref_squeeze %dma_start3A_23 : memref<1x1x8x128xi32, #tpu.memory_space<hbm>> -> memref<8x128xi32, #tpu.memory_space<hbm>>
      %dma_start3A_25 = arith.constant 0 : i32
      %dma_start3A_26 = arith.constant 0 : i32
      %dma_start3A_27 = tpu.memref_slice %arg3[%arg0, %arg1, %dma_start3A_25, %dma_start3A_26] : memref<2x16x160x128xi32, #tpu.memory_space<hbm>> -> memref<1x1x8x128xi32, #tpu.memory_space<hbm>>
      %dma_start3A_28 = tpu.memref_squeeze %dma_start3A_27 : memref<1x1x8x128xi32, #tpu.memory_space<hbm>> -> memref<8x128xi32, #tpu.memory_space<hbm>>
      tpu.enqueue_dma source(%dma_start3A_28 : memref<8x128xi32, #tpu.memory_space<hbm>>) target(%arg8 : memref<8x128xi32, #tpu.memory_space<vmem>>) target_semaphore(%run_scoped3A : memref<!tpu.dma_semaphore, #tpu.memory_space<semaphore_mem>>)
      %dma_wait3A_29 = arith.constant 0 : i32
      %dma_wait3A_30 = arith.constant 0 : i32
      %dma_wait3A_31 = tpu.memref_slice %arg3[%arg0, %arg1, %dma_wait3A_29, %dma_wait3A_30] : memref<2x16x160x128xi32, #tpu.memory_space<hbm>> -> memref<1x1x8x128xi32, #tpu.memory_space<hbm>>
      %dma_wait3A_32 = tpu.memref_squeeze %dma_wait3A_31 : memref<1x1x8x128xi32, #tpu.memory_space<hbm>> -> memref<8x128xi32, #tpu.memory_space<hbm>>
      %dma_wait3A_33 = arith.constant 0 : i32
      %dma_wait3A_34 = arith.constant 0 : i32
      %dma_wait3A_35 = tpu.memref_slice %arg3[%arg0, %arg1, %dma_wait3A_33, %dma_wait3A_34] : memref<2x16x160x128xi32, #tpu.memory_space<hbm>> -> memref<1x1x8x128xi32, #tpu.memory_space<hbm>>
      %dma_wait3A_36 = tpu.memref_squeeze %dma_wait3A_35 : memref<1x1x8x128xi32, #tpu.memory_space<hbm>> -> memref<8x128xi32, #tpu.memory_space<hbm>>
      tpu.wait_dma2 semaphore(%run_scoped3A : memref<!tpu.dma_semaphore, #tpu.memory_space<semaphore_mem>>) src(%dma_wait3A_36 : memref<8x128xi32, #tpu.memory_space<hbm>>) dst(%arg8 : memref<8x128xi32, #tpu.memory_space<vmem>>)
      tpu.yield
    }) : () -> ()
    "tpu.region"() ({
      %run_scoped3A = tpu.sem_alloc : memref<!tpu.dma_semaphore, #tpu.memory_space<semaphore_mem>>
      %dma_start3A_21 = arith.constant 0 : i32
      %dma_start3A_22 = arith.constant 0 : i32
      %dma_start3A_23 = tpu.memref_slice %arg4[%arg1, %dma_start3A_21, %dma_start3A_22] : memref<16x160x128xi32, #tpu.memory_space<hbm>> -> memref<1x8x128xi32, #tpu.memory_space<hbm>>
      %dma_start3A_24 = tpu.memref_squeeze %dma_start3A_23 : memref<1x8x128xi32, #tpu.memory_space<hbm>> -> memref<8x128xi32, #tpu.memory_space<hbm>>
      %dma_start3A_25 = arith.constant 0 : i32
      %dma_start3A_26 = arith.constant 0 : i32
      %dma_start3A_27 = tpu.memref_slice %arg4[%arg1, %dma_start3A_25, %dma_start3A_26] : memref<16x160x128xi32, #tpu.memory_space<hbm>> -> memref<1x8x128xi32, #tpu.memory_space<hbm>>
      %dma_start3A_28 = tpu.memref_squeeze %dma_start3A_27 : memref<1x8x128xi32, #tpu.memory_space<hbm>> -> memref<8x128xi32, #tpu.memory_space<hbm>>
      tpu.enqueue_dma source(%dma_start3A_28 : memref<8x128xi32, #tpu.memory_space<hbm>>) target(%arg10 : memref<8x128xi32, #tpu.memory_space<vmem>>) target_semaphore(%run_scoped3A : memref<!tpu.dma_semaphore, #tpu.memory_space<semaphore_mem>>)
      %dma_wait3A_29 = arith.constant 0 : i32
      %dma_wait3A_30 = arith.constant 0 : i32
      %dma_wait3A_31 = tpu.memref_slice %arg4[%arg1, %dma_wait3A_29, %dma_wait3A_30] : memref<16x160x128xi32, #tpu.memory_space<hbm>> -> memref<1x8x128xi32, #tpu.memory_space<hbm>>
      %dma_wait3A_32 = tpu.memref_squeeze %dma_wait3A_31 : memref<1x8x128xi32, #tpu.memory_space<hbm>> -> memref<8x128xi32, #tpu.memory_space<hbm>>
      %dma_wait3A_33 = arith.constant 0 : i32
      %dma_wait3A_34 = arith.constant 0 : i32
      %dma_wait3A_35 = tpu.memref_slice %arg4[%arg1, %dma_wait3A_33, %dma_wait3A_34] : memref<16x160x128xi32, #tpu.memory_space<hbm>> -> memref<1x8x128xi32, #tpu.memory_space<hbm>>
      %dma_wait3A_36 = tpu.memref_squeeze %dma_wait3A_35 : memref<1x8x128xi32, #tpu.memory_space<hbm>> -> memref<8x128xi32, #tpu.memory_space<hbm>>
      tpu.wait_dma2 semaphore(%run_scoped3A : memref<!tpu.dma_semaphore, #tpu.memory_space<semaphore_mem>>) src(%dma_wait3A_36 : memref<8x128xi32, #tpu.memory_space<hbm>>) dst(%arg10 : memref<8x128xi32, #tpu.memory_space<vmem>>)
      tpu.yield
    }) : () -> ()
    %dma_start3A = arith.constant 0 : i32
    %dma_start3A_1 = arith.constant 0 : i32
    %dma_start3A_2 = tpu.memref_slice %arg8[%dma_start3A, %dma_start3A_1] : memref<8x128xi32, #tpu.memory_space<vmem>> -> memref<1x128xi32, #tpu.memory_space<vmem>>
    %dma_start3A_3 = tpu.memref_squeeze %dma_start3A_2 : memref<1x128xi32, #tpu.memory_space<vmem>> -> memref<128xi32, #tpu.memory_space<vmem>>
    %dma_start3A_4 = arith.constant 0 : i32
    %dma_start3A_5 = arith.constant 0 : i32
    %dma_start3A_6 = tpu.memref_slice %arg2[%dma_start3A_4, %dma_start3A_5] : memref<20480x128xf32, #tpu.memory_space<hbm>> -> memref<20480x128xf32, #tpu.memory_space<hbm>>
    tpu.enqueue_indirect_dma source(%dma_start3A_6 : memref<20480x128xf32, #tpu.memory_space<hbm>>) target(%arg12 : memref<128x128xf32, #tpu.memory_space<vmem>>) offsets(%dma_start3A_3 : memref<128xi32, #tpu.memory_space<vmem>>) semaphore(%arg16 : memref<!tpu.dma_semaphore, #tpu.memory_space<semaphore_mem>>)
    "tpu.region"() ({
      %run_scoped3A = tpu.sem_alloc : memref<!tpu.dma_semaphore, #tpu.memory_space<semaphore_mem>>
      %dma_start3A_21 = arith.constant 0 : i32
      %dma_start3A_22 = tpu.memref_slice %arg7[%mul3A_0, %dma_start3A_21] : memref<10240x128xf32, #tpu.memory_space<vmem_shared>> -> memref<640x128xf32, #tpu.memory_space<vmem_shared>>
      %dma_start3A_23 = arith.constant 0 : i32
      %dma_start3A_24 = tpu.memref_slice %arg5[%mul3A_0, %dma_start3A_23] : memref<10240x128xf32, #tpu.memory_space<hbm>> -> memref<640x128xf32, #tpu.memory_space<hbm>>
      tpu.enqueue_dma source(%dma_start3A_24 : memref<640x128xf32, #tpu.memory_space<hbm>>) target(%dma_start3A_22 : memref<640x128xf32, #tpu.memory_space<vmem_shared>>) target_semaphore(%run_scoped3A : memref<!tpu.dma_semaphore, #tpu.memory_space<semaphore_mem>>)
      %dma_wait3A_25 = arith.constant 0 : i32
      %dma_wait3A_26 = tpu.memref_slice %arg7[%mul3A_0, %dma_wait3A_25] : memref<10240x128xf32, #tpu.memory_space<vmem_shared>> -> memref<640x128xf32, #tpu.memory_space<vmem_shared>>
      %dma_wait3A_27 = arith.constant 0 : i32
      %dma_wait3A_28 = tpu.memref_slice %arg5[%mul3A_0, %dma_wait3A_27] : memref<10240x128xf32, #tpu.memory_space<hbm>> -> memref<640x128xf32, #tpu.memory_space<hbm>>
      tpu.wait_dma2 semaphore(%run_scoped3A : memref<!tpu.dma_semaphore, #tpu.memory_space<semaphore_mem>>) src(%dma_wait3A_28 : memref<640x128xf32, #tpu.memory_space<hbm>>) dst(%dma_wait3A_26 : memref<640x128xf32, #tpu.memory_space<vmem_shared>>)
      tpu.yield
    }) : () -> ()
    %barrier3A = arith.constant 0 : index
    tpu.barrier barrier_id(%barrier3A)
    %scan3A = arith.constant 0 : i32
    %scan3A_7 = arith.constant 0 : i32
    %scan3A_8 = arith.constant 10 : i32
    %scan3A_9 = arith.addi %scan3A_7, %scan3A_8 : i32
    %scan3A_10 = arith.constant 1 : i32
    scf.for %scan3A_21 = %scan3A_7 to %scan3A_9 step %scan3A_10  : i32 {
      %dma_wait3A_22 = arith.constant 0 : i32
      %dma_wait3A_23 = arith.constant 0 : i32
      %dma_wait3A_24 = tpu.memref_slice %arg8[%dma_wait3A_22, %dma_wait3A_23] : memref<8x128xi32, #tpu.memory_space<vmem>> -> memref<1x128xi32, #tpu.memory_space<vmem>>
      %dma_wait3A_25 = tpu.memref_squeeze %dma_wait3A_24 : memref<1x128xi32, #tpu.memory_space<vmem>> -> memref<128xi32, #tpu.memory_space<vmem>>
      %dma_wait3A_26 = arith.constant 0 : i32
      %dma_wait3A_27 = arith.constant 0 : i32
      %dma_wait3A_28 = tpu.memref_slice %arg2[%dma_wait3A_26, %dma_wait3A_27] : memref<20480x128xf32, #tpu.memory_space<hbm>> -> memref<20480x128xf32, #tpu.memory_space<hbm>>
      tpu.wait_indirect_dma semaphore(%arg16 : memref<!tpu.dma_semaphore, #tpu.memory_space<semaphore_mem>>) src(%dma_wait3A_28 : memref<20480x128xf32, #tpu.memory_space<hbm>>) dst(%arg12 : memref<128x128xf32, #tpu.memory_space<vmem>>)
      %dma_start3A_29 = arith.constant 0 : i32
      %dma_start3A_30 = arith.constant 0 : i32
      %dma_start3A_31 = tpu.memref_slice %arg10[%dma_start3A_29, %dma_start3A_30] : memref<8x128xi32, #tpu.memory_space<vmem>> -> memref<1x128xi32, #tpu.memory_space<vmem>>
      %dma_start3A_32 = tpu.memref_squeeze %dma_start3A_31 : memref<1x128xi32, #tpu.memory_space<vmem>> -> memref<128xi32, #tpu.memory_space<vmem>>
      %dma_start3A_33 = arith.constant 0 : i32
      %dma_start3A_34 = arith.constant 0 : i32
      %dma_start3A_35 = tpu.memref_slice %arg7[%dma_start3A_33, %dma_start3A_34] : memref<10240x128xf32, #tpu.memory_space<vmem_shared>> -> memref<10240x128xf32, #tpu.memory_space<vmem_shared>>
      tpu.enqueue_indirect_dma source(%arg12 : memref<128x128xf32, #tpu.memory_space<vmem>>) target(%dma_start3A_35 : memref<10240x128xf32, #tpu.memory_space<vmem_shared>>) offsets(%dma_start3A_32 : memref<128xi32, #tpu.memory_space<vmem>>) semaphore(%arg18 : memref<!tpu.dma_semaphore, #tpu.memory_space<semaphore_mem>>) {add = true}
      %gt3A = arith.constant 0 : i32
      %gt3A_36 = arith.cmpi sgt, %scan3A_21, %gt3A : i32
      %convert_element_type3A = arith.extui %gt3A_36 : i1 to i32
      %cond3A = arith.constant 0 : i32
      %cond3A_37 = arith.cmpi ne, %convert_element_type3A, %cond3A : i32
      scf.if %cond3A_37 {
        %dma_wait3A_507 = arith.constant 7 : i32
        %dma_wait3A_508 = arith.constant 0 : i32
        %dma_wait3A_509 = tpu.memref_slice %arg11[%dma_wait3A_507, %dma_wait3A_508] : memref<8x128xi32, #tpu.memory_space<vmem>> -> memref<1x128xi32, #tpu.memory_space<vmem>>
        %dma_wait3A_510 = tpu.memref_squeeze %dma_wait3A_509 : memref<1x128xi32, #tpu.memory_space<vmem>> -> memref<128xi32, #tpu.memory_space<vmem>>
        %dma_wait3A_511 = arith.constant 0 : i32
        %dma_wait3A_512 = arith.constant 0 : i32
        %dma_wait3A_513 = tpu.memref_slice %arg7[%dma_wait3A_511, %dma_wait3A_512] : memref<10240x128xf32, #tpu.memory_space<vmem_shared>> -> memref<10240x128xf32, #tpu.memory_space<vmem_shared>>
        tpu.wait_indirect_dma semaphore(%arg19 : memref<!tpu.dma_semaphore, #tpu.memory_space<semaphore_mem>>) src(%arg13 : memref<128x128xf32, #tpu.memory_space<vmem>>) dst(%dma_wait3A_513 : memref<10240x128xf32, #tpu.memory_space<vmem_shared>>)
      } else {
      }
      %dma_start3A_38 = arith.constant 1 : i32
      %dma_start3A_39 = arith.constant 0 : i32
      %dma_start3A_40 = tpu.memref_slice %arg8[%dma_start3A_38, %dma_start3A_39] : memref<8x128xi32, #tpu.memory_space<vmem>> -> memref<1x128xi32, #tpu.memory_space<vmem>>
      %dma_start3A_41 = tpu.memref_squeeze %dma_start3A_40 : memref<1x128xi32, #tpu.memory_space<vmem>> -> memref<128xi32, #tpu.memory_space<vmem>>
      %dma_start3A_42 = arith.constant 0 : i32
      %dma_start3A_43 = arith.constant 0 : i32
      %dma_start3A_44 = tpu.memref_slice %arg2[%dma_start3A_42, %dma_start3A_43] : memref<20480x128xf32, #tpu.memory_space<hbm>> -> memref<20480x128xf32, #tpu.memory_space<hbm>>
      tpu.enqueue_indirect_dma source(%dma_start3A_44 : memref<20480x128xf32, #tpu.memory_space<hbm>>) target(%arg13 : memref<128x128xf32, #tpu.memory_space<vmem>>) offsets(%dma_start3A_41 : memref<128xi32, #tpu.memory_space<vmem>>) semaphore(%arg17 : memref<!tpu.dma_semaphore, #tpu.memory_space<semaphore_mem>>)
      %dma_wait3A_45 = arith.constant 1 : i32
      %dma_wait3A_46 = arith.constant 0 : i32
      %dma_wait3A_47 = tpu.memref_slice %arg8[%dma_wait3A_45, %dma_wait3A_46] : memref<8x128xi32, #tpu.memory_space<vmem>> -> memref<1x128xi32, #tpu.memory_space<vmem>>
      %dma_wait3A_48 = tpu.memref_squeeze %dma_wait3A_47 : memref<1x128xi32, #tpu.memory_space<vmem>> -> memref<128xi32, #tpu.memory_space<vmem>>
      %dma_wait3A_49 = arith.constant 0 : i32
      %dma_wait3A_50 = arith.constant 0 : i32
      %dma_wait3A_51 = tpu.memref_slice %arg2[%dma_wait3A_49, %dma_wait3A_50] : memref<20480x128xf32, #tpu.memory_space<hbm>> -> memref<20480x128xf32, #tpu.memory_space<hbm>>
      tpu.wait_indirect_dma semaphore(%arg17 : memref<!tpu.dma_semaphore, #tpu.memory_space<semaphore_mem>>) src(%dma_wait3A_51 : memref<20480x128xf32, #tpu.memory_space<hbm>>) dst(%arg13 : memref<128x128xf32, #tpu.memory_space<vmem>>)
      %dma_start3A_52 = arith.constant 1 : i32
      %dma_start3A_53 = arith.constant 0 : i32
      %dma_start3A_54 = tpu.memref_slice %arg10[%dma_start3A_52, %dma_start3A_53] : memref<8x128xi32, #tpu.memory_space<vmem>> -> memref<1x128xi32, #tpu.memory_space<vmem>>
      %dma_start3A_55 = tpu.memref_squeeze %dma_start3A_54 : memref<1x128xi32, #tpu.memory_space<vmem>> -> memref<128xi32, #tpu.memory_space<vmem>>
      %dma_start3A_56 = arith.constant 0 : i32
      %dma_start3A_57 = arith.constant 0 : i32
      %dma_start3A_58 = tpu.memref_slice %arg7[%dma_start3A_56, %dma_start3A_57] : memref<10240x128xf32, #tpu.memory_space<vmem_shared>> -> memref<10240x128xf32, #tpu.memory_space<vmem_shared>>
      tpu.enqueue_indirect_dma source(%arg13 : memref<128x128xf32, #tpu.memory_space<vmem>>) target(%dma_start3A_58 : memref<10240x128xf32, #tpu.memory_space<vmem_shared>>) offsets(%dma_start3A_55 : memref<128xi32, #tpu.memory_space<vmem>>) semaphore(%arg19 : memref<!tpu.dma_semaphore, #tpu.memory_space<semaphore_mem>>) {add = true}
      %mul3A_59 = arith.constant 2 : i32
      %mul3A_60 = arith.muli %mul3A_59, %scan3A_21 : i32
      %add3A_61 = arith.constant 1 : i32
      %add3A_62 = arith.addi %mul3A_60, %add3A_61 : i32
      %mul3A_63 = arith.constant 8 : i32
      %mul3A_64 = arith.muli %add3A_62, %mul3A_63 : i32
      %mul3A_65 = arith.constant 8 : i32
      %mul3A_66 = arith.muli %add3A_62, %mul3A_65 : i32
      %dma_start3A_67 = arith.constant 0 : i32
      %dma_start3A_68 = tpu.memref_slice %arg3[%arg0, %arg1, %mul3A_64, %dma_start3A_67] : memref<2x16x160x128xi32, #tpu.memory_space<hbm>> -> memref<1x1x8x128xi32, #tpu.memory_space<hbm>>
      %dma_start3A_69 = tpu.memref_squeeze %dma_start3A_68 : memref<1x1x8x128xi32, #tpu.memory_space<hbm>> -> memref<8x128xi32, #tpu.memory_space<hbm>>
      %dma_start3A_70 = arith.constant 0 : i32
      %dma_start3A_71 = tpu.memref_slice %arg3[%arg0, %arg1, %mul3A_64, %dma_start3A_70] : memref<2x16x160x128xi32, #tpu.memory_space<hbm>> -> memref<1x1x8x128xi32, #tpu.memory_space<hbm>>
      %dma_start3A_72 = tpu.memref_squeeze %dma_start3A_71 : memref<1x1x8x128xi32, #tpu.memory_space<hbm>> -> memref<8x128xi32, #tpu.memory_space<hbm>>
      tpu.enqueue_dma source(%dma_start3A_72 : memref<8x128xi32, #tpu.memory_space<hbm>>) target(%arg9 : memref<8x128xi32, #tpu.memory_space<vmem>>) target_semaphore(%arg15 : memref<!tpu.dma_semaphore, #tpu.memory_space<semaphore_mem>>)
      %dma_start3A_73 = arith.constant 0 : i32
      %dma_start3A_74 = tpu.memref_slice %arg4[%arg1, %mul3A_66, %dma_start3A_73] : memref<16x160x128xi32, #tpu.memory_space<hbm>> -> memref<1x8x128xi32, #tpu.memory_space<hbm>>
      %dma_start3A_75 = tpu.memref_squeeze %dma_start3A_74 : memref<1x8x128xi32, #tpu.memory_space<hbm>> -> memref<8x128xi32, #tpu.memory_space<hbm>>
      %dma_start3A_76 = arith.constant 0 : i32
      %dma_start3A_77 = tpu.memref_slice %arg4[%arg1, %mul3A_66, %dma_start3A_76] : memref<16x160x128xi32, #tpu.memory_space<hbm>> -> memref<1x8x128xi32, #tpu.memory_space<hbm>>
      %dma_start3A_78 = tpu.memref_squeeze %dma_start3A_77 : memref<1x8x128xi32, #tpu.memory_space<hbm>> -> memref<8x128xi32, #tpu.memory_space<hbm>>
      tpu.enqueue_dma source(%dma_start3A_78 : memref<8x128xi32, #tpu.memory_space<hbm>>) target(%arg11 : memref<8x128xi32, #tpu.memory_space<vmem>>) target_semaphore(%arg15 : memref<!tpu.dma_semaphore, #tpu.memory_space<semaphore_mem>>)
      %dma_wait3A_79 = arith.constant 0 : i32
      %dma_wait3A_80 = arith.constant 0 : i32
      %dma_wait3A_81 = tpu.memref_slice %arg10[%dma_wait3A_79, %dma_wait3A_80] : memref<8x128xi32, #tpu.memory_space<vmem>> -> memref<1x128xi32, #tpu.memory_space<vmem>>
      %dma_wait3A_82 = tpu.memref_squeeze %dma_wait3A_81 : memref<1x128xi32, #tpu.memory_space<vmem>> -> memref<128xi32, #tpu.memory_space<vmem>>
      %dma_wait3A_83 = arith.constant 0 : i32
      %dma_wait3A_84 = arith.constant 0 : i32
      %dma_wait3A_85 = tpu.memref_slice %arg7[%dma_wait3A_83, %dma_wait3A_84] : memref<10240x128xf32, #tpu.memory_space<vmem_shared>> -> memref<10240x128xf32, #tpu.memory_space<vmem_shared>>
      tpu.wait_indirect_dma semaphore(%arg18 : memref<!tpu.dma_semaphore, #tpu.memory_space<semaphore_mem>>) src(%arg12 : memref<128x128xf32, #tpu.memory_space<vmem>>) dst(%dma_wait3A_85 : memref<10240x128xf32, #tpu.memory_space<vmem_shared>>)
      %dma_start3A_86 = arith.constant 2 : i32
      %dma_start3A_87 = arith.constant 0 : i32
      %dma_start3A_88 = tpu.memref_slice %arg8[%dma_start3A_86, %dma_start3A_87] : memref<8x128xi32, #tpu.memory_space<vmem>> -> memref<1x128xi32, #tpu.memory_space<vmem>>
      %dma_start3A_89 = tpu.memref_squeeze %dma_start3A_88 : memref<1x128xi32, #tpu.memory_space<vmem>> -> memref<128xi32, #tpu.memory_space<vmem>>
      %dma_start3A_90 = arith.constant 0 : i32
      %dma_start3A_91 = arith.constant 0 : i32
      %dma_start3A_92 = tpu.memref_slice %arg2[%dma_start3A_90, %dma_start3A_91] : memref<20480x128xf32, #tpu.memory_space<hbm>> -> memref<20480x128xf32, #tpu.memory_space<hbm>>
      tpu.enqueue_indirect_dma source(%dma_start3A_92 : memref<20480x128xf32, #tpu.memory_space<hbm>>) target(%arg12 : memref<128x128xf32, #tpu.memory_space<vmem>>) offsets(%dma_start3A_89 : memref<128xi32, #tpu.memory_space<vmem>>) semaphore(%arg16 : memref<!tpu.dma_semaphore, #tpu.memory_space<semaphore_mem>>)
      %dma_wait3A_93 = arith.constant 2 : i32
      %dma_wait3A_94 = arith.constant 0 : i32
      %dma_wait3A_95 = tpu.memref_slice %arg8[%dma_wait3A_93, %dma_wait3A_94] : memref<8x128xi32, #tpu.memory_space<vmem>> -> memref<1x128xi32, #tpu.memory_space<vmem>>
      %dma_wait3A_96 = tpu.memref_squeeze %dma_wait3A_95 : memref<1x128xi32, #tpu.memory_space<vmem>> -> memref<128xi32, #tpu.memory_space<vmem>>
      %dma_wait3A_97 = arith.constant 0 : i32
      %dma_wait3A_98 = arith.constant 0 : i32
      %dma_wait3A_99 = tpu.memref_slice %arg2[%dma_wait3A_97, %dma_wait3A_98] : memref<20480x128xf32, #tpu.memory_space<hbm>> -> memref<20480x128xf32, #tpu.memory_space<hbm>>
      tpu.wait_indirect_dma semaphore(%arg16 : memref<!tpu.dma_semaphore, #tpu.memory_space<semaphore_mem>>) src(%dma_wait3A_99 : memref<20480x128xf32, #tpu.memory_space<hbm>>) dst(%arg12 : memref<128x128xf32, #tpu.memory_space<vmem>>)
      %dma_start3A_100 = arith.constant 2 : i32
      %dma_start3A_101 = arith.constant 0 : i32
      %dma_start3A_102 = tpu.memref_slice %arg10[%dma_start3A_100, %dma_start3A_101] : memref<8x128xi32, #tpu.memory_space<vmem>> -> memref<1x128xi32, #tpu.memory_space<vmem>>
      %dma_start3A_103 = tpu.memref_squeeze %dma_start3A_102 : memref<1x128xi32, #tpu.memory_space<vmem>> -> memref<128xi32, #tpu.memory_space<vmem>>
      %dma_start3A_104 = arith.constant 0 : i32
      %dma_start3A_105 = arith.constant 0 : i32
      %dma_start3A_106 = tpu.memref_slice %arg7[%dma_start3A_104, %dma_start3A_105] : memref<10240x128xf32, #tpu.memory_space<vmem_shared>> -> memref<10240x128xf32, #tpu.memory_space<vmem_shared>>
      tpu.enqueue_indirect_dma source(%arg12 : memref<128x128xf32, #tpu.memory_space<vmem>>) target(%dma_start3A_106 : memref<10240x128xf32, #tpu.memory_space<vmem_shared>>) offsets(%dma_start3A_103 : memref<128xi32, #tpu.memory_space<vmem>>) semaphore(%arg18 : memref<!tpu.dma_semaphore, #tpu.memory_space<semaphore_mem>>) {add = true}
      %dma_wait3A_107 = arith.constant 1 : i32
      %dma_wait3A_108 = arith.constant 0 : i32
      %dma_wait3A_109 = tpu.memref_slice %arg10[%dma_wait3A_107, %dma_wait3A_108] : memref<8x128xi32, #tpu.memory_space<vmem>> -> memref<1x128xi32, #tpu.memory_space<vmem>>
      %dma_wait3A_110 = tpu.memref_squeeze %dma_wait3A_109 : memref<1x128xi32, #tpu.memory_space<vmem>> -> memref<128xi32, #tpu.memory_space<vmem>>
      %dma_wait3A_111 = arith.constant 0 : i32
      %dma_wait3A_112 = arith.constant 0 : i32
      %dma_wait3A_113 = tpu.memref_slice %arg7[%dma_wait3A_111, %dma_wait3A_112] : memref<10240x128xf32, #tpu.memory_space<vmem_shared>> -> memref<10240x128xf32, #tpu.memory_space<vmem_shared>>
      tpu.wait_indirect_dma semaphore(%arg19 : memref<!tpu.dma_semaphore, #tpu.memory_space<semaphore_mem>>) src(%arg13 : memref<128x128xf32, #tpu.memory_space<vmem>>) dst(%dma_wait3A_113 : memref<10240x128xf32, #tpu.memory_space<vmem_shared>>)
      %dma_start3A_114 = arith.constant 3 : i32
      %dma_start3A_115 = arith.constant 0 : i32
      %dma_start3A_116 = tpu.memref_slice %arg8[%dma_start3A_114, %dma_start3A_115] : memref<8x128xi32, #tpu.memory_space<vmem>> -> memref<1x128xi32, #tpu.memory_space<vmem>>
      %dma_start3A_117 = tpu.memref_squeeze %dma_start3A_116 : memref<1x128xi32, #tpu.memory_space<vmem>> -> memref<128xi32, #tpu.memory_space<vmem>>
      %dma_start3A_118 = arith.constant 0 : i32
      %dma_start3A_119 = arith.constant 0 : i32
      %dma_start3A_120 = tpu.memref_slice %arg2[%dma_start3A_118, %dma_start3A_119] : memref<20480x128xf32, #tpu.memory_space<hbm>> -> memref<20480x128xf32, #tpu.memory_space<hbm>>
      tpu.enqueue_indirect_dma source(%dma_start3A_120 : memref<20480x128xf32, #tpu.memory_space<hbm>>) target(%arg13 : memref<128x128xf32, #tpu.memory_space<vmem>>) offsets(%dma_start3A_117 : memref<128xi32, #tpu.memory_space<vmem>>) semaphore(%arg17 : memref<!tpu.dma_semaphore, #tpu.memory_space<semaphore_mem>>)
      %dma_wait3A_121 = arith.constant 3 : i32
      %dma_wait3A_122 = arith.constant 0 : i32
      %dma_wait3A_123 = tpu.memref_slice %arg8[%dma_wait3A_121, %dma_wait3A_122] : memref<8x128xi32, #tpu.memory_space<vmem>> -> memref<1x128xi32, #tpu.memory_space<vmem>>
      %dma_wait3A_124 = tpu.memref_squeeze %dma_wait3A_123 : memref<1x128xi32, #tpu.memory_space<vmem>> -> memref<128xi32, #tpu.memory_space<vmem>>
      %dma_wait3A_125 = arith.constant 0 : i32
      %dma_wait3A_126 = arith.constant 0 : i32
      %dma_wait3A_127 = tpu.memref_slice %arg2[%dma_wait3A_125, %dma_wait3A_126] : memref<20480x128xf32, #tpu.memory_space<hbm>> -> memref<20480x128xf32, #tpu.memory_space<hbm>>
      tpu.wait_indirect_dma semaphore(%arg17 : memref<!tpu.dma_semaphore, #tpu.memory_space<semaphore_mem>>) src(%dma_wait3A_127 : memref<20480x128xf32, #tpu.memory_space<hbm>>) dst(%arg13 : memref<128x128xf32, #tpu.memory_space<vmem>>)
      %dma_start3A_128 = arith.constant 3 : i32
      %dma_start3A_129 = arith.constant 0 : i32
      %dma_start3A_130 = tpu.memref_slice %arg10[%dma_start3A_128, %dma_start3A_129] : memref<8x128xi32, #tpu.memory_space<vmem>> -> memref<1x128xi32, #tpu.memory_space<vmem>>
      %dma_start3A_131 = tpu.memref_squeeze %dma_start3A_130 : memref<1x128xi32, #tpu.memory_space<vmem>> -> memref<128xi32, #tpu.memory_space<vmem>>
      %dma_start3A_132 = arith.constant 0 : i32
      %dma_start3A_133 = arith.constant 0 : i32
      %dma_start3A_134 = tpu.memref_slice %arg7[%dma_start3A_132, %dma_start3A_133] : memref<10240x128xf32, #tpu.memory_space<vmem_shared>> -> memref<10240x128xf32, #tpu.memory_space<vmem_shared>>
      tpu.enqueue_indirect_dma source(%arg13 : memref<128x128xf32, #tpu.memory_space<vmem>>) target(%dma_start3A_134 : memref<10240x128xf32, #tpu.memory_space<vmem_shared>>) offsets(%dma_start3A_131 : memref<128xi32, #tpu.memory_space<vmem>>) semaphore(%arg19 : memref<!tpu.dma_semaphore, #tpu.memory_space<semaphore_mem>>) {add = true}
      %dma_wait3A_135 = arith.constant 2 : i32
      %dma_wait3A_136 = arith.constant 0 : i32
      %dma_wait3A_137 = tpu.memref_slice %arg10[%dma_wait3A_135, %dma_wait3A_136] : memref<8x128xi32, #tpu.memory_space<vmem>> -> memref<1x128xi32, #tpu.memory_space<vmem>>
      %dma_wait3A_138 = tpu.memref_squeeze %dma_wait3A_137 : memref<1x128xi32, #tpu.memory_space<vmem>> -> memref<128xi32, #tpu.memory_space<vmem>>
      %dma_wait3A_139 = arith.constant 0 : i32
      %dma_wait3A_140 = arith.constant 0 : i32
      %dma_wait3A_141 = tpu.memref_slice %arg7[%dma_wait3A_139, %dma_wait3A_140] : memref<10240x128xf32, #tpu.memory_space<vmem_shared>> -> memref<10240x128xf32, #tpu.memory_space<vmem_shared>>
      tpu.wait_indirect_dma semaphore(%arg18 : memref<!tpu.dma_semaphore, #tpu.memory_space<semaphore_mem>>) src(%arg12 : memref<128x128xf32, #tpu.memory_space<vmem>>) dst(%dma_wait3A_141 : memref<10240x128xf32, #tpu.memory_space<vmem_shared>>)
      %dma_start3A_142 = arith.constant 4 : i32
      %dma_start3A_143 = arith.constant 0 : i32
      %dma_start3A_144 = tpu.memref_slice %arg8[%dma_start3A_142, %dma_start3A_143] : memref<8x128xi32, #tpu.memory_space<vmem>> -> memref<1x128xi32, #tpu.memory_space<vmem>>
      %dma_start3A_145 = tpu.memref_squeeze %dma_start3A_144 : memref<1x128xi32, #tpu.memory_space<vmem>> -> memref<128xi32, #tpu.memory_space<vmem>>
      %dma_start3A_146 = arith.constant 0 : i32
      %dma_start3A_147 = arith.constant 0 : i32
      %dma_start3A_148 = tpu.memref_slice %arg2[%dma_start3A_146, %dma_start3A_147] : memref<20480x128xf32, #tpu.memory_space<hbm>> -> memref<20480x128xf32, #tpu.memory_space<hbm>>
      tpu.enqueue_indirect_dma source(%dma_start3A_148 : memref<20480x128xf32, #tpu.memory_space<hbm>>) target(%arg12 : memref<128x128xf32, #tpu.memory_space<vmem>>) offsets(%dma_start3A_145 : memref<128xi32, #tpu.memory_space<vmem>>) semaphore(%arg16 : memref<!tpu.dma_semaphore, #tpu.memory_space<semaphore_mem>>)
      %dma_wait3A_149 = arith.constant 4 : i32
      %dma_wait3A_150 = arith.constant 0 : i32
      %dma_wait3A_151 = tpu.memref_slice %arg8[%dma_wait3A_149, %dma_wait3A_150] : memref<8x128xi32, #tpu.memory_space<vmem>> -> memref<1x128xi32, #tpu.memory_space<vmem>>
      %dma_wait3A_152 = tpu.memref_squeeze %dma_wait3A_151 : memref<1x128xi32, #tpu.memory_space<vmem>> -> memref<128xi32, #tpu.memory_space<vmem>>
      %dma_wait3A_153 = arith.constant 0 : i32
      %dma_wait3A_154 = arith.constant 0 : i32
      %dma_wait3A_155 = tpu.memref_slice %arg2[%dma_wait3A_153, %dma_wait3A_154] : memref<20480x128xf32, #tpu.memory_space<hbm>> -> memref<20480x128xf32, #tpu.memory_space<hbm>>
      tpu.wait_indirect_dma semaphore(%arg16 : memref<!tpu.dma_semaphore, #tpu.memory_space<semaphore_mem>>) src(%dma_wait3A_155 : memref<20480x128xf32, #tpu.memory_space<hbm>>) dst(%arg12 : memref<128x128xf32, #tpu.memory_space<vmem>>)
      %dma_start3A_156 = arith.constant 4 : i32
      %dma_start3A_157 = arith.constant 0 : i32
      %dma_start3A_158 = tpu.memref_slice %arg10[%dma_start3A_156, %dma_start3A_157] : memref<8x128xi32, #tpu.memory_space<vmem>> -> memref<1x128xi32, #tpu.memory_space<vmem>>
      %dma_start3A_159 = tpu.memref_squeeze %dma_start3A_158 : memref<1x128xi32, #tpu.memory_space<vmem>> -> memref<128xi32, #tpu.memory_space<vmem>>
      %dma_start3A_160 = arith.constant 0 : i32
      %dma_start3A_161 = arith.constant 0 : i32
      %dma_start3A_162 = tpu.memref_slice %arg7[%dma_start3A_160, %dma_start3A_161] : memref<10240x128xf32, #tpu.memory_space<vmem_shared>> -> memref<10240x128xf32, #tpu.memory_space<vmem_shared>>
      tpu.enqueue_indirect_dma source(%arg12 : memref<128x128xf32, #tpu.memory_space<vmem>>) target(%dma_start3A_162 : memref<10240x128xf32, #tpu.memory_space<vmem_shared>>) offsets(%dma_start3A_159 : memref<128xi32, #tpu.memory_space<vmem>>) semaphore(%arg18 : memref<!tpu.dma_semaphore, #tpu.memory_space<semaphore_mem>>) {add = true}
      %dma_wait3A_163 = arith.constant 3 : i32
      %dma_wait3A_164 = arith.constant 0 : i32
      %dma_wait3A_165 = tpu.memref_slice %arg10[%dma_wait3A_163, %dma_wait3A_164] : memref<8x128xi32, #tpu.memory_space<vmem>> -> memref<1x128xi32, #tpu.memory_space<vmem>>
      %dma_wait3A_166 = tpu.memref_squeeze %dma_wait3A_165 : memref<1x128xi32, #tpu.memory_space<vmem>> -> memref<128xi32, #tpu.memory_space<vmem>>
      %dma_wait3A_167 = arith.constant 0 : i32
      %dma_wait3A_168 = arith.constant 0 : i32
      %dma_wait3A_169 = tpu.memref_slice %arg7[%dma_wait3A_167, %dma_wait3A_168] : memref<10240x128xf32, #tpu.memory_space<vmem_shared>> -> memref<10240x128xf32, #tpu.memory_space<vmem_shared>>
      tpu.wait_indirect_dma semaphore(%arg19 : memref<!tpu.dma_semaphore, #tpu.memory_space<semaphore_mem>>) src(%arg13 : memref<128x128xf32, #tpu.memory_space<vmem>>) dst(%dma_wait3A_169 : memref<10240x128xf32, #tpu.memory_space<vmem_shared>>)
      %dma_start3A_170 = arith.constant 5 : i32
      %dma_start3A_171 = arith.constant 0 : i32
      %dma_start3A_172 = tpu.memref_slice %arg8[%dma_start3A_170, %dma_start3A_171] : memref<8x128xi32, #tpu.memory_space<vmem>> -> memref<1x128xi32, #tpu.memory_space<vmem>>
      %dma_start3A_173 = tpu.memref_squeeze %dma_start3A_172 : memref<1x128xi32, #tpu.memory_space<vmem>> -> memref<128xi32, #tpu.memory_space<vmem>>
      %dma_start3A_174 = arith.constant 0 : i32
      %dma_start3A_175 = arith.constant 0 : i32
      %dma_start3A_176 = tpu.memref_slice %arg2[%dma_start3A_174, %dma_start3A_175] : memref<20480x128xf32, #tpu.memory_space<hbm>> -> memref<20480x128xf32, #tpu.memory_space<hbm>>
      tpu.enqueue_indirect_dma source(%dma_start3A_176 : memref<20480x128xf32, #tpu.memory_space<hbm>>) target(%arg13 : memref<128x128xf32, #tpu.memory_space<vmem>>) offsets(%dma_start3A_173 : memref<128xi32, #tpu.memory_space<vmem>>) semaphore(%arg17 : memref<!tpu.dma_semaphore, #tpu.memory_space<semaphore_mem>>)
      %dma_wait3A_177 = arith.constant 5 : i32
      %dma_wait3A_178 = arith.constant 0 : i32
      %dma_wait3A_179 = tpu.memref_slice %arg8[%dma_wait3A_177, %dma_wait3A_178] : memref<8x128xi32, #tpu.memory_space<vmem>> -> memref<1x128xi32, #tpu.memory_space<vmem>>
      %dma_wait3A_180 = tpu.memref_squeeze %dma_wait3A_179 : memref<1x128xi32, #tpu.memory_space<vmem>> -> memref<128xi32, #tpu.memory_space<vmem>>
      %dma_wait3A_181 = arith.constant 0 : i32
      %dma_wait3A_182 = arith.constant 0 : i32
      %dma_wait3A_183 = tpu.memref_slice %arg2[%dma_wait3A_181, %dma_wait3A_182] : memref<20480x128xf32, #tpu.memory_space<hbm>> -> memref<20480x128xf32, #tpu.memory_space<hbm>>
      tpu.wait_indirect_dma semaphore(%arg17 : memref<!tpu.dma_semaphore, #tpu.memory_space<semaphore_mem>>) src(%dma_wait3A_183 : memref<20480x128xf32, #tpu.memory_space<hbm>>) dst(%arg13 : memref<128x128xf32, #tpu.memory_space<vmem>>)
      %dma_start3A_184 = arith.constant 5 : i32
      %dma_start3A_185 = arith.constant 0 : i32
      %dma_start3A_186 = tpu.memref_slice %arg10[%dma_start3A_184, %dma_start3A_185] : memref<8x128xi32, #tpu.memory_space<vmem>> -> memref<1x128xi32, #tpu.memory_space<vmem>>
      %dma_start3A_187 = tpu.memref_squeeze %dma_start3A_186 : memref<1x128xi32, #tpu.memory_space<vmem>> -> memref<128xi32, #tpu.memory_space<vmem>>
      %dma_start3A_188 = arith.constant 0 : i32
      %dma_start3A_189 = arith.constant 0 : i32
      %dma_start3A_190 = tpu.memref_slice %arg7[%dma_start3A_188, %dma_start3A_189] : memref<10240x128xf32, #tpu.memory_space<vmem_shared>> -> memref<10240x128xf32, #tpu.memory_space<vmem_shared>>
      tpu.enqueue_indirect_dma source(%arg13 : memref<128x128xf32, #tpu.memory_space<vmem>>) target(%dma_start3A_190 : memref<10240x128xf32, #tpu.memory_space<vmem_shared>>) offsets(%dma_start3A_187 : memref<128xi32, #tpu.memory_space<vmem>>) semaphore(%arg19 : memref<!tpu.dma_semaphore, #tpu.memory_space<semaphore_mem>>) {add = true}
      %dma_wait3A_191 = arith.constant 4 : i32
      %dma_wait3A_192 = arith.constant 0 : i32
      %dma_wait3A_193 = tpu.memref_slice %arg10[%dma_wait3A_191, %dma_wait3A_192] : memref<8x128xi32, #tpu.memory_space<vmem>> -> memref<1x128xi32, #tpu.memory_space<vmem>>
      %dma_wait3A_194 = tpu.memref_squeeze %dma_wait3A_193 : memref<1x128xi32, #tpu.memory_space<vmem>> -> memref<128xi32, #tpu.memory_space<vmem>>
      %dma_wait3A_195 = arith.constant 0 : i32
      %dma_wait3A_196 = arith.constant 0 : i32
      %dma_wait3A_197 = tpu.memref_slice %arg7[%dma_wait3A_195, %dma_wait3A_196] : memref<10240x128xf32, #tpu.memory_space<vmem_shared>> -> memref<10240x128xf32, #tpu.memory_space<vmem_shared>>
      tpu.wait_indirect_dma semaphore(%arg18 : memref<!tpu.dma_semaphore, #tpu.memory_space<semaphore_mem>>) src(%arg12 : memref<128x128xf32, #tpu.memory_space<vmem>>) dst(%dma_wait3A_197 : memref<10240x128xf32, #tpu.memory_space<vmem_shared>>)
      %dma_start3A_198 = arith.constant 6 : i32
      %dma_start3A_199 = arith.constant 0 : i32
      %dma_start3A_200 = tpu.memref_slice %arg8[%dma_start3A_198, %dma_start3A_199] : memref<8x128xi32, #tpu.memory_space<vmem>> -> memref<1x128xi32, #tpu.memory_space<vmem>>
      %dma_start3A_201 = tpu.memref_squeeze %dma_start3A_200 : memref<1x128xi32, #tpu.memory_space<vmem>> -> memref<128xi32, #tpu.memory_space<vmem>>
      %dma_start3A_202 = arith.constant 0 : i32
      %dma_start3A_203 = arith.constant 0 : i32
      %dma_start3A_204 = tpu.memref_slice %arg2[%dma_start3A_202, %dma_start3A_203] : memref<20480x128xf32, #tpu.memory_space<hbm>> -> memref<20480x128xf32, #tpu.memory_space<hbm>>
      tpu.enqueue_indirect_dma source(%dma_start3A_204 : memref<20480x128xf32, #tpu.memory_space<hbm>>) target(%arg12 : memref<128x128xf32, #tpu.memory_space<vmem>>) offsets(%dma_start3A_201 : memref<128xi32, #tpu.memory_space<vmem>>) semaphore(%arg16 : memref<!tpu.dma_semaphore, #tpu.memory_space<semaphore_mem>>)
      %dma_wait3A_205 = arith.constant 6 : i32
      %dma_wait3A_206 = arith.constant 0 : i32
      %dma_wait3A_207 = tpu.memref_slice %arg8[%dma_wait3A_205, %dma_wait3A_206] : memref<8x128xi32, #tpu.memory_space<vmem>> -> memref<1x128xi32, #tpu.memory_space<vmem>>
      %dma_wait3A_208 = tpu.memref_squeeze %dma_wait3A_207 : memref<1x128xi32, #tpu.memory_space<vmem>> -> memref<128xi32, #tpu.memory_space<vmem>>
      %dma_wait3A_209 = arith.constant 0 : i32
      %dma_wait3A_210 = arith.constant 0 : i32
      %dma_wait3A_211 = tpu.memref_slice %arg2[%dma_wait3A_209, %dma_wait3A_210] : memref<20480x128xf32, #tpu.memory_space<hbm>> -> memref<20480x128xf32, #tpu.memory_space<hbm>>
      tpu.wait_indirect_dma semaphore(%arg16 : memref<!tpu.dma_semaphore, #tpu.memory_space<semaphore_mem>>) src(%dma_wait3A_211 : memref<20480x128xf32, #tpu.memory_space<hbm>>) dst(%arg12 : memref<128x128xf32, #tpu.memory_space<vmem>>)
      %dma_start3A_212 = arith.constant 6 : i32
      %dma_start3A_213 = arith.constant 0 : i32
      %dma_start3A_214 = tpu.memref_slice %arg10[%dma_start3A_212, %dma_start3A_213] : memref<8x128xi32, #tpu.memory_space<vmem>> -> memref<1x128xi32, #tpu.memory_space<vmem>>
      %dma_start3A_215 = tpu.memref_squeeze %dma_start3A_214 : memref<1x128xi32, #tpu.memory_space<vmem>> -> memref<128xi32, #tpu.memory_space<vmem>>
      %dma_start3A_216 = arith.constant 0 : i32
      %dma_start3A_217 = arith.constant 0 : i32
      %dma_start3A_218 = tpu.memref_slice %arg7[%dma_start3A_216, %dma_start3A_217] : memref<10240x128xf32, #tpu.memory_space<vmem_shared>> -> memref<10240x128xf32, #tpu.memory_space<vmem_shared>>
      tpu.enqueue_indirect_dma source(%arg12 : memref<128x128xf32, #tpu.memory_space<vmem>>) target(%dma_start3A_218 : memref<10240x128xf32, #tpu.memory_space<vmem_shared>>) offsets(%dma_start3A_215 : memref<128xi32, #tpu.memory_space<vmem>>) semaphore(%arg18 : memref<!tpu.dma_semaphore, #tpu.memory_space<semaphore_mem>>) {add = true}
      %dma_wait3A_219 = arith.constant 5 : i32
      %dma_wait3A_220 = arith.constant 0 : i32
      %dma_wait3A_221 = tpu.memref_slice %arg10[%dma_wait3A_219, %dma_wait3A_220] : memref<8x128xi32, #tpu.memory_space<vmem>> -> memref<1x128xi32, #tpu.memory_space<vmem>>
      %dma_wait3A_222 = tpu.memref_squeeze %dma_wait3A_221 : memref<1x128xi32, #tpu.memory_space<vmem>> -> memref<128xi32, #tpu.memory_space<vmem>>
      %dma_wait3A_223 = arith.constant 0 : i32
      %dma_wait3A_224 = arith.constant 0 : i32
      %dma_wait3A_225 = tpu.memref_slice %arg7[%dma_wait3A_223, %dma_wait3A_224] : memref<10240x128xf32, #tpu.memory_space<vmem_shared>> -> memref<10240x128xf32, #tpu.memory_space<vmem_shared>>
      tpu.wait_indirect_dma semaphore(%arg19 : memref<!tpu.dma_semaphore, #tpu.memory_space<semaphore_mem>>) src(%arg13 : memref<128x128xf32, #tpu.memory_space<vmem>>) dst(%dma_wait3A_225 : memref<10240x128xf32, #tpu.memory_space<vmem_shared>>)
      %dma_start3A_226 = arith.constant 7 : i32
      %dma_start3A_227 = arith.constant 0 : i32
      %dma_start3A_228 = tpu.memref_slice %arg8[%dma_start3A_226, %dma_start3A_227] : memref<8x128xi32, #tpu.memory_space<vmem>> -> memref<1x128xi32, #tpu.memory_space<vmem>>
      %dma_start3A_229 = tpu.memref_squeeze %dma_start3A_228 : memref<1x128xi32, #tpu.memory_space<vmem>> -> memref<128xi32, #tpu.memory_space<vmem>>
      %dma_start3A_230 = arith.constant 0 : i32
      %dma_start3A_231 = arith.constant 0 : i32
      %dma_start3A_232 = tpu.memref_slice %arg2[%dma_start3A_230, %dma_start3A_231] : memref<20480x128xf32, #tpu.memory_space<hbm>> -> memref<20480x128xf32, #tpu.memory_space<hbm>>
      tpu.enqueue_indirect_dma source(%dma_start3A_232 : memref<20480x128xf32, #tpu.memory_space<hbm>>) target(%arg13 : memref<128x128xf32, #tpu.memory_space<vmem>>) offsets(%dma_start3A_229 : memref<128xi32, #tpu.memory_space<vmem>>) semaphore(%arg17 : memref<!tpu.dma_semaphore, #tpu.memory_space<semaphore_mem>>)
      %dma_wait3A_233 = arith.constant 7 : i32
      %dma_wait3A_234 = arith.constant 0 : i32
      %dma_wait3A_235 = tpu.memref_slice %arg8[%dma_wait3A_233, %dma_wait3A_234] : memref<8x128xi32, #tpu.memory_space<vmem>> -> memref<1x128xi32, #tpu.memory_space<vmem>>
      %dma_wait3A_236 = tpu.memref_squeeze %dma_wait3A_235 : memref<1x128xi32, #tpu.memory_space<vmem>> -> memref<128xi32, #tpu.memory_space<vmem>>
      %dma_wait3A_237 = arith.constant 0 : i32
      %dma_wait3A_238 = arith.constant 0 : i32
      %dma_wait3A_239 = tpu.memref_slice %arg2[%dma_wait3A_237, %dma_wait3A_238] : memref<20480x128xf32, #tpu.memory_space<hbm>> -> memref<20480x128xf32, #tpu.memory_space<hbm>>
      tpu.wait_indirect_dma semaphore(%arg17 : memref<!tpu.dma_semaphore, #tpu.memory_space<semaphore_mem>>) src(%dma_wait3A_239 : memref<20480x128xf32, #tpu.memory_space<hbm>>) dst(%arg13 : memref<128x128xf32, #tpu.memory_space<vmem>>)
      %dma_start3A_240 = arith.constant 7 : i32
      %dma_start3A_241 = arith.constant 0 : i32
      %dma_start3A_242 = tpu.memref_slice %arg10[%dma_start3A_240, %dma_start3A_241] : memref<8x128xi32, #tpu.memory_space<vmem>> -> memref<1x128xi32, #tpu.memory_space<vmem>>
      %dma_start3A_243 = tpu.memref_squeeze %dma_start3A_242 : memref<1x128xi32, #tpu.memory_space<vmem>> -> memref<128xi32, #tpu.memory_space<vmem>>
      %dma_start3A_244 = arith.constant 0 : i32
      %dma_start3A_245 = arith.constant 0 : i32
      %dma_start3A_246 = tpu.memref_slice %arg7[%dma_start3A_244, %dma_start3A_245] : memref<10240x128xf32, #tpu.memory_space<vmem_shared>> -> memref<10240x128xf32, #tpu.memory_space<vmem_shared>>
      tpu.enqueue_indirect_dma source(%arg13 : memref<128x128xf32, #tpu.memory_space<vmem>>) target(%dma_start3A_246 : memref<10240x128xf32, #tpu.memory_space<vmem_shared>>) offsets(%dma_start3A_243 : memref<128xi32, #tpu.memory_space<vmem>>) semaphore(%arg19 : memref<!tpu.dma_semaphore, #tpu.memory_space<semaphore_mem>>) {add = true}
      %dma_wait3A_247 = arith.constant 6 : i32
      %dma_wait3A_248 = arith.constant 0 : i32
      %dma_wait3A_249 = tpu.memref_slice %arg10[%dma_wait3A_247, %dma_wait3A_248] : memref<8x128xi32, #tpu.memory_space<vmem>> -> memref<1x128xi32, #tpu.memory_space<vmem>>
      %dma_wait3A_250 = tpu.memref_squeeze %dma_wait3A_249 : memref<1x128xi32, #tpu.memory_space<vmem>> -> memref<128xi32, #tpu.memory_space<vmem>>
      %dma_wait3A_251 = arith.constant 0 : i32
      %dma_wait3A_252 = arith.constant 0 : i32
      %dma_wait3A_253 = tpu.memref_slice %arg7[%dma_wait3A_251, %dma_wait3A_252] : memref<10240x128xf32, #tpu.memory_space<vmem_shared>> -> memref<10240x128xf32, #tpu.memory_space<vmem_shared>>
      tpu.wait_indirect_dma semaphore(%arg18 : memref<!tpu.dma_semaphore, #tpu.memory_space<semaphore_mem>>) src(%arg12 : memref<128x128xf32, #tpu.memory_space<vmem>>) dst(%dma_wait3A_253 : memref<10240x128xf32, #tpu.memory_space<vmem_shared>>)
      %mul3A_254 = arith.constant 2 : i32
      %mul3A_255 = arith.muli %mul3A_254, %scan3A_21 : i32
      %add3A_256 = arith.constant 1 : i32
      %add3A_257 = arith.addi %mul3A_255, %add3A_256 : i32
      %mul3A_258 = arith.constant 8 : i32
      %mul3A_259 = arith.muli %add3A_257, %mul3A_258 : i32
      %mul3A_260 = arith.constant 8 : i32
      %mul3A_261 = arith.muli %add3A_257, %mul3A_260 : i32
      %dma_wait3A_262 = arith.constant 0 : i32
      %dma_wait3A_263 = tpu.memref_slice %arg3[%arg0, %arg1, %mul3A_259, %dma_wait3A_262] : memref<2x16x160x128xi32, #tpu.memory_space<hbm>> -> memref<1x1x8x128xi32, #tpu.memory_space<hbm>>
      %dma_wait3A_264 = tpu.memref_squeeze %dma_wait3A_263 : memref<1x1x8x128xi32, #tpu.memory_space<hbm>> -> memref<8x128xi32, #tpu.memory_space<hbm>>
      %dma_wait3A_265 = arith.constant 0 : i32
      %dma_wait3A_266 = tpu.memref_slice %arg3[%arg0, %arg1, %mul3A_259, %dma_wait3A_265] : memref<2x16x160x128xi32, #tpu.memory_space<hbm>> -> memref<1x1x8x128xi32, #tpu.memory_space<hbm>>
      %dma_wait3A_267 = tpu.memref_squeeze %dma_wait3A_266 : memref<1x1x8x128xi32, #tpu.memory_space<hbm>> -> memref<8x128xi32, #tpu.memory_space<hbm>>
      tpu.wait_dma2 semaphore(%arg15 : memref<!tpu.dma_semaphore, #tpu.memory_space<semaphore_mem>>) src(%dma_wait3A_267 : memref<8x128xi32, #tpu.memory_space<hbm>>) dst(%arg9 : memref<8x128xi32, #tpu.memory_space<vmem>>)
      %dma_wait3A_268 = arith.constant 0 : i32
      %dma_wait3A_269 = tpu.memref_slice %arg4[%arg1, %mul3A_261, %dma_wait3A_268] : memref<16x160x128xi32, #tpu.memory_space<hbm>> -> memref<1x8x128xi32, #tpu.memory_space<hbm>>
      %dma_wait3A_270 = tpu.memref_squeeze %dma_wait3A_269 : memref<1x8x128xi32, #tpu.memory_space<hbm>> -> memref<8x128xi32, #tpu.memory_space<hbm>>
      %dma_wait3A_271 = arith.constant 0 : i32
      %dma_wait3A_272 = tpu.memref_slice %arg4[%arg1, %mul3A_261, %dma_wait3A_271] : memref<16x160x128xi32, #tpu.memory_space<hbm>> -> memref<1x8x128xi32, #tpu.memory_space<hbm>>
      %dma_wait3A_273 = tpu.memref_squeeze %dma_wait3A_272 : memref<1x8x128xi32, #tpu.memory_space<hbm>> -> memref<8x128xi32, #tpu.memory_space<hbm>>
      tpu.wait_dma2 semaphore(%arg15 : memref<!tpu.dma_semaphore, #tpu.memory_space<semaphore_mem>>) src(%dma_wait3A_273 : memref<8x128xi32, #tpu.memory_space<hbm>>) dst(%arg11 : memref<8x128xi32, #tpu.memory_space<vmem>>)
      %dma_start3A_274 = arith.constant 0 : i32
      %dma_start3A_275 = arith.constant 0 : i32
      %dma_start3A_276 = tpu.memref_slice %arg9[%dma_start3A_274, %dma_start3A_275] : memref<8x128xi32, #tpu.memory_space<vmem>> -> memref<1x128xi32, #tpu.memory_space<vmem>>
      %dma_start3A_277 = tpu.memref_squeeze %dma_start3A_276 : memref<1x128xi32, #tpu.memory_space<vmem>> -> memref<128xi32, #tpu.memory_space<vmem>>
      %dma_start3A_278 = arith.constant 0 : i32
      %dma_start3A_279 = arith.constant 0 : i32
      %dma_start3A_280 = tpu.memref_slice %arg2[%dma_start3A_278, %dma_start3A_279] : memref<20480x128xf32, #tpu.memory_space<hbm>> -> memref<20480x128xf32, #tpu.memory_space<hbm>>
      tpu.enqueue_indirect_dma source(%dma_start3A_280 : memref<20480x128xf32, #tpu.memory_space<hbm>>) target(%arg12 : memref<128x128xf32, #tpu.memory_space<vmem>>) offsets(%dma_start3A_277 : memref<128xi32, #tpu.memory_space<vmem>>) semaphore(%arg16 : memref<!tpu.dma_semaphore, #tpu.memory_space<semaphore_mem>>)
      %dma_wait3A_281 = arith.constant 0 : i32
      %dma_wait3A_282 = arith.constant 0 : i32
      %dma_wait3A_283 = tpu.memref_slice %arg9[%dma_wait3A_281, %dma_wait3A_282] : memref<8x128xi32, #tpu.memory_space<vmem>> -> memref<1x128xi32, #tpu.memory_space<vmem>>
      %dma_wait3A_284 = tpu.memref_squeeze %dma_wait3A_283 : memref<1x128xi32, #tpu.memory_space<vmem>> -> memref<128xi32, #tpu.memory_space<vmem>>
      %dma_wait3A_285 = arith.constant 0 : i32
      %dma_wait3A_286 = arith.constant 0 : i32
      %dma_wait3A_287 = tpu.memref_slice %arg2[%dma_wait3A_285, %dma_wait3A_286] : memref<20480x128xf32, #tpu.memory_space<hbm>> -> memref<20480x128xf32, #tpu.memory_space<hbm>>
      tpu.wait_indirect_dma semaphore(%arg16 : memref<!tpu.dma_semaphore, #tpu.memory_space<semaphore_mem>>) src(%dma_wait3A_287 : memref<20480x128xf32, #tpu.memory_space<hbm>>) dst(%arg12 : memref<128x128xf32, #tpu.memory_space<vmem>>)
      %dma_start3A_288 = arith.constant 0 : i32
      %dma_start3A_289 = arith.constant 0 : i32
      %dma_start3A_290 = tpu.memref_slice %arg11[%dma_start3A_288, %dma_start3A_289] : memref<8x128xi32, #tpu.memory_space<vmem>> -> memref<1x128xi32, #tpu.memory_space<vmem>>
      %dma_start3A_291 = tpu.memref_squeeze %dma_start3A_290 : memref<1x128xi32, #tpu.memory_space<vmem>> -> memref<128xi32, #tpu.memory_space<vmem>>
      %dma_start3A_292 = arith.constant 0 : i32
      %dma_start3A_293 = arith.constant 0 : i32
      %dma_start3A_294 = tpu.memref_slice %arg7[%dma_start3A_292, %dma_start3A_293] : memref<10240x128xf32, #tpu.memory_space<vmem_shared>> -> memref<10240x128xf32, #tpu.memory_space<vmem_shared>>
      tpu.enqueue_indirect_dma source(%arg12 : memref<128x128xf32, #tpu.memory_space<vmem>>) target(%dma_start3A_294 : memref<10240x128xf32, #tpu.memory_space<vmem_shared>>) offsets(%dma_start3A_291 : memref<128xi32, #tpu.memory_space<vmem>>) semaphore(%arg18 : memref<!tpu.dma_semaphore, #tpu.memory_space<semaphore_mem>>) {add = true}
      %dma_wait3A_295 = arith.constant 7 : i32
      %dma_wait3A_296 = arith.constant 0 : i32
      %dma_wait3A_297 = tpu.memref_slice %arg10[%dma_wait3A_295, %dma_wait3A_296] : memref<8x128xi32, #tpu.memory_space<vmem>> -> memref<1x128xi32, #tpu.memory_space<vmem>>
      %dma_wait3A_298 = tpu.memref_squeeze %dma_wait3A_297 : memref<1x128xi32, #tpu.memory_space<vmem>> -> memref<128xi32, #tpu.memory_space<vmem>>
      %dma_wait3A_299 = arith.constant 0 : i32
      %dma_wait3A_300 = arith.constant 0 : i32
      %dma_wait3A_301 = tpu.memref_slice %arg7[%dma_wait3A_299, %dma_wait3A_300] : memref<10240x128xf32, #tpu.memory_space<vmem_shared>> -> memref<10240x128xf32, #tpu.memory_space<vmem_shared>>
      tpu.wait_indirect_dma semaphore(%arg19 : memref<!tpu.dma_semaphore, #tpu.memory_space<semaphore_mem>>) src(%arg13 : memref<128x128xf32, #tpu.memory_space<vmem>>) dst(%dma_wait3A_301 : memref<10240x128xf32, #tpu.memory_space<vmem_shared>>)
      %dma_start3A_302 = arith.constant 1 : i32
      %dma_start3A_303 = arith.constant 0 : i32
      %dma_start3A_304 = tpu.memref_slice %arg9[%dma_start3A_302, %dma_start3A_303] : memref<8x128xi32, #tpu.memory_space<vmem>> -> memref<1x128xi32, #tpu.memory_space<vmem>>
      %dma_start3A_305 = tpu.memref_squeeze %dma_start3A_304 : memref<1x128xi32, #tpu.memory_space<vmem>> -> memref<128xi32, #tpu.memory_space<vmem>>
      %dma_start3A_306 = arith.constant 0 : i32
      %dma_start3A_307 = arith.constant 0 : i32
      %dma_start3A_308 = tpu.memref_slice %arg2[%dma_start3A_306, %dma_start3A_307] : memref<20480x128xf32, #tpu.memory_space<hbm>> -> memref<20480x128xf32, #tpu.memory_space<hbm>>
      tpu.enqueue_indirect_dma source(%dma_start3A_308 : memref<20480x128xf32, #tpu.memory_space<hbm>>) target(%arg13 : memref<128x128xf32, #tpu.memory_space<vmem>>) offsets(%dma_start3A_305 : memref<128xi32, #tpu.memory_space<vmem>>) semaphore(%arg17 : memref<!tpu.dma_semaphore, #tpu.memory_space<semaphore_mem>>)
      %dma_wait3A_309 = arith.constant 1 : i32
      %dma_wait3A_310 = arith.constant 0 : i32
      %dma_wait3A_311 = tpu.memref_slice %arg9[%dma_wait3A_309, %dma_wait3A_310] : memref<8x128xi32, #tpu.memory_space<vmem>> -> memref<1x128xi32, #tpu.memory_space<vmem>>
      %dma_wait3A_312 = tpu.memref_squeeze %dma_wait3A_311 : memref<1x128xi32, #tpu.memory_space<vmem>> -> memref<128xi32, #tpu.memory_space<vmem>>
      %dma_wait3A_313 = arith.constant 0 : i32
      %dma_wait3A_314 = arith.constant 0 : i32
      %dma_wait3A_315 = tpu.memref_slice %arg2[%dma_wait3A_313, %dma_wait3A_314] : memref<20480x128xf32, #tpu.memory_space<hbm>> -> memref<20480x128xf32, #tpu.memory_space<hbm>>
      tpu.wait_indirect_dma semaphore(%arg17 : memref<!tpu.dma_semaphore, #tpu.memory_space<semaphore_mem>>) src(%dma_wait3A_315 : memref<20480x128xf32, #tpu.memory_space<hbm>>) dst(%arg13 : memref<128x128xf32, #tpu.memory_space<vmem>>)
      %dma_start3A_316 = arith.constant 1 : i32
      %dma_start3A_317 = arith.constant 0 : i32
      %dma_start3A_318 = tpu.memref_slice %arg11[%dma_start3A_316, %dma_start3A_317] : memref<8x128xi32, #tpu.memory_space<vmem>> -> memref<1x128xi32, #tpu.memory_space<vmem>>
      %dma_start3A_319 = tpu.memref_squeeze %dma_start3A_318 : memref<1x128xi32, #tpu.memory_space<vmem>> -> memref<128xi32, #tpu.memory_space<vmem>>
      %dma_start3A_320 = arith.constant 0 : i32
      %dma_start3A_321 = arith.constant 0 : i32
      %dma_start3A_322 = tpu.memref_slice %arg7[%dma_start3A_320, %dma_start3A_321] : memref<10240x128xf32, #tpu.memory_space<vmem_shared>> -> memref<10240x128xf32, #tpu.memory_space<vmem_shared>>
      tpu.enqueue_indirect_dma source(%arg13 : memref<128x128xf32, #tpu.memory_space<vmem>>) target(%dma_start3A_322 : memref<10240x128xf32, #tpu.memory_space<vmem_shared>>) offsets(%dma_start3A_319 : memref<128xi32, #tpu.memory_space<vmem>>) semaphore(%arg19 : memref<!tpu.dma_semaphore, #tpu.memory_space<semaphore_mem>>) {add = true}
      %lt3A = arith.constant 9 : i32
      %lt3A_323 = arith.cmpi slt, %scan3A_21, %lt3A : i32
      %convert_element_type3A_324 = arith.extui %lt3A_323 : i1 to i32
      %cond3A_325 = arith.constant 0 : i32
      %cond3A_326 = arith.cmpi ne, %convert_element_type3A_324, %cond3A_325 : i32
      scf.if %cond3A_326 {
        %mul3A_507 = arith.constant 2 : i32
        %mul3A_508 = arith.muli %mul3A_507, %scan3A_21 : i32
        %add3A_509 = arith.constant 2 : i32
        %add3A_510 = arith.addi %mul3A_508, %add3A_509 : i32
        %mul3A_511 = arith.constant 8 : i32
        %mul3A_512 = arith.muli %add3A_510, %mul3A_511 : i32
        %mul3A_513 = arith.constant 8 : i32
        %mul3A_514 = arith.muli %add3A_510, %mul3A_513 : i32
        %dma_start3A_515 = arith.constant 0 : i32
        %dma_start3A_516 = tpu.memref_slice %arg3[%arg0, %arg1, %mul3A_512, %dma_start3A_515] : memref<2x16x160x128xi32, #tpu.memory_space<hbm>> -> memref<1x1x8x128xi32, #tpu.memory_space<hbm>>
        %dma_start3A_517 = tpu.memref_squeeze %dma_start3A_516 : memref<1x1x8x128xi32, #tpu.memory_space<hbm>> -> memref<8x128xi32, #tpu.memory_space<hbm>>
        %dma_start3A_518 = arith.constant 0 : i32
        %dma_start3A_519 = tpu.memref_slice %arg3[%arg0, %arg1, %mul3A_512, %dma_start3A_518] : memref<2x16x160x128xi32, #tpu.memory_space<hbm>> -> memref<1x1x8x128xi32, #tpu.memory_space<hbm>>
        %dma_start3A_520 = tpu.memref_squeeze %dma_start3A_519 : memref<1x1x8x128xi32, #tpu.memory_space<hbm>> -> memref<8x128xi32, #tpu.memory_space<hbm>>
        tpu.enqueue_dma source(%dma_start3A_520 : memref<8x128xi32, #tpu.memory_space<hbm>>) target(%arg8 : memref<8x128xi32, #tpu.memory_space<vmem>>) target_semaphore(%arg14 : memref<!tpu.dma_semaphore, #tpu.memory_space<semaphore_mem>>)
        %dma_start3A_521 = arith.constant 0 : i32
        %dma_start3A_522 = tpu.memref_slice %arg4[%arg1, %mul3A_514, %dma_start3A_521] : memref<16x160x128xi32, #tpu.memory_space<hbm>> -> memref<1x8x128xi32, #tpu.memory_space<hbm>>
        %dma_start3A_523 = tpu.memref_squeeze %dma_start3A_522 : memref<1x8x128xi32, #tpu.memory_space<hbm>> -> memref<8x128xi32, #tpu.memory_space<hbm>>
        %dma_start3A_524 = arith.constant 0 : i32
        %dma_start3A_525 = tpu.memref_slice %arg4[%arg1, %mul3A_514, %dma_start3A_524] : memref<16x160x128xi32, #tpu.memory_space<hbm>> -> memref<1x8x128xi32, #tpu.memory_space<hbm>>
        %dma_start3A_526 = tpu.memref_squeeze %dma_start3A_525 : memref<1x8x128xi32, #tpu.memory_space<hbm>> -> memref<8x128xi32, #tpu.memory_space<hbm>>
        tpu.enqueue_dma source(%dma_start3A_526 : memref<8x128xi32, #tpu.memory_space<hbm>>) target(%arg10 : memref<8x128xi32, #tpu.memory_space<vmem>>) target_semaphore(%arg14 : memref<!tpu.dma_semaphore, #tpu.memory_space<semaphore_mem>>)
      } else {
      }
      %dma_wait3A_327 = arith.constant 0 : i32
      %dma_wait3A_328 = arith.constant 0 : i32
      %dma_wait3A_329 = tpu.memref_slice %arg11[%dma_wait3A_327, %dma_wait3A_328] : memref<8x128xi32, #tpu.memory_space<vmem>> -> memref<1x128xi32, #tpu.memory_space<vmem>>
      %dma_wait3A_330 = tpu.memref_squeeze %dma_wait3A_329 : memref<1x128xi32, #tpu.memory_space<vmem>> -> memref<128xi32, #tpu.memory_space<vmem>>
      %dma_wait3A_331 = arith.constant 0 : i32
      %dma_wait3A_332 = arith.constant 0 : i32
      %dma_wait3A_333 = tpu.memref_slice %arg7[%dma_wait3A_331, %dma_wait3A_332] : memref<10240x128xf32, #tpu.memory_space<vmem_shared>> -> memref<10240x128xf32, #tpu.memory_space<vmem_shared>>
      tpu.wait_indirect_dma semaphore(%arg18 : memref<!tpu.dma_semaphore, #tpu.memory_space<semaphore_mem>>) src(%arg12 : memref<128x128xf32, #tpu.memory_space<vmem>>) dst(%dma_wait3A_333 : memref<10240x128xf32, #tpu.memory_space<vmem_shared>>)
      %dma_start3A_334 = arith.constant 2 : i32
      %dma_start3A_335 = arith.constant 0 : i32
      %dma_start3A_336 = tpu.memref_slice %arg9[%dma_start3A_334, %dma_start3A_335] : memref<8x128xi32, #tpu.memory_space<vmem>> -> memref<1x128xi32, #tpu.memory_space<vmem>>
      %dma_start3A_337 = tpu.memref_squeeze %dma_start3A_336 : memref<1x128xi32, #tpu.memory_space<vmem>> -> memref<128xi32, #tpu.memory_space<vmem>>
      %dma_start3A_338 = arith.constant 0 : i32
      %dma_start3A_339 = arith.constant 0 : i32
      %dma_start3A_340 = tpu.memref_slice %arg2[%dma_start3A_338, %dma_start3A_339] : memref<20480x128xf32, #tpu.memory_space<hbm>> -> memref<20480x128xf32, #tpu.memory_space<hbm>>
      tpu.enqueue_indirect_dma source(%dma_start3A_340 : memref<20480x128xf32, #tpu.memory_space<hbm>>) target(%arg12 : memref<128x128xf32, #tpu.memory_space<vmem>>) offsets(%dma_start3A_337 : memref<128xi32, #tpu.memory_space<vmem>>) semaphore(%arg16 : memref<!tpu.dma_semaphore, #tpu.memory_space<semaphore_mem>>)
      %dma_wait3A_341 = arith.constant 2 : i32
      %dma_wait3A_342 = arith.constant 0 : i32
      %dma_wait3A_343 = tpu.memref_slice %arg9[%dma_wait3A_341, %dma_wait3A_342] : memref<8x128xi32, #tpu.memory_space<vmem>> -> memref<1x128xi32, #tpu.memory_space<vmem>>
      %dma_wait3A_344 = tpu.memref_squeeze %dma_wait3A_343 : memref<1x128xi32, #tpu.memory_space<vmem>> -> memref<128xi32, #tpu.memory_space<vmem>>
      %dma_wait3A_345 = arith.constant 0 : i32
      %dma_wait3A_346 = arith.constant 0 : i32
      %dma_wait3A_347 = tpu.memref_slice %arg2[%dma_wait3A_345, %dma_wait3A_346] : memref<20480x128xf32, #tpu.memory_space<hbm>> -> memref<20480x128xf32, #tpu.memory_space<hbm>>
      tpu.wait_indirect_dma semaphore(%arg16 : memref<!tpu.dma_semaphore, #tpu.memory_space<semaphore_mem>>) src(%dma_wait3A_347 : memref<20480x128xf32, #tpu.memory_space<hbm>>) dst(%arg12 : memref<128x128xf32, #tpu.memory_space<vmem>>)
      %dma_start3A_348 = arith.constant 2 : i32
      %dma_start3A_349 = arith.constant 0 : i32
      %dma_start3A_350 = tpu.memref_slice %arg11[%dma_start3A_348, %dma_start3A_349] : memref<8x128xi32, #tpu.memory_space<vmem>> -> memref<1x128xi32, #tpu.memory_space<vmem>>
      %dma_start3A_351 = tpu.memref_squeeze %dma_start3A_350 : memref<1x128xi32, #tpu.memory_space<vmem>> -> memref<128xi32, #tpu.memory_space<vmem>>
      %dma_start3A_352 = arith.constant 0 : i32
      %dma_start3A_353 = arith.constant 0 : i32
      %dma_start3A_354 = tpu.memref_slice %arg7[%dma_start3A_352, %dma_start3A_353] : memref<10240x128xf32, #tpu.memory_space<vmem_shared>> -> memref<10240x128xf32, #tpu.memory_space<vmem_shared>>
      tpu.enqueue_indirect_dma source(%arg12 : memref<128x128xf32, #tpu.memory_space<vmem>>) target(%dma_start3A_354 : memref<10240x128xf32, #tpu.memory_space<vmem_shared>>) offsets(%dma_start3A_351 : memref<128xi32, #tpu.memory_space<vmem>>) semaphore(%arg18 : memref<!tpu.dma_semaphore, #tpu.memory_space<semaphore_mem>>) {add = true}
      %dma_wait3A_355 = arith.constant 1 : i32
      %dma_wait3A_356 = arith.constant 0 : i32
      %dma_wait3A_357 = tpu.memref_slice %arg11[%dma_wait3A_355, %dma_wait3A_356] : memref<8x128xi32, #tpu.memory_space<vmem>> -> memref<1x128xi32, #tpu.memory_space<vmem>>
      %dma_wait3A_358 = tpu.memref_squeeze %dma_wait3A_357 : memref<1x128xi32, #tpu.memory_space<vmem>> -> memref<128xi32, #tpu.memory_space<vmem>>
      %dma_wait3A_359 = arith.constant 0 : i32
      %dma_wait3A_360 = arith.constant 0 : i32
      %dma_wait3A_361 = tpu.memref_slice %arg7[%dma_wait3A_359, %dma_wait3A_360] : memref<10240x128xf32, #tpu.memory_space<vmem_shared>> -> memref<10240x128xf32, #tpu.memory_space<vmem_shared>>
      tpu.wait_indirect_dma semaphore(%arg19 : memref<!tpu.dma_semaphore, #tpu.memory_space<semaphore_mem>>) src(%arg13 : memref<128x128xf32, #tpu.memory_space<vmem>>) dst(%dma_wait3A_361 : memref<10240x128xf32, #tpu.memory_space<vmem_shared>>)
      %dma_start3A_362 = arith.constant 3 : i32
      %dma_start3A_363 = arith.constant 0 : i32
      %dma_start3A_364 = tpu.memref_slice %arg9[%dma_start3A_362, %dma_start3A_363] : memref<8x128xi32, #tpu.memory_space<vmem>> -> memref<1x128xi32, #tpu.memory_space<vmem>>
      %dma_start3A_365 = tpu.memref_squeeze %dma_start3A_364 : memref<1x128xi32, #tpu.memory_space<vmem>> -> memref<128xi32, #tpu.memory_space<vmem>>
      %dma_start3A_366 = arith.constant 0 : i32
      %dma_start3A_367 = arith.constant 0 : i32
      %dma_start3A_368 = tpu.memref_slice %arg2[%dma_start3A_366, %dma_start3A_367] : memref<20480x128xf32, #tpu.memory_space<hbm>> -> memref<20480x128xf32, #tpu.memory_space<hbm>>
      tpu.enqueue_indirect_dma source(%dma_start3A_368 : memref<20480x128xf32, #tpu.memory_space<hbm>>) target(%arg13 : memref<128x128xf32, #tpu.memory_space<vmem>>) offsets(%dma_start3A_365 : memref<128xi32, #tpu.memory_space<vmem>>) semaphore(%arg17 : memref<!tpu.dma_semaphore, #tpu.memory_space<semaphore_mem>>)
      %dma_wait3A_369 = arith.constant 3 : i32
      %dma_wait3A_370 = arith.constant 0 : i32
      %dma_wait3A_371 = tpu.memref_slice %arg9[%dma_wait3A_369, %dma_wait3A_370] : memref<8x128xi32, #tpu.memory_space<vmem>> -> memref<1x128xi32, #tpu.memory_space<vmem>>
      %dma_wait3A_372 = tpu.memref_squeeze %dma_wait3A_371 : memref<1x128xi32, #tpu.memory_space<vmem>> -> memref<128xi32, #tpu.memory_space<vmem>>
      %dma_wait3A_373 = arith.constant 0 : i32
      %dma_wait3A_374 = arith.constant 0 : i32
      %dma_wait3A_375 = tpu.memref_slice %arg2[%dma_wait3A_373, %dma_wait3A_374] : memref<20480x128xf32, #tpu.memory_space<hbm>> -> memref<20480x128xf32, #tpu.memory_space<hbm>>
      tpu.wait_indirect_dma semaphore(%arg17 : memref<!tpu.dma_semaphore, #tpu.memory_space<semaphore_mem>>) src(%dma_wait3A_375 : memref<20480x128xf32, #tpu.memory_space<hbm>>) dst(%arg13 : memref<128x128xf32, #tpu.memory_space<vmem>>)
      %dma_start3A_376 = arith.constant 3 : i32
      %dma_start3A_377 = arith.constant 0 : i32
      %dma_start3A_378 = tpu.memref_slice %arg11[%dma_start3A_376, %dma_start3A_377] : memref<8x128xi32, #tpu.memory_space<vmem>> -> memref<1x128xi32, #tpu.memory_space<vmem>>
      %dma_start3A_379 = tpu.memref_squeeze %dma_start3A_378 : memref<1x128xi32, #tpu.memory_space<vmem>> -> memref<128xi32, #tpu.memory_space<vmem>>
      %dma_start3A_380 = arith.constant 0 : i32
      %dma_start3A_381 = arith.constant 0 : i32
      %dma_start3A_382 = tpu.memref_slice %arg7[%dma_start3A_380, %dma_start3A_381] : memref<10240x128xf32, #tpu.memory_space<vmem_shared>> -> memref<10240x128xf32, #tpu.memory_space<vmem_shared>>
      tpu.enqueue_indirect_dma source(%arg13 : memref<128x128xf32, #tpu.memory_space<vmem>>) target(%dma_start3A_382 : memref<10240x128xf32, #tpu.memory_space<vmem_shared>>) offsets(%dma_start3A_379 : memref<128xi32, #tpu.memory_space<vmem>>) semaphore(%arg19 : memref<!tpu.dma_semaphore, #tpu.memory_space<semaphore_mem>>) {add = true}
      %dma_wait3A_383 = arith.constant 2 : i32
      %dma_wait3A_384 = arith.constant 0 : i32
      %dma_wait3A_385 = tpu.memref_slice %arg11[%dma_wait3A_383, %dma_wait3A_384] : memref<8x128xi32, #tpu.memory_space<vmem>> -> memref<1x128xi32, #tpu.memory_space<vmem>>
      %dma_wait3A_386 = tpu.memref_squeeze %dma_wait3A_385 : memref<1x128xi32, #tpu.memory_space<vmem>> -> memref<128xi32, #tpu.memory_space<vmem>>
      %dma_wait3A_387 = arith.constant 0 : i32
      %dma_wait3A_388 = arith.constant 0 : i32
      %dma_wait3A_389 = tpu.memref_slice %arg7[%dma_wait3A_387, %dma_wait3A_388] : memref<10240x128xf32, #tpu.memory_space<vmem_shared>> -> memref<10240x128xf32, #tpu.memory_space<vmem_shared>>
      tpu.wait_indirect_dma semaphore(%arg18 : memref<!tpu.dma_semaphore, #tpu.memory_space<semaphore_mem>>) src(%arg12 : memref<128x128xf32, #tpu.memory_space<vmem>>) dst(%dma_wait3A_389 : memref<10240x128xf32, #tpu.memory_space<vmem_shared>>)
      %dma_start3A_390 = arith.constant 4 : i32
      %dma_start3A_391 = arith.constant 0 : i32
      %dma_start3A_392 = tpu.memref_slice %arg9[%dma_start3A_390, %dma_start3A_391] : memref<8x128xi32, #tpu.memory_space<vmem>> -> memref<1x128xi32, #tpu.memory_space<vmem>>
      %dma_start3A_393 = tpu.memref_squeeze %dma_start3A_392 : memref<1x128xi32, #tpu.memory_space<vmem>> -> memref<128xi32, #tpu.memory_space<vmem>>
      %dma_start3A_394 = arith.constant 0 : i32
      %dma_start3A_395 = arith.constant 0 : i32
      %dma_start3A_396 = tpu.memref_slice %arg2[%dma_start3A_394, %dma_start3A_395] : memref<20480x128xf32, #tpu.memory_space<hbm>> -> memref<20480x128xf32, #tpu.memory_space<hbm>>
      tpu.enqueue_indirect_dma source(%dma_start3A_396 : memref<20480x128xf32, #tpu.memory_space<hbm>>) target(%arg12 : memref<128x128xf32, #tpu.memory_space<vmem>>) offsets(%dma_start3A_393 : memref<128xi32, #tpu.memory_space<vmem>>) semaphore(%arg16 : memref<!tpu.dma_semaphore, #tpu.memory_space<semaphore_mem>>)
      %dma_wait3A_397 = arith.constant 4 : i32
      %dma_wait3A_398 = arith.constant 0 : i32
      %dma_wait3A_399 = tpu.memref_slice %arg9[%dma_wait3A_397, %dma_wait3A_398] : memref<8x128xi32, #tpu.memory_space<vmem>> -> memref<1x128xi32, #tpu.memory_space<vmem>>
      %dma_wait3A_400 = tpu.memref_squeeze %dma_wait3A_399 : memref<1x128xi32, #tpu.memory_space<vmem>> -> memref<128xi32, #tpu.memory_space<vmem>>
      %dma_wait3A_401 = arith.constant 0 : i32
      %dma_wait3A_402 = arith.constant 0 : i32
      %dma_wait3A_403 = tpu.memref_slice %arg2[%dma_wait3A_401, %dma_wait3A_402] : memref<20480x128xf32, #tpu.memory_space<hbm>> -> memref<20480x128xf32, #tpu.memory_space<hbm>>
      tpu.wait_indirect_dma semaphore(%arg16 : memref<!tpu.dma_semaphore, #tpu.memory_space<semaphore_mem>>) src(%dma_wait3A_403 : memref<20480x128xf32, #tpu.memory_space<hbm>>) dst(%arg12 : memref<128x128xf32, #tpu.memory_space<vmem>>)
      %dma_start3A_404 = arith.constant 4 : i32
      %dma_start3A_405 = arith.constant 0 : i32
      %dma_start3A_406 = tpu.memref_slice %arg11[%dma_start3A_404, %dma_start3A_405] : memref<8x128xi32, #tpu.memory_space<vmem>> -> memref<1x128xi32, #tpu.memory_space<vmem>>
      %dma_start3A_407 = tpu.memref_squeeze %dma_start3A_406 : memref<1x128xi32, #tpu.memory_space<vmem>> -> memref<128xi32, #tpu.memory_space<vmem>>
      %dma_start3A_408 = arith.constant 0 : i32
      %dma_start3A_409 = arith.constant 0 : i32
      %dma_start3A_410 = tpu.memref_slice %arg7[%dma_start3A_408, %dma_start3A_409] : memref<10240x128xf32, #tpu.memory_space<vmem_shared>> -> memref<10240x128xf32, #tpu.memory_space<vmem_shared>>
      tpu.enqueue_indirect_dma source(%arg12 : memref<128x128xf32, #tpu.memory_space<vmem>>) target(%dma_start3A_410 : memref<10240x128xf32, #tpu.memory_space<vmem_shared>>) offsets(%dma_start3A_407 : memref<128xi32, #tpu.memory_space<vmem>>) semaphore(%arg18 : memref<!tpu.dma_semaphore, #tpu.memory_space<semaphore_mem>>) {add = true}
      %dma_wait3A_411 = arith.constant 3 : i32
      %dma_wait3A_412 = arith.constant 0 : i32
      %dma_wait3A_413 = tpu.memref_slice %arg11[%dma_wait3A_411, %dma_wait3A_412] : memref<8x128xi32, #tpu.memory_space<vmem>> -> memref<1x128xi32, #tpu.memory_space<vmem>>
      %dma_wait3A_414 = tpu.memref_squeeze %dma_wait3A_413 : memref<1x128xi32, #tpu.memory_space<vmem>> -> memref<128xi32, #tpu.memory_space<vmem>>
      %dma_wait3A_415 = arith.constant 0 : i32
      %dma_wait3A_416 = arith.constant 0 : i32
      %dma_wait3A_417 = tpu.memref_slice %arg7[%dma_wait3A_415, %dma_wait3A_416] : memref<10240x128xf32, #tpu.memory_space<vmem_shared>> -> memref<10240x128xf32, #tpu.memory_space<vmem_shared>>
      tpu.wait_indirect_dma semaphore(%arg19 : memref<!tpu.dma_semaphore, #tpu.memory_space<semaphore_mem>>) src(%arg13 : memref<128x128xf32, #tpu.memory_space<vmem>>) dst(%dma_wait3A_417 : memref<10240x128xf32, #tpu.memory_space<vmem_shared>>)
      %dma_start3A_418 = arith.constant 5 : i32
      %dma_start3A_419 = arith.constant 0 : i32
      %dma_start3A_420 = tpu.memref_slice %arg9[%dma_start3A_418, %dma_start3A_419] : memref<8x128xi32, #tpu.memory_space<vmem>> -> memref<1x128xi32, #tpu.memory_space<vmem>>
      %dma_start3A_421 = tpu.memref_squeeze %dma_start3A_420 : memref<1x128xi32, #tpu.memory_space<vmem>> -> memref<128xi32, #tpu.memory_space<vmem>>
      %dma_start3A_422 = arith.constant 0 : i32
      %dma_start3A_423 = arith.constant 0 : i32
      %dma_start3A_424 = tpu.memref_slice %arg2[%dma_start3A_422, %dma_start3A_423] : memref<20480x128xf32, #tpu.memory_space<hbm>> -> memref<20480x128xf32, #tpu.memory_space<hbm>>
      tpu.enqueue_indirect_dma source(%dma_start3A_424 : memref<20480x128xf32, #tpu.memory_space<hbm>>) target(%arg13 : memref<128x128xf32, #tpu.memory_space<vmem>>) offsets(%dma_start3A_421 : memref<128xi32, #tpu.memory_space<vmem>>) semaphore(%arg17 : memref<!tpu.dma_semaphore, #tpu.memory_space<semaphore_mem>>)
      %dma_wait3A_425 = arith.constant 5 : i32
      %dma_wait3A_426 = arith.constant 0 : i32
      %dma_wait3A_427 = tpu.memref_slice %arg9[%dma_wait3A_425, %dma_wait3A_426] : memref<8x128xi32, #tpu.memory_space<vmem>> -> memref<1x128xi32, #tpu.memory_space<vmem>>
      %dma_wait3A_428 = tpu.memref_squeeze %dma_wait3A_427 : memref<1x128xi32, #tpu.memory_space<vmem>> -> memref<128xi32, #tpu.memory_space<vmem>>
      %dma_wait3A_429 = arith.constant 0 : i32
      %dma_wait3A_430 = arith.constant 0 : i32
      %dma_wait3A_431 = tpu.memref_slice %arg2[%dma_wait3A_429, %dma_wait3A_430] : memref<20480x128xf32, #tpu.memory_space<hbm>> -> memref<20480x128xf32, #tpu.memory_space<hbm>>
      tpu.wait_indirect_dma semaphore(%arg17 : memref<!tpu.dma_semaphore, #tpu.memory_space<semaphore_mem>>) src(%dma_wait3A_431 : memref<20480x128xf32, #tpu.memory_space<hbm>>) dst(%arg13 : memref<128x128xf32, #tpu.memory_space<vmem>>)
      %dma_start3A_432 = arith.constant 5 : i32
      %dma_start3A_433 = arith.constant 0 : i32
      %dma_start3A_434 = tpu.memref_slice %arg11[%dma_start3A_432, %dma_start3A_433] : memref<8x128xi32, #tpu.memory_space<vmem>> -> memref<1x128xi32, #tpu.memory_space<vmem>>
      %dma_start3A_435 = tpu.memref_squeeze %dma_start3A_434 : memref<1x128xi32, #tpu.memory_space<vmem>> -> memref<128xi32, #tpu.memory_space<vmem>>
      %dma_start3A_436 = arith.constant 0 : i32
      %dma_start3A_437 = arith.constant 0 : i32
      %dma_start3A_438 = tpu.memref_slice %arg7[%dma_start3A_436, %dma_start3A_437] : memref<10240x128xf32, #tpu.memory_space<vmem_shared>> -> memref<10240x128xf32, #tpu.memory_space<vmem_shared>>
      tpu.enqueue_indirect_dma source(%arg13 : memref<128x128xf32, #tpu.memory_space<vmem>>) target(%dma_start3A_438 : memref<10240x128xf32, #tpu.memory_space<vmem_shared>>) offsets(%dma_start3A_435 : memref<128xi32, #tpu.memory_space<vmem>>) semaphore(%arg19 : memref<!tpu.dma_semaphore, #tpu.memory_space<semaphore_mem>>) {add = true}
      %dma_wait3A_439 = arith.constant 4 : i32
      %dma_wait3A_440 = arith.constant 0 : i32
      %dma_wait3A_441 = tpu.memref_slice %arg11[%dma_wait3A_439, %dma_wait3A_440] : memref<8x128xi32, #tpu.memory_space<vmem>> -> memref<1x128xi32, #tpu.memory_space<vmem>>
      %dma_wait3A_442 = tpu.memref_squeeze %dma_wait3A_441 : memref<1x128xi32, #tpu.memory_space<vmem>> -> memref<128xi32, #tpu.memory_space<vmem>>
      %dma_wait3A_443 = arith.constant 0 : i32
      %dma_wait3A_444 = arith.constant 0 : i32
      %dma_wait3A_445 = tpu.memref_slice %arg7[%dma_wait3A_443, %dma_wait3A_444] : memref<10240x128xf32, #tpu.memory_space<vmem_shared>> -> memref<10240x128xf32, #tpu.memory_space<vmem_shared>>
      tpu.wait_indirect_dma semaphore(%arg18 : memref<!tpu.dma_semaphore, #tpu.memory_space<semaphore_mem>>) src(%arg12 : memref<128x128xf32, #tpu.memory_space<vmem>>) dst(%dma_wait3A_445 : memref<10240x128xf32, #tpu.memory_space<vmem_shared>>)
      %dma_start3A_446 = arith.constant 6 : i32
      %dma_start3A_447 = arith.constant 0 : i32
      %dma_start3A_448 = tpu.memref_slice %arg9[%dma_start3A_446, %dma_start3A_447] : memref<8x128xi32, #tpu.memory_space<vmem>> -> memref<1x128xi32, #tpu.memory_space<vmem>>
      %dma_start3A_449 = tpu.memref_squeeze %dma_start3A_448 : memref<1x128xi32, #tpu.memory_space<vmem>> -> memref<128xi32, #tpu.memory_space<vmem>>
      %dma_start3A_450 = arith.constant 0 : i32
      %dma_start3A_451 = arith.constant 0 : i32
      %dma_start3A_452 = tpu.memref_slice %arg2[%dma_start3A_450, %dma_start3A_451] : memref<20480x128xf32, #tpu.memory_space<hbm>> -> memref<20480x128xf32, #tpu.memory_space<hbm>>
      tpu.enqueue_indirect_dma source(%dma_start3A_452 : memref<20480x128xf32, #tpu.memory_space<hbm>>) target(%arg12 : memref<128x128xf32, #tpu.memory_space<vmem>>) offsets(%dma_start3A_449 : memref<128xi32, #tpu.memory_space<vmem>>) semaphore(%arg16 : memref<!tpu.dma_semaphore, #tpu.memory_space<semaphore_mem>>)
      %dma_wait3A_453 = arith.constant 6 : i32
      %dma_wait3A_454 = arith.constant 0 : i32
      %dma_wait3A_455 = tpu.memref_slice %arg9[%dma_wait3A_453, %dma_wait3A_454] : memref<8x128xi32, #tpu.memory_space<vmem>> -> memref<1x128xi32, #tpu.memory_space<vmem>>
      %dma_wait3A_456 = tpu.memref_squeeze %dma_wait3A_455 : memref<1x128xi32, #tpu.memory_space<vmem>> -> memref<128xi32, #tpu.memory_space<vmem>>
      %dma_wait3A_457 = arith.constant 0 : i32
      %dma_wait3A_458 = arith.constant 0 : i32
      %dma_wait3A_459 = tpu.memref_slice %arg2[%dma_wait3A_457, %dma_wait3A_458] : memref<20480x128xf32, #tpu.memory_space<hbm>> -> memref<20480x128xf32, #tpu.memory_space<hbm>>
      tpu.wait_indirect_dma semaphore(%arg16 : memref<!tpu.dma_semaphore, #tpu.memory_space<semaphore_mem>>) src(%dma_wait3A_459 : memref<20480x128xf32, #tpu.memory_space<hbm>>) dst(%arg12 : memref<128x128xf32, #tpu.memory_space<vmem>>)
      %dma_start3A_460 = arith.constant 6 : i32
      %dma_start3A_461 = arith.constant 0 : i32
      %dma_start3A_462 = tpu.memref_slice %arg11[%dma_start3A_460, %dma_start3A_461] : memref<8x128xi32, #tpu.memory_space<vmem>> -> memref<1x128xi32, #tpu.memory_space<vmem>>
      %dma_start3A_463 = tpu.memref_squeeze %dma_start3A_462 : memref<1x128xi32, #tpu.memory_space<vmem>> -> memref<128xi32, #tpu.memory_space<vmem>>
      %dma_start3A_464 = arith.constant 0 : i32
      %dma_start3A_465 = arith.constant 0 : i32
      %dma_start3A_466 = tpu.memref_slice %arg7[%dma_start3A_464, %dma_start3A_465] : memref<10240x128xf32, #tpu.memory_space<vmem_shared>> -> memref<10240x128xf32, #tpu.memory_space<vmem_shared>>
      tpu.enqueue_indirect_dma source(%arg12 : memref<128x128xf32, #tpu.memory_space<vmem>>) target(%dma_start3A_466 : memref<10240x128xf32, #tpu.memory_space<vmem_shared>>) offsets(%dma_start3A_463 : memref<128xi32, #tpu.memory_space<vmem>>) semaphore(%arg18 : memref<!tpu.dma_semaphore, #tpu.memory_space<semaphore_mem>>) {add = true}
      %dma_wait3A_467 = arith.constant 5 : i32
      %dma_wait3A_468 = arith.constant 0 : i32
      %dma_wait3A_469 = tpu.memref_slice %arg11[%dma_wait3A_467, %dma_wait3A_468] : memref<8x128xi32, #tpu.memory_space<vmem>> -> memref<1x128xi32, #tpu.memory_space<vmem>>
      %dma_wait3A_470 = tpu.memref_squeeze %dma_wait3A_469 : memref<1x128xi32, #tpu.memory_space<vmem>> -> memref<128xi32, #tpu.memory_space<vmem>>
      %dma_wait3A_471 = arith.constant 0 : i32
      %dma_wait3A_472 = arith.constant 0 : i32
      %dma_wait3A_473 = tpu.memref_slice %arg7[%dma_wait3A_471, %dma_wait3A_472] : memref<10240x128xf32, #tpu.memory_space<vmem_shared>> -> memref<10240x128xf32, #tpu.memory_space<vmem_shared>>
      tpu.wait_indirect_dma semaphore(%arg19 : memref<!tpu.dma_semaphore, #tpu.memory_space<semaphore_mem>>) src(%arg13 : memref<128x128xf32, #tpu.memory_space<vmem>>) dst(%dma_wait3A_473 : memref<10240x128xf32, #tpu.memory_space<vmem_shared>>)
      %dma_start3A_474 = arith.constant 7 : i32
      %dma_start3A_475 = arith.constant 0 : i32
      %dma_start3A_476 = tpu.memref_slice %arg9[%dma_start3A_474, %dma_start3A_475] : memref<8x128xi32, #tpu.memory_space<vmem>> -> memref<1x128xi32, #tpu.memory_space<vmem>>
      %dma_start3A_477 = tpu.memref_squeeze %dma_start3A_476 : memref<1x128xi32, #tpu.memory_space<vmem>> -> memref<128xi32, #tpu.memory_space<vmem>>
      %dma_start3A_478 = arith.constant 0 : i32
      %dma_start3A_479 = arith.constant 0 : i32
      %dma_start3A_480 = tpu.memref_slice %arg2[%dma_start3A_478, %dma_start3A_479] : memref<20480x128xf32, #tpu.memory_space<hbm>> -> memref<20480x128xf32, #tpu.memory_space<hbm>>
      tpu.enqueue_indirect_dma source(%dma_start3A_480 : memref<20480x128xf32, #tpu.memory_space<hbm>>) target(%arg13 : memref<128x128xf32, #tpu.memory_space<vmem>>) offsets(%dma_start3A_477 : memref<128xi32, #tpu.memory_space<vmem>>) semaphore(%arg17 : memref<!tpu.dma_semaphore, #tpu.memory_space<semaphore_mem>>)
      %dma_wait3A_481 = arith.constant 7 : i32
      %dma_wait3A_482 = arith.constant 0 : i32
      %dma_wait3A_483 = tpu.memref_slice %arg9[%dma_wait3A_481, %dma_wait3A_482] : memref<8x128xi32, #tpu.memory_space<vmem>> -> memref<1x128xi32, #tpu.memory_space<vmem>>
      %dma_wait3A_484 = tpu.memref_squeeze %dma_wait3A_483 : memref<1x128xi32, #tpu.memory_space<vmem>> -> memref<128xi32, #tpu.memory_space<vmem>>
      %dma_wait3A_485 = arith.constant 0 : i32
      %dma_wait3A_486 = arith.constant 0 : i32
      %dma_wait3A_487 = tpu.memref_slice %arg2[%dma_wait3A_485, %dma_wait3A_486] : memref<20480x128xf32, #tpu.memory_space<hbm>> -> memref<20480x128xf32, #tpu.memory_space<hbm>>
      tpu.wait_indirect_dma semaphore(%arg17 : memref<!tpu.dma_semaphore, #tpu.memory_space<semaphore_mem>>) src(%dma_wait3A_487 : memref<20480x128xf32, #tpu.memory_space<hbm>>) dst(%arg13 : memref<128x128xf32, #tpu.memory_space<vmem>>)
      %dma_start3A_488 = arith.constant 7 : i32
      %dma_start3A_489 = arith.constant 0 : i32
      %dma_start3A_490 = tpu.memref_slice %arg11[%dma_start3A_488, %dma_start3A_489] : memref<8x128xi32, #tpu.memory_space<vmem>> -> memref<1x128xi32, #tpu.memory_space<vmem>>
      %dma_start3A_491 = tpu.memref_squeeze %dma_start3A_490 : memref<1x128xi32, #tpu.memory_space<vmem>> -> memref<128xi32, #tpu.memory_space<vmem>>
      %dma_start3A_492 = arith.constant 0 : i32
      %dma_start3A_493 = arith.constant 0 : i32
      %dma_start3A_494 = tpu.memref_slice %arg7[%dma_start3A_492, %dma_start3A_493] : memref<10240x128xf32, #tpu.memory_space<vmem_shared>> -> memref<10240x128xf32, #tpu.memory_space<vmem_shared>>
      tpu.enqueue_indirect_dma source(%arg13 : memref<128x128xf32, #tpu.memory_space<vmem>>) target(%dma_start3A_494 : memref<10240x128xf32, #tpu.memory_space<vmem_shared>>) offsets(%dma_start3A_491 : memref<128xi32, #tpu.memory_space<vmem>>) semaphore(%arg19 : memref<!tpu.dma_semaphore, #tpu.memory_space<semaphore_mem>>) {add = true}
      %dma_wait3A_495 = arith.constant 6 : i32
      %dma_wait3A_496 = arith.constant 0 : i32
      %dma_wait3A_497 = tpu.memref_slice %arg11[%dma_wait3A_495, %dma_wait3A_496] : memref<8x128xi32, #tpu.memory_space<vmem>> -> memref<1x128xi32, #tpu.memory_space<vmem>>
      %dma_wait3A_498 = tpu.memref_squeeze %dma_wait3A_497 : memref<1x128xi32, #tpu.memory_space<vmem>> -> memref<128xi32, #tpu.memory_space<vmem>>
      %dma_wait3A_499 = arith.constant 0 : i32
      %dma_wait3A_500 = arith.constant 0 : i32
      %dma_wait3A_501 = tpu.memref_slice %arg7[%dma_wait3A_499, %dma_wait3A_500] : memref<10240x128xf32, #tpu.memory_space<vmem_shared>> -> memref<10240x128xf32, #tpu.memory_space<vmem_shared>>
      tpu.wait_indirect_dma semaphore(%arg18 : memref<!tpu.dma_semaphore, #tpu.memory_space<semaphore_mem>>) src(%arg12 : memref<128x128xf32, #tpu.memory_space<vmem>>) dst(%dma_wait3A_501 : memref<10240x128xf32, #tpu.memory_space<vmem_shared>>)
      %lt3A_502 = arith.constant 9 : i32
      %lt3A_503 = arith.cmpi slt, %scan3A_21, %lt3A_502 : i32
      %convert_element_type3A_504 = arith.extui %lt3A_503 : i1 to i32
      %cond3A_505 = arith.constant 0 : i32
      %cond3A_506 = arith.cmpi ne, %convert_element_type3A_504, %cond3A_505 : i32
      scf.if %cond3A_506 {
        %mul3A_507 = arith.constant 2 : i32
        %mul3A_508 = arith.muli %mul3A_507, %scan3A_21 : i32
        %add3A_509 = arith.constant 2 : i32
        %add3A_510 = arith.addi %mul3A_508, %add3A_509 : i32
        %mul3A_511 = arith.constant 8 : i32
        %mul3A_512 = arith.muli %add3A_510, %mul3A_511 : i32
        %mul3A_513 = arith.constant 8 : i32
        %mul3A_514 = arith.muli %add3A_510, %mul3A_513 : i32
        %dma_wait3A_515 = arith.constant 0 : i32
        %dma_wait3A_516 = tpu.memref_slice %arg3[%arg0, %arg1, %mul3A_512, %dma_wait3A_515] : memref<2x16x160x128xi32, #tpu.memory_space<hbm>> -> memref<1x1x8x128xi32, #tpu.memory_space<hbm>>
        %dma_wait3A_517 = tpu.memref_squeeze %dma_wait3A_516 : memref<1x1x8x128xi32, #tpu.memory_space<hbm>> -> memref<8x128xi32, #tpu.memory_space<hbm>>
        %dma_wait3A_518 = arith.constant 0 : i32
        %dma_wait3A_519 = tpu.memref_slice %arg3[%arg0, %arg1, %mul3A_512, %dma_wait3A_518] : memref<2x16x160x128xi32, #tpu.memory_space<hbm>> -> memref<1x1x8x128xi32, #tpu.memory_space<hbm>>
        %dma_wait3A_520 = tpu.memref_squeeze %dma_wait3A_519 : memref<1x1x8x128xi32, #tpu.memory_space<hbm>> -> memref<8x128xi32, #tpu.memory_space<hbm>>
        tpu.wait_dma2 semaphore(%arg14 : memref<!tpu.dma_semaphore, #tpu.memory_space<semaphore_mem>>) src(%dma_wait3A_520 : memref<8x128xi32, #tpu.memory_space<hbm>>) dst(%arg8 : memref<8x128xi32, #tpu.memory_space<vmem>>)
        %dma_wait3A_521 = arith.constant 0 : i32
        %dma_wait3A_522 = tpu.memref_slice %arg4[%arg1, %mul3A_514, %dma_wait3A_521] : memref<16x160x128xi32, #tpu.memory_space<hbm>> -> memref<1x8x128xi32, #tpu.memory_space<hbm>>
        %dma_wait3A_523 = tpu.memref_squeeze %dma_wait3A_522 : memref<1x8x128xi32, #tpu.memory_space<hbm>> -> memref<8x128xi32, #tpu.memory_space<hbm>>
        %dma_wait3A_524 = arith.constant 0 : i32
        %dma_wait3A_525 = tpu.memref_slice %arg4[%arg1, %mul3A_514, %dma_wait3A_524] : memref<16x160x128xi32, #tpu.memory_space<hbm>> -> memref<1x8x128xi32, #tpu.memory_space<hbm>>
        %dma_wait3A_526 = tpu.memref_squeeze %dma_wait3A_525 : memref<1x8x128xi32, #tpu.memory_space<hbm>> -> memref<8x128xi32, #tpu.memory_space<hbm>>
        tpu.wait_dma2 semaphore(%arg14 : memref<!tpu.dma_semaphore, #tpu.memory_space<semaphore_mem>>) src(%dma_wait3A_526 : memref<8x128xi32, #tpu.memory_space<hbm>>) dst(%arg10 : memref<8x128xi32, #tpu.memory_space<vmem>>)
        %dma_start3A_527 = arith.constant 0 : i32
        %dma_start3A_528 = arith.constant 0 : i32
        %dma_start3A_529 = tpu.memref_slice %arg8[%dma_start3A_527, %dma_start3A_528] : memref<8x128xi32, #tpu.memory_space<vmem>> -> memref<1x128xi32, #tpu.memory_space<vmem>>
        %dma_start3A_530 = tpu.memref_squeeze %dma_start3A_529 : memref<1x128xi32, #tpu.memory_space<vmem>> -> memref<128xi32, #tpu.memory_space<vmem>>
        %dma_start3A_531 = arith.constant 0 : i32
        %dma_start3A_532 = arith.constant 0 : i32
        %dma_start3A_533 = tpu.memref_slice %arg2[%dma_start3A_531, %dma_start3A_532] : memref<20480x128xf32, #tpu.memory_space<hbm>> -> memref<20480x128xf32, #tpu.memory_space<hbm>>
        tpu.enqueue_indirect_dma source(%dma_start3A_533 : memref<20480x128xf32, #tpu.memory_space<hbm>>) target(%arg12 : memref<128x128xf32, #tpu.memory_space<vmem>>) offsets(%dma_start3A_530 : memref<128xi32, #tpu.memory_space<vmem>>) semaphore(%arg16 : memref<!tpu.dma_semaphore, #tpu.memory_space<semaphore_mem>>)
      } else {
      }
    }
    %scan3A_11 = arith.constant 10 : i32
    %dma_wait3A = arith.constant 7 : i32
    %dma_wait3A_12 = arith.constant 0 : i32
    %dma_wait3A_13 = tpu.memref_slice %arg11[%dma_wait3A, %dma_wait3A_12] : memref<8x128xi32, #tpu.memory_space<vmem>> -> memref<1x128xi32, #tpu.memory_space<vmem>>
    %dma_wait3A_14 = tpu.memref_squeeze %dma_wait3A_13 : memref<1x128xi32, #tpu.memory_space<vmem>> -> memref<128xi32, #tpu.memory_space<vmem>>
    %dma_wait3A_15 = arith.constant 0 : i32
    %dma_wait3A_16 = arith.constant 0 : i32
    %dma_wait3A_17 = tpu.memref_slice %arg7[%dma_wait3A_15, %dma_wait3A_16] : memref<10240x128xf32, #tpu.memory_space<vmem_shared>> -> memref<10240x128xf32, #tpu.memory_space<vmem_shared>>
    tpu.wait_indirect_dma semaphore(%arg19 : memref<!tpu.dma_semaphore, #tpu.memory_space<semaphore_mem>>) src(%arg13 : memref<128x128xf32, #tpu.memory_space<vmem>>) dst(%dma_wait3A_17 : memref<10240x128xf32, #tpu.memory_space<vmem_shared>>)
    %barrier3A_18 = arith.constant 0 : index
    tpu.barrier barrier_id(%barrier3A_18)
    %mul3A_19 = arith.constant 10240 : i32
    %mul3A_20 = arith.muli %arg0, %mul3A_19 : i32
    %add3A = arith.addi %mul3A_20, %mul3A_0 : i32
    "tpu.region"() ({
      %run_scoped3A = tpu.sem_alloc : memref<!tpu.dma_semaphore, #tpu.memory_space<semaphore_mem>>
      %dma_start3A_21 = arith.constant 0 : i32
      %dma_start3A_22 = tpu.memref_slice %arg6[%add3A, %dma_start3A_21] : memref<20480x128xf32, #tpu.memory_space<hbm>> -> memref<640x128xf32, #tpu.memory_space<hbm>>
      %dma_start3A_23 = arith.constant 0 : i32
      %dma_start3A_24 = tpu.memref_slice %arg7[%mul3A_0, %dma_start3A_23] : memref<10240x128xf32, #tpu.memory_space<vmem_shared>> -> memref<640x128xf32, #tpu.memory_space<vmem_shared>>
      tpu.enqueue_dma source(%dma_start3A_24 : memref<640x128xf32, #tpu.memory_space<vmem_shared>>) target(%dma_start3A_22 : memref<640x128xf32, #tpu.memory_space<hbm>>) target_semaphore(%run_scoped3A : memref<!tpu.dma_semaphore, #tpu.memory_space<semaphore_mem>>)
      %dma_wait3A_25 = arith.constant 0 : i32
      %dma_wait3A_26 = tpu.memref_slice %arg6[%add3A, %dma_wait3A_25] : memref<20480x128xf32, #tpu.memory_space<hbm>> -> memref<640x128xf32, #tpu.memory_space<hbm>>
      %dma_wait3A_27 = arith.constant 0 : i32
      %dma_wait3A_28 = tpu.memref_slice %arg7[%mul3A_0, %dma_wait3A_27] : memref<10240x128xf32, #tpu.memory_space<vmem_shared>> -> memref<640x128xf32, #tpu.memory_space<vmem_shared>>
      tpu.wait_dma2 semaphore(%run_scoped3A : memref<!tpu.dma_semaphore, #tpu.memory_space<semaphore_mem>>) src(%dma_wait3A_28 : memref<640x128xf32, #tpu.memory_space<vmem_shared>>) dst(%dma_wait3A_26 : memref<640x128xf32, #tpu.memory_space<hbm>>)
      tpu.yield
    }) : () -> ()
    return
  }
}

#map = affine_map<(d0, d1) -> (0, 0, 0, 0)>
#map1 = affine_map<(d0, d1) -> (0, 0)>
module attributes {stable_mosaic.version = 14 : i64} {
  func.func @k(%arg0: i32, %arg1: i32, %arg2: memref<2x16x80x128xi32, #tpu.memory_space<hbm>>, %arg3: memref<10240x128xf32, #tpu.memory_space<hbm>>, %arg4: memref<128x128xf32, #tpu.memory_space<hbm>>, %arg5: memref<20480x128xf32, #tpu.memory_space<hbm>>, %arg6: memref<10240x128xf32, #tpu.memory_space<vmem_shared>>, %arg7: memref<80x128xi32, #tpu.memory_space<vmem>>, %arg8: memref<128x128xf32, #tpu.memory_space<vmem>>, %arg9: memref<!tpu.dma_semaphore, #tpu.memory_space<semaphore_mem>>, %arg10: memref<!tpu.dma_semaphore, #tpu.memory_space<semaphore_mem>>, %arg11: memref<!tpu.dma_semaphore, #tpu.memory_space<semaphore_mem>>, %arg12: memref<!tpu.dma_semaphore, #tpu.memory_space<semaphore_mem>>) attributes {dimension_semantics = [#tpu.dimension_semantics<core_parallel>, #tpu.dimension_semantics<subcore_parallel>], iteration_bounds = array<i64: 2, 16>, scalar_prefetch = 0 : i64, scratch_operands = 7 : i64, tpu.core_type = #tpu.core_type<sc_vector_subcore>, window_params = [{transform_indices = #map}, {transform_indices = #map1}, {transform_indices = #map1}, {transform_indices = #map1}]} {
    %mul3A = arith.constant 640 : i32
    %mul3A_0 = arith.muli %arg1, %mul3A : i32
    "tpu.region"() ({
      %run_scoped3A = tpu.sem_alloc : memref<!tpu.dma_semaphore, #tpu.memory_space<semaphore_mem>>
      %dma_start3A = arith.constant 0 : i32
      %dma_start3A_36 = arith.constant 0 : i32
      %dma_start3A_37 = tpu.memref_slice %arg2[%arg0, %arg1, %dma_start3A, %dma_start3A_36] : memref<2x16x80x128xi32, #tpu.memory_space<hbm>> -> memref<1x1x80x128xi32, #tpu.memory_space<hbm>>
      %dma_start3A_38 = tpu.memref_squeeze %dma_start3A_37 : memref<1x1x80x128xi32, #tpu.memory_space<hbm>> -> memref<80x128xi32, #tpu.memory_space<hbm>>
      %dma_start3A_39 = arith.constant 0 : i32
      %dma_start3A_40 = arith.constant 0 : i32
      %dma_start3A_41 = tpu.memref_slice %arg2[%arg0, %arg1, %dma_start3A_39, %dma_start3A_40] : memref<2x16x80x128xi32, #tpu.memory_space<hbm>> -> memref<1x1x80x128xi32, #tpu.memory_space<hbm>>
      %dma_start3A_42 = tpu.memref_squeeze %dma_start3A_41 : memref<1x1x80x128xi32, #tpu.memory_space<hbm>> -> memref<80x128xi32, #tpu.memory_space<hbm>>
      tpu.enqueue_dma source(%dma_start3A_42 : memref<80x128xi32, #tpu.memory_space<hbm>>) target(%arg7 : memref<80x128xi32, #tpu.memory_space<vmem>>) target_semaphore(%run_scoped3A : memref<!tpu.dma_semaphore, #tpu.memory_space<semaphore_mem>>)
      %dma_wait3A_43 = arith.constant 0 : i32
      %dma_wait3A_44 = arith.constant 0 : i32
      %dma_wait3A_45 = tpu.memref_slice %arg2[%arg0, %arg1, %dma_wait3A_43, %dma_wait3A_44] : memref<2x16x80x128xi32, #tpu.memory_space<hbm>> -> memref<1x1x80x128xi32, #tpu.memory_space<hbm>>
      %dma_wait3A_46 = tpu.memref_squeeze %dma_wait3A_45 : memref<1x1x80x128xi32, #tpu.memory_space<hbm>> -> memref<80x128xi32, #tpu.memory_space<hbm>>
      %dma_wait3A_47 = arith.constant 0 : i32
      %dma_wait3A_48 = arith.constant 0 : i32
      %dma_wait3A_49 = tpu.memref_slice %arg2[%arg0, %arg1, %dma_wait3A_47, %dma_wait3A_48] : memref<2x16x80x128xi32, #tpu.memory_space<hbm>> -> memref<1x1x80x128xi32, #tpu.memory_space<hbm>>
      %dma_wait3A_50 = tpu.memref_squeeze %dma_wait3A_49 : memref<1x1x80x128xi32, #tpu.memory_space<hbm>> -> memref<80x128xi32, #tpu.memory_space<hbm>>
      tpu.wait_dma2 semaphore(%run_scoped3A : memref<!tpu.dma_semaphore, #tpu.memory_space<semaphore_mem>>) src(%dma_wait3A_50 : memref<80x128xi32, #tpu.memory_space<hbm>>) dst(%arg7 : memref<80x128xi32, #tpu.memory_space<vmem>>)
      tpu.yield
    }) : () -> ()
    "tpu.region"() ({
      %run_scoped3A = tpu.sem_alloc : memref<!tpu.dma_semaphore, #tpu.memory_space<semaphore_mem>>
      tpu.enqueue_dma source(%arg4 : memref<128x128xf32, #tpu.memory_space<hbm>>) target(%arg8 : memref<128x128xf32, #tpu.memory_space<vmem>>) target_semaphore(%run_scoped3A : memref<!tpu.dma_semaphore, #tpu.memory_space<semaphore_mem>>)
      tpu.wait_dma2 semaphore(%run_scoped3A : memref<!tpu.dma_semaphore, #tpu.memory_space<semaphore_mem>>) src(%arg4 : memref<128x128xf32, #tpu.memory_space<hbm>>) dst(%arg8 : memref<128x128xf32, #tpu.memory_space<vmem>>)
      tpu.yield
    }) : () -> ()
    "tpu.region"() ({
      %run_scoped3A = tpu.sem_alloc : memref<!tpu.dma_semaphore, #tpu.memory_space<semaphore_mem>>
      %dma_start3A = arith.constant 0 : i32
      %dma_start3A_36 = tpu.memref_slice %arg6[%mul3A_0, %dma_start3A] : memref<10240x128xf32, #tpu.memory_space<vmem_shared>> -> memref<640x128xf32, #tpu.memory_space<vmem_shared>>
      %dma_start3A_37 = arith.constant 0 : i32
      %dma_start3A_38 = tpu.memref_slice %arg3[%mul3A_0, %dma_start3A_37] : memref<10240x128xf32, #tpu.memory_space<hbm>> -> memref<640x128xf32, #tpu.memory_space<hbm>>
      tpu.enqueue_dma source(%dma_start3A_38 : memref<640x128xf32, #tpu.memory_space<hbm>>) target(%dma_start3A_36 : memref<640x128xf32, #tpu.memory_space<vmem_shared>>) target_semaphore(%run_scoped3A : memref<!tpu.dma_semaphore, #tpu.memory_space<semaphore_mem>>)
      %dma_wait3A_39 = arith.constant 0 : i32
      %dma_wait3A_40 = tpu.memref_slice %arg6[%mul3A_0, %dma_wait3A_39] : memref<10240x128xf32, #tpu.memory_space<vmem_shared>> -> memref<640x128xf32, #tpu.memory_space<vmem_shared>>
      %dma_wait3A_41 = arith.constant 0 : i32
      %dma_wait3A_42 = tpu.memref_slice %arg3[%mul3A_0, %dma_wait3A_41] : memref<10240x128xf32, #tpu.memory_space<hbm>> -> memref<640x128xf32, #tpu.memory_space<hbm>>
      tpu.wait_dma2 semaphore(%run_scoped3A : memref<!tpu.dma_semaphore, #tpu.memory_space<semaphore_mem>>) src(%dma_wait3A_42 : memref<640x128xf32, #tpu.memory_space<hbm>>) dst(%dma_wait3A_40 : memref<640x128xf32, #tpu.memory_space<vmem_shared>>)
      tpu.yield
    }) : () -> ()
    %barrier3A = arith.constant 0 : index
    tpu.barrier barrier_id(%barrier3A)
    %scan3A = arith.constant 0 : i32
    %scan3A_1 = arith.constant 0 : i32
    %scan3A_2 = arith.constant 20 : i32
    %scan3A_3 = arith.addi %scan3A_1, %scan3A_2 : i32
    %scan3A_4 = arith.constant 1 : i32
    scf.for %scan3A_36 = %scan3A_1 to %scan3A_3 step %scan3A_4  : i32 {
      %gt3A = arith.constant 0 : i32
      %gt3A_37 = arith.cmpi sgt, %scan3A_36, %gt3A : i32
      %convert_element_type3A = arith.extui %gt3A_37 : i1 to i32
      %cond3A = arith.constant 0 : i32
      %cond3A_38 = arith.cmpi ne, %convert_element_type3A, %cond3A : i32
      scf.if %cond3A_38 {
        %sub3A = arith.constant 1 : i32
        %sub3A_78 = arith.subi %scan3A_36, %sub3A : i32
        %mul3A_79 = arith.constant 4 : i32
        %mul3A_80 = arith.muli %sub3A_78, %mul3A_79 : i32
        %add3A_81 = arith.constant 0 : i32
        %add3A_82 = arith.addi %mul3A_80, %add3A_81 : i32
        %dma_wait3A_83 = arith.constant 0 : i32
        %dma_wait3A_84 = tpu.memref_slice %arg7[%add3A_82, %dma_wait3A_83] : memref<80x128xi32, #tpu.memory_space<vmem>> -> memref<1x128xi32, #tpu.memory_space<vmem>>
        %dma_wait3A_85 = tpu.memref_squeeze %dma_wait3A_84 : memref<1x128xi32, #tpu.memory_space<vmem>> -> memref<128xi32, #tpu.memory_space<vmem>>
        %dma_wait3A_86 = arith.constant 0 : i32
        %dma_wait3A_87 = arith.constant 0 : i32
        %dma_wait3A_88 = tpu.memref_slice %arg6[%dma_wait3A_86, %dma_wait3A_87] : memref<10240x128xf32, #tpu.memory_space<vmem_shared>> -> memref<10240x128xf32, #tpu.memory_space<vmem_shared>>
        tpu.wait_indirect_dma semaphore(%arg9 : memref<!tpu.dma_semaphore, #tpu.memory_space<semaphore_mem>>) src(%arg8 : memref<128x128xf32, #tpu.memory_space<vmem>>) dst(%dma_wait3A_88 : memref<10240x128xf32, #tpu.memory_space<vmem_shared>>)
        %sub3A_89 = arith.constant 1 : i32
        %sub3A_90 = arith.subi %scan3A_36, %sub3A_89 : i32
        %mul3A_91 = arith.constant 4 : i32
        %mul3A_92 = arith.muli %sub3A_90, %mul3A_91 : i32
        %add3A_93 = arith.constant 1 : i32
        %add3A_94 = arith.addi %mul3A_92, %add3A_93 : i32
        %dma_wait3A_95 = arith.constant 0 : i32
        %dma_wait3A_96 = tpu.memref_slice %arg7[%add3A_94, %dma_wait3A_95] : memref<80x128xi32, #tpu.memory_space<vmem>> -> memref<1x128xi32, #tpu.memory_space<vmem>>
        %dma_wait3A_97 = tpu.memref_squeeze %dma_wait3A_96 : memref<1x128xi32, #tpu.memory_space<vmem>> -> memref<128xi32, #tpu.memory_space<vmem>>
        %dma_wait3A_98 = arith.constant 0 : i32
        %dma_wait3A_99 = arith.constant 0 : i32
        %dma_wait3A_100 = tpu.memref_slice %arg6[%dma_wait3A_98, %dma_wait3A_99] : memref<10240x128xf32, #tpu.memory_space<vmem_shared>> -> memref<10240x128xf32, #tpu.memory_space<vmem_shared>>
        tpu.wait_indirect_dma semaphore(%arg10 : memref<!tpu.dma_semaphore, #tpu.memory_space<semaphore_mem>>) src(%arg8 : memref<128x128xf32, #tpu.memory_space<vmem>>) dst(%dma_wait3A_100 : memref<10240x128xf32, #tpu.memory_space<vmem_shared>>)
        %sub3A_101 = arith.constant 1 : i32
        %sub3A_102 = arith.subi %scan3A_36, %sub3A_101 : i32
        %mul3A_103 = arith.constant 4 : i32
        %mul3A_104 = arith.muli %sub3A_102, %mul3A_103 : i32
        %add3A_105 = arith.constant 2 : i32
        %add3A_106 = arith.addi %mul3A_104, %add3A_105 : i32
        %dma_wait3A_107 = arith.constant 0 : i32
        %dma_wait3A_108 = tpu.memref_slice %arg7[%add3A_106, %dma_wait3A_107] : memref<80x128xi32, #tpu.memory_space<vmem>> -> memref<1x128xi32, #tpu.memory_space<vmem>>
        %dma_wait3A_109 = tpu.memref_squeeze %dma_wait3A_108 : memref<1x128xi32, #tpu.memory_space<vmem>> -> memref<128xi32, #tpu.memory_space<vmem>>
        %dma_wait3A_110 = arith.constant 0 : i32
        %dma_wait3A_111 = arith.constant 0 : i32
        %dma_wait3A_112 = tpu.memref_slice %arg6[%dma_wait3A_110, %dma_wait3A_111] : memref<10240x128xf32, #tpu.memory_space<vmem_shared>> -> memref<10240x128xf32, #tpu.memory_space<vmem_shared>>
        tpu.wait_indirect_dma semaphore(%arg11 : memref<!tpu.dma_semaphore, #tpu.memory_space<semaphore_mem>>) src(%arg8 : memref<128x128xf32, #tpu.memory_space<vmem>>) dst(%dma_wait3A_112 : memref<10240x128xf32, #tpu.memory_space<vmem_shared>>)
        %sub3A_113 = arith.constant 1 : i32
        %sub3A_114 = arith.subi %scan3A_36, %sub3A_113 : i32
        %mul3A_115 = arith.constant 4 : i32
        %mul3A_116 = arith.muli %sub3A_114, %mul3A_115 : i32
        %add3A_117 = arith.constant 3 : i32
        %add3A_118 = arith.addi %mul3A_116, %add3A_117 : i32
        %dma_wait3A_119 = arith.constant 0 : i32
        %dma_wait3A_120 = tpu.memref_slice %arg7[%add3A_118, %dma_wait3A_119] : memref<80x128xi32, #tpu.memory_space<vmem>> -> memref<1x128xi32, #tpu.memory_space<vmem>>
        %dma_wait3A_121 = tpu.memref_squeeze %dma_wait3A_120 : memref<1x128xi32, #tpu.memory_space<vmem>> -> memref<128xi32, #tpu.memory_space<vmem>>
        %dma_wait3A_122 = arith.constant 0 : i32
        %dma_wait3A_123 = arith.constant 0 : i32
        %dma_wait3A_124 = tpu.memref_slice %arg6[%dma_wait3A_122, %dma_wait3A_123] : memref<10240x128xf32, #tpu.memory_space<vmem_shared>> -> memref<10240x128xf32, #tpu.memory_space<vmem_shared>>
        tpu.wait_indirect_dma semaphore(%arg12 : memref<!tpu.dma_semaphore, #tpu.memory_space<semaphore_mem>>) src(%arg8 : memref<128x128xf32, #tpu.memory_space<vmem>>) dst(%dma_wait3A_124 : memref<10240x128xf32, #tpu.memory_space<vmem_shared>>)
      } else {
      }
      %mul3A_39 = arith.constant 4 : i32
      %mul3A_40 = arith.muli %scan3A_36, %mul3A_39 : i32
      %add3A_41 = arith.constant 0 : i32
      %add3A_42 = arith.addi %mul3A_40, %add3A_41 : i32
      %dma_start3A = arith.constant 0 : i32
      %dma_start3A_43 = tpu.memref_slice %arg7[%add3A_42, %dma_start3A] : memref<80x128xi32, #tpu.memory_space<vmem>> -> memref<1x128xi32, #tpu.memory_space<vmem>>
      %dma_start3A_44 = tpu.memref_squeeze %dma_start3A_43 : memref<1x128xi32, #tpu.memory_space<vmem>> -> memref<128xi32, #tpu.memory_space<vmem>>
      %dma_start3A_45 = arith.constant 0 : i32
      %dma_start3A_46 = arith.constant 0 : i32
      %dma_start3A_47 = tpu.memref_slice %arg6[%dma_start3A_45, %dma_start3A_46] : memref<10240x128xf32, #tpu.memory_space<vmem_shared>> -> memref<10240x128xf32, #tpu.memory_space<vmem_shared>>
      tpu.enqueue_indirect_dma source(%arg8 : memref<128x128xf32, #tpu.memory_space<vmem>>) target(%dma_start3A_47 : memref<10240x128xf32, #tpu.memory_space<vmem_shared>>) offsets(%dma_start3A_44 : memref<128xi32, #tpu.memory_space<vmem>>) semaphore(%arg9 : memref<!tpu.dma_semaphore, #tpu.memory_space<semaphore_mem>>) {add = true}
      %mul3A_48 = arith.constant 4 : i32
      %mul3A_49 = arith.muli %scan3A_36, %mul3A_48 : i32
      %add3A_50 = arith.constant 1 : i32
      %add3A_51 = arith.addi %mul3A_49, %add3A_50 : i32
      %dma_start3A_52 = arith.constant 0 : i32
      %dma_start3A_53 = tpu.memref_slice %arg7[%add3A_51, %dma_start3A_52] : memref<80x128xi32, #tpu.memory_space<vmem>> -> memref<1x128xi32, #tpu.memory_space<vmem>>
      %dma_start3A_54 = tpu.memref_squeeze %dma_start3A_53 : memref<1x128xi32, #tpu.memory_space<vmem>> -> memref<128xi32, #tpu.memory_space<vmem>>
      %dma_start3A_55 = arith.constant 0 : i32
      %dma_start3A_56 = arith.constant 0 : i32
      %dma_start3A_57 = tpu.memref_slice %arg6[%dma_start3A_55, %dma_start3A_56] : memref<10240x128xf32, #tpu.memory_space<vmem_shared>> -> memref<10240x128xf32, #tpu.memory_space<vmem_shared>>
      tpu.enqueue_indirect_dma source(%arg8 : memref<128x128xf32, #tpu.memory_space<vmem>>) target(%dma_start3A_57 : memref<10240x128xf32, #tpu.memory_space<vmem_shared>>) offsets(%dma_start3A_54 : memref<128xi32, #tpu.memory_space<vmem>>) semaphore(%arg10 : memref<!tpu.dma_semaphore, #tpu.memory_space<semaphore_mem>>) {add = true}
      %mul3A_58 = arith.constant 4 : i32
      %mul3A_59 = arith.muli %scan3A_36, %mul3A_58 : i32
      %add3A_60 = arith.constant 2 : i32
      %add3A_61 = arith.addi %mul3A_59, %add3A_60 : i32
      %dma_start3A_62 = arith.constant 0 : i32
      %dma_start3A_63 = tpu.memref_slice %arg7[%add3A_61, %dma_start3A_62] : memref<80x128xi32, #tpu.memory_space<vmem>> -> memref<1x128xi32, #tpu.memory_space<vmem>>
      %dma_start3A_64 = tpu.memref_squeeze %dma_start3A_63 : memref<1x128xi32, #tpu.memory_space<vmem>> -> memref<128xi32, #tpu.memory_space<vmem>>
      %dma_start3A_65 = arith.constant 0 : i32
      %dma_start3A_66 = arith.constant 0 : i32
      %dma_start3A_67 = tpu.memref_slice %arg6[%dma_start3A_65, %dma_start3A_66] : memref<10240x128xf32, #tpu.memory_space<vmem_shared>> -> memref<10240x128xf32, #tpu.memory_space<vmem_shared>>
      tpu.enqueue_indirect_dma source(%arg8 : memref<128x128xf32, #tpu.memory_space<vmem>>) target(%dma_start3A_67 : memref<10240x128xf32, #tpu.memory_space<vmem_shared>>) offsets(%dma_start3A_64 : memref<128xi32, #tpu.memory_space<vmem>>) semaphore(%arg11 : memref<!tpu.dma_semaphore, #tpu.memory_space<semaphore_mem>>) {add = true}
      %mul3A_68 = arith.constant 4 : i32
      %mul3A_69 = arith.muli %scan3A_36, %mul3A_68 : i32
      %add3A_70 = arith.constant 3 : i32
      %add3A_71 = arith.addi %mul3A_69, %add3A_70 : i32
      %dma_start3A_72 = arith.constant 0 : i32
      %dma_start3A_73 = tpu.memref_slice %arg7[%add3A_71, %dma_start3A_72] : memref<80x128xi32, #tpu.memory_space<vmem>> -> memref<1x128xi32, #tpu.memory_space<vmem>>
      %dma_start3A_74 = tpu.memref_squeeze %dma_start3A_73 : memref<1x128xi32, #tpu.memory_space<vmem>> -> memref<128xi32, #tpu.memory_space<vmem>>
      %dma_start3A_75 = arith.constant 0 : i32
      %dma_start3A_76 = arith.constant 0 : i32
      %dma_start3A_77 = tpu.memref_slice %arg6[%dma_start3A_75, %dma_start3A_76] : memref<10240x128xf32, #tpu.memory_space<vmem_shared>> -> memref<10240x128xf32, #tpu.memory_space<vmem_shared>>
      tpu.enqueue_indirect_dma source(%arg8 : memref<128x128xf32, #tpu.memory_space<vmem>>) target(%dma_start3A_77 : memref<10240x128xf32, #tpu.memory_space<vmem_shared>>) offsets(%dma_start3A_74 : memref<128xi32, #tpu.memory_space<vmem>>) semaphore(%arg12 : memref<!tpu.dma_semaphore, #tpu.memory_space<semaphore_mem>>) {add = true}
    }
    %scan3A_5 = arith.constant 20 : i32
    %dma_wait3A = arith.constant 76 : i32
    %dma_wait3A_6 = arith.constant 0 : i32
    %dma_wait3A_7 = tpu.memref_slice %arg7[%dma_wait3A, %dma_wait3A_6] : memref<80x128xi32, #tpu.memory_space<vmem>> -> memref<1x128xi32, #tpu.memory_space<vmem>>
    %dma_wait3A_8 = tpu.memref_squeeze %dma_wait3A_7 : memref<1x128xi32, #tpu.memory_space<vmem>> -> memref<128xi32, #tpu.memory_space<vmem>>
    %dma_wait3A_9 = arith.constant 0 : i32
    %dma_wait3A_10 = arith.constant 0 : i32
    %dma_wait3A_11 = tpu.memref_slice %arg6[%dma_wait3A_9, %dma_wait3A_10] : memref<10240x128xf32, #tpu.memory_space<vmem_shared>> -> memref<10240x128xf32, #tpu.memory_space<vmem_shared>>
    tpu.wait_indirect_dma semaphore(%arg9 : memref<!tpu.dma_semaphore, #tpu.memory_space<semaphore_mem>>) src(%arg8 : memref<128x128xf32, #tpu.memory_space<vmem>>) dst(%dma_wait3A_11 : memref<10240x128xf32, #tpu.memory_space<vmem_shared>>)
    %dma_wait3A_12 = arith.constant 77 : i32
    %dma_wait3A_13 = arith.constant 0 : i32
    %dma_wait3A_14 = tpu.memref_slice %arg7[%dma_wait3A_12, %dma_wait3A_13] : memref<80x128xi32, #tpu.memory_space<vmem>> -> memref<1x128xi32, #tpu.memory_space<vmem>>
    %dma_wait3A_15 = tpu.memref_squeeze %dma_wait3A_14 : memref<1x128xi32, #tpu.memory_space<vmem>> -> memref<128xi32, #tpu.memory_space<vmem>>
    %dma_wait3A_16 = arith.constant 0 : i32
    %dma_wait3A_17 = arith.constant 0 : i32
    %dma_wait3A_18 = tpu.memref_slice %arg6[%dma_wait3A_16, %dma_wait3A_17] : memref<10240x128xf32, #tpu.memory_space<vmem_shared>> -> memref<10240x128xf32, #tpu.memory_space<vmem_shared>>
    tpu.wait_indirect_dma semaphore(%arg10 : memref<!tpu.dma_semaphore, #tpu.memory_space<semaphore_mem>>) src(%arg8 : memref<128x128xf32, #tpu.memory_space<vmem>>) dst(%dma_wait3A_18 : memref<10240x128xf32, #tpu.memory_space<vmem_shared>>)
    %dma_wait3A_19 = arith.constant 78 : i32
    %dma_wait3A_20 = arith.constant 0 : i32
    %dma_wait3A_21 = tpu.memref_slice %arg7[%dma_wait3A_19, %dma_wait3A_20] : memref<80x128xi32, #tpu.memory_space<vmem>> -> memref<1x128xi32, #tpu.memory_space<vmem>>
    %dma_wait3A_22 = tpu.memref_squeeze %dma_wait3A_21 : memref<1x128xi32, #tpu.memory_space<vmem>> -> memref<128xi32, #tpu.memory_space<vmem>>
    %dma_wait3A_23 = arith.constant 0 : i32
    %dma_wait3A_24 = arith.constant 0 : i32
    %dma_wait3A_25 = tpu.memref_slice %arg6[%dma_wait3A_23, %dma_wait3A_24] : memref<10240x128xf32, #tpu.memory_space<vmem_shared>> -> memref<10240x128xf32, #tpu.memory_space<vmem_shared>>
    tpu.wait_indirect_dma semaphore(%arg11 : memref<!tpu.dma_semaphore, #tpu.memory_space<semaphore_mem>>) src(%arg8 : memref<128x128xf32, #tpu.memory_space<vmem>>) dst(%dma_wait3A_25 : memref<10240x128xf32, #tpu.memory_space<vmem_shared>>)
    %dma_wait3A_26 = arith.constant 79 : i32
    %dma_wait3A_27 = arith.constant 0 : i32
    %dma_wait3A_28 = tpu.memref_slice %arg7[%dma_wait3A_26, %dma_wait3A_27] : memref<80x128xi32, #tpu.memory_space<vmem>> -> memref<1x128xi32, #tpu.memory_space<vmem>>
    %dma_wait3A_29 = tpu.memref_squeeze %dma_wait3A_28 : memref<1x128xi32, #tpu.memory_space<vmem>> -> memref<128xi32, #tpu.memory_space<vmem>>
    %dma_wait3A_30 = arith.constant 0 : i32
    %dma_wait3A_31 = arith.constant 0 : i32
    %dma_wait3A_32 = tpu.memref_slice %arg6[%dma_wait3A_30, %dma_wait3A_31] : memref<10240x128xf32, #tpu.memory_space<vmem_shared>> -> memref<10240x128xf32, #tpu.memory_space<vmem_shared>>
    tpu.wait_indirect_dma semaphore(%arg12 : memref<!tpu.dma_semaphore, #tpu.memory_space<semaphore_mem>>) src(%arg8 : memref<128x128xf32, #tpu.memory_space<vmem>>) dst(%dma_wait3A_32 : memref<10240x128xf32, #tpu.memory_space<vmem_shared>>)
    %barrier3A_33 = arith.constant 0 : index
    tpu.barrier barrier_id(%barrier3A_33)
    %mul3A_34 = arith.constant 10240 : i32
    %mul3A_35 = arith.muli %arg0, %mul3A_34 : i32
    %add3A = arith.addi %mul3A_35, %mul3A_0 : i32
    "tpu.region"() ({
      %run_scoped3A = tpu.sem_alloc : memref<!tpu.dma_semaphore, #tpu.memory_space<semaphore_mem>>
      %dma_start3A = arith.constant 0 : i32
      %dma_start3A_36 = tpu.memref_slice %arg5[%add3A, %dma_start3A] : memref<20480x128xf32, #tpu.memory_space<hbm>> -> memref<640x128xf32, #tpu.memory_space<hbm>>
      %dma_start3A_37 = arith.constant 0 : i32
      %dma_start3A_38 = tpu.memref_slice %arg6[%mul3A_0, %dma_start3A_37] : memref<10240x128xf32, #tpu.memory_space<vmem_shared>> -> memref<640x128xf32, #tpu.memory_space<vmem_shared>>
      tpu.enqueue_dma source(%dma_start3A_38 : memref<640x128xf32, #tpu.memory_space<vmem_shared>>) target(%dma_start3A_36 : memref<640x128xf32, #tpu.memory_space<hbm>>) target_semaphore(%run_scoped3A : memref<!tpu.dma_semaphore, #tpu.memory_space<semaphore_mem>>)
      %dma_wait3A_39 = arith.constant 0 : i32
      %dma_wait3A_40 = tpu.memref_slice %arg5[%add3A, %dma_wait3A_39] : memref<20480x128xf32, #tpu.memory_space<hbm>> -> memref<640x128xf32, #tpu.memory_space<hbm>>
      %dma_wait3A_41 = arith.constant 0 : i32
      %dma_wait3A_42 = tpu.memref_slice %arg6[%mul3A_0, %dma_wait3A_41] : memref<10240x128xf32, #tpu.memory_space<vmem_shared>> -> memref<640x128xf32, #tpu.memory_space<vmem_shared>>
      tpu.wait_dma2 semaphore(%run_scoped3A : memref<!tpu.dma_semaphore, #tpu.memory_space<semaphore_mem>>) src(%dma_wait3A_42 : memref<640x128xf32, #tpu.memory_space<vmem_shared>>) dst(%dma_wait3A_40 : memref<640x128xf32, #tpu.memory_space<hbm>>)
      tpu.yield
    }) : () -> ()
    return
  }
}

#map = affine_map<(d0, d1) -> (0, 0)>
#map1 = affine_map<(d0, d1) -> (0, 0, 0, 0)>
#map2 = affine_map<(d0, d1) -> (0, 0, 0)>
module attributes {stable_mosaic.version = 14 : i64} {
  func.func @k(%arg0: i32, %arg1: i32, %arg2: memref<20480x128xf32, #tpu.memory_space<hbm>>, %arg3: memref<2x16x160x128xi32, #tpu.memory_space<hbm>>, %arg4: memref<16x160x128xi32, #tpu.memory_space<hbm>>, %arg5: memref<10240x128xf32, #tpu.memory_space<hbm>>, %arg6: memref<20480x128xf32, #tpu.memory_space<hbm>>, %arg7: memref<10240x128xf32, #tpu.memory_space<vmem_shared>>, %arg8: memref<8x128xi32, #tpu.memory_space<vmem>>, %arg9: memref<8x128xi32, #tpu.memory_space<vmem>>, %arg10: memref<8x128xi32, #tpu.memory_space<vmem>>, %arg11: memref<8x128xi32, #tpu.memory_space<vmem>>, %arg12: memref<128x128xf32, #tpu.memory_space<vmem>>, %arg13: memref<128x128xf32, #tpu.memory_space<vmem>>, %arg14: memref<!tpu.dma_semaphore, #tpu.memory_space<semaphore_mem>>, %arg15: memref<!tpu.dma_semaphore, #tpu.memory_space<semaphore_mem>>, %arg16: memref<!tpu.dma_semaphore, #tpu.memory_space<semaphore_mem>>, %arg17: memref<!tpu.dma_semaphore, #tpu.memory_space<semaphore_mem>>, %arg18: memref<!tpu.dma_semaphore, #tpu.memory_space<semaphore_mem>>, %arg19: memref<!tpu.dma_semaphore, #tpu.memory_space<semaphore_mem>>) attributes {dimension_semantics = [#tpu.dimension_semantics<core_parallel>, #tpu.dimension_semantics<subcore_parallel>], iteration_bounds = array<i64: 2, 16>, scalar_prefetch = 0 : i64, scratch_operands = 13 : i64, tpu.core_type = #tpu.core_type<sc_vector_subcore>, window_params = [{transform_indices = #map}, {transform_indices = #map1}, {transform_indices = #map2}, {transform_indices = #map}, {transform_indices = #map}]} {
    %mul3A = arith.constant 640 : i32
    %mul3A_0 = arith.muli %arg1, %mul3A : i32
    "tpu.region"() ({
      %run_scoped3A = tpu.sem_alloc : memref<!tpu.dma_semaphore, #tpu.memory_space<semaphore_mem>>
      %dma_start3A_21 = arith.constant 0 : i32
      %dma_start3A_22 = arith.constant 0 : i32
      %dma_start3A_23 = tpu.memref_slice %arg3[%arg0, %arg1, %dma_start3A_21, %dma_start3A_22] : memref<2x16x160x128xi32, #tpu.memory_space<hbm>> -> memref<1x1x8x128xi32, #tpu.memory_space<hbm>>
      %dma_start3A_24 = tpu.memref_squeeze %dma_start3A_23 : memref<1x1x8x128xi32, #tpu.memory_space<hbm>> -> memref<8x128xi32, #tpu.memory_space<hbm>>
      %dma_start3A_25 = arith.constant 0 : i32
      %dma_start3A_26 = arith.constant 0 : i32
      %dma_start3A_27 = tpu.memref_slice %arg3[%arg0, %arg1, %dma_start3A_25, %dma_start3A_26] : memref<2x16x160x128xi32, #tpu.memory_space<hbm>> -> memref<1x1x8x128xi32, #tpu.memory_space<hbm>>
      %dma_start3A_28 = tpu.memref_squeeze %dma_start3A_27 : memref<1x1x8x128xi32, #tpu.memory_space<hbm>> -> memref<8x128xi32, #tpu.memory_space<hbm>>
      tpu.enqueue_dma source(%dma_start3A_28 : memref<8x128xi32, #tpu.memory_space<hbm>>) target(%arg8 : memref<8x128xi32, #tpu.memory_space<vmem>>) target_semaphore(%run_scoped3A : memref<!tpu.dma_semaphore, #tpu.memory_space<semaphore_mem>>)
      %dma_wait3A_29 = arith.constant 0 : i32
      %dma_wait3A_30 = arith.constant 0 : i32
      %dma_wait3A_31 = tpu.memref_slice %arg3[%arg0, %arg1, %dma_wait3A_29, %dma_wait3A_30] : memref<2x16x160x128xi32, #tpu.memory_space<hbm>> -> memref<1x1x8x128xi32, #tpu.memory_space<hbm>>
      %dma_wait3A_32 = tpu.memref_squeeze %dma_wait3A_31 : memref<1x1x8x128xi32, #tpu.memory_space<hbm>> -> memref<8x128xi32, #tpu.memory_space<hbm>>
      %dma_wait3A_33 = arith.constant 0 : i32
      %dma_wait3A_34 = arith.constant 0 : i32
      %dma_wait3A_35 = tpu.memref_slice %arg3[%arg0, %arg1, %dma_wait3A_33, %dma_wait3A_34] : memref<2x16x160x128xi32, #tpu.memory_space<hbm>> -> memref<1x1x8x128xi32, #tpu.memory_space<hbm>>
      %dma_wait3A_36 = tpu.memref_squeeze %dma_wait3A_35 : memref<1x1x8x128xi32, #tpu.memory_space<hbm>> -> memref<8x128xi32, #tpu.memory_space<hbm>>
      tpu.wait_dma2 semaphore(%run_scoped3A : memref<!tpu.dma_semaphore, #tpu.memory_space<semaphore_mem>>) src(%dma_wait3A_36 : memref<8x128xi32, #tpu.memory_space<hbm>>) dst(%arg8 : memref<8x128xi32, #tpu.memory_space<vmem>>)
      tpu.yield
    }) : () -> ()
    "tpu.region"() ({
      %run_scoped3A = tpu.sem_alloc : memref<!tpu.dma_semaphore, #tpu.memory_space<semaphore_mem>>
      %dma_start3A_21 = arith.constant 0 : i32
      %dma_start3A_22 = arith.constant 0 : i32
      %dma_start3A_23 = tpu.memref_slice %arg4[%arg1, %dma_start3A_21, %dma_start3A_22] : memref<16x160x128xi32, #tpu.memory_space<hbm>> -> memref<1x8x128xi32, #tpu.memory_space<hbm>>
      %dma_start3A_24 = tpu.memref_squeeze %dma_start3A_23 : memref<1x8x128xi32, #tpu.memory_space<hbm>> -> memref<8x128xi32, #tpu.memory_space<hbm>>
      %dma_start3A_25 = arith.constant 0 : i32
      %dma_start3A_26 = arith.constant 0 : i32
      %dma_start3A_27 = tpu.memref_slice %arg4[%arg1, %dma_start3A_25, %dma_start3A_26] : memref<16x160x128xi32, #tpu.memory_space<hbm>> -> memref<1x8x128xi32, #tpu.memory_space<hbm>>
      %dma_start3A_28 = tpu.memref_squeeze %dma_start3A_27 : memref<1x8x128xi32, #tpu.memory_space<hbm>> -> memref<8x128xi32, #tpu.memory_space<hbm>>
      tpu.enqueue_dma source(%dma_start3A_28 : memref<8x128xi32, #tpu.memory_space<hbm>>) target(%arg10 : memref<8x128xi32, #tpu.memory_space<vmem>>) target_semaphore(%run_scoped3A : memref<!tpu.dma_semaphore, #tpu.memory_space<semaphore_mem>>)
      %dma_wait3A_29 = arith.constant 0 : i32
      %dma_wait3A_30 = arith.constant 0 : i32
      %dma_wait3A_31 = tpu.memref_slice %arg4[%arg1, %dma_wait3A_29, %dma_wait3A_30] : memref<16x160x128xi32, #tpu.memory_space<hbm>> -> memref<1x8x128xi32, #tpu.memory_space<hbm>>
      %dma_wait3A_32 = tpu.memref_squeeze %dma_wait3A_31 : memref<1x8x128xi32, #tpu.memory_space<hbm>> -> memref<8x128xi32, #tpu.memory_space<hbm>>
      %dma_wait3A_33 = arith.constant 0 : i32
      %dma_wait3A_34 = arith.constant 0 : i32
      %dma_wait3A_35 = tpu.memref_slice %arg4[%arg1, %dma_wait3A_33, %dma_wait3A_34] : memref<16x160x128xi32, #tpu.memory_space<hbm>> -> memref<1x8x128xi32, #tpu.memory_space<hbm>>
      %dma_wait3A_36 = tpu.memref_squeeze %dma_wait3A_35 : memref<1x8x128xi32, #tpu.memory_space<hbm>> -> memref<8x128xi32, #tpu.memory_space<hbm>>
      tpu.wait_dma2 semaphore(%run_scoped3A : memref<!tpu.dma_semaphore, #tpu.memory_space<semaphore_mem>>) src(%dma_wait3A_36 : memref<8x128xi32, #tpu.memory_space<hbm>>) dst(%arg10 : memref<8x128xi32, #tpu.memory_space<vmem>>)
      tpu.yield
    }) : () -> ()
    %dma_start3A = arith.constant 0 : i32
    %dma_start3A_1 = arith.constant 0 : i32
    %dma_start3A_2 = tpu.memref_slice %arg8[%dma_start3A, %dma_start3A_1] : memref<8x128xi32, #tpu.memory_space<vmem>> -> memref<1x128xi32, #tpu.memory_space<vmem>>
    %dma_start3A_3 = tpu.memref_squeeze %dma_start3A_2 : memref<1x128xi32, #tpu.memory_space<vmem>> -> memref<128xi32, #tpu.memory_space<vmem>>
    %dma_start3A_4 = arith.constant 0 : i32
    %dma_start3A_5 = arith.constant 0 : i32
    %dma_start3A_6 = tpu.memref_slice %arg2[%dma_start3A_4, %dma_start3A_5] : memref<20480x128xf32, #tpu.memory_space<hbm>> -> memref<20480x128xf32, #tpu.memory_space<hbm>>
    tpu.enqueue_indirect_dma source(%dma_start3A_6 : memref<20480x128xf32, #tpu.memory_space<hbm>>) target(%arg12 : memref<128x128xf32, #tpu.memory_space<vmem>>) offsets(%dma_start3A_3 : memref<128xi32, #tpu.memory_space<vmem>>) semaphore(%arg16 : memref<!tpu.dma_semaphore, #tpu.memory_space<semaphore_mem>>)
    "tpu.region"() ({
      %run_scoped3A = tpu.sem_alloc : memref<!tpu.dma_semaphore, #tpu.memory_space<semaphore_mem>>
      %dma_start3A_21 = arith.constant 0 : i32
      %dma_start3A_22 = tpu.memref_slice %arg7[%mul3A_0, %dma_start3A_21] : memref<10240x128xf32, #tpu.memory_space<vmem_shared>> -> memref<640x128xf32, #tpu.memory_space<vmem_shared>>
      %dma_start3A_23 = arith.constant 0 : i32
      %dma_start3A_24 = tpu.memref_slice %arg5[%mul3A_0, %dma_start3A_23] : memref<10240x128xf32, #tpu.memory_space<hbm>> -> memref<640x128xf32, #tpu.memory_space<hbm>>
      tpu.enqueue_dma source(%dma_start3A_24 : memref<640x128xf32, #tpu.memory_space<hbm>>) target(%dma_start3A_22 : memref<640x128xf32, #tpu.memory_space<vmem_shared>>) target_semaphore(%run_scoped3A : memref<!tpu.dma_semaphore, #tpu.memory_space<semaphore_mem>>)
      %dma_wait3A_25 = arith.constant 0 : i32
      %dma_wait3A_26 = tpu.memref_slice %arg7[%mul3A_0, %dma_wait3A_25] : memref<10240x128xf32, #tpu.memory_space<vmem_shared>> -> memref<640x128xf32, #tpu.memory_space<vmem_shared>>
      %dma_wait3A_27 = arith.constant 0 : i32
      %dma_wait3A_28 = tpu.memref_slice %arg5[%mul3A_0, %dma_wait3A_27] : memref<10240x128xf32, #tpu.memory_space<hbm>> -> memref<640x128xf32, #tpu.memory_space<hbm>>
      tpu.wait_dma2 semaphore(%run_scoped3A : memref<!tpu.dma_semaphore, #tpu.memory_space<semaphore_mem>>) src(%dma_wait3A_28 : memref<640x128xf32, #tpu.memory_space<hbm>>) dst(%dma_wait3A_26 : memref<640x128xf32, #tpu.memory_space<vmem_shared>>)
      tpu.yield
    }) : () -> ()
    %barrier3A = arith.constant 0 : index
    tpu.barrier barrier_id(%barrier3A)
    %scan3A = arith.constant 0 : i32
    %scan3A_7 = arith.constant 0 : i32
    %scan3A_8 = arith.constant 10 : i32
    %scan3A_9 = arith.addi %scan3A_7, %scan3A_8 : i32
    %scan3A_10 = arith.constant 1 : i32
    scf.for %scan3A_21 = %scan3A_7 to %scan3A_9 step %scan3A_10  : i32 {
      %dma_wait3A_22 = arith.constant 0 : i32
      %dma_wait3A_23 = arith.constant 0 : i32
      %dma_wait3A_24 = tpu.memref_slice %arg8[%dma_wait3A_22, %dma_wait3A_23] : memref<8x128xi32, #tpu.memory_space<vmem>> -> memref<1x128xi32, #tpu.memory_space<vmem>>
      %dma_wait3A_25 = tpu.memref_squeeze %dma_wait3A_24 : memref<1x128xi32, #tpu.memory_space<vmem>> -> memref<128xi32, #tpu.memory_space<vmem>>
      %dma_wait3A_26 = arith.constant 0 : i32
      %dma_wait3A_27 = arith.constant 0 : i32
      %dma_wait3A_28 = tpu.memref_slice %arg2[%dma_wait3A_26, %dma_wait3A_27] : memref<20480x128xf32, #tpu.memory_space<hbm>> -> memref<20480x128xf32, #tpu.memory_space<hbm>>
      tpu.wait_indirect_dma semaphore(%arg16 : memref<!tpu.dma_semaphore, #tpu.memory_space<semaphore_mem>>) src(%dma_wait3A_28 : memref<20480x128xf32, #tpu.memory_space<hbm>>) dst(%arg12 : memref<128x128xf32, #tpu.memory_space<vmem>>)
      %dma_start3A_29 = arith.constant 0 : i32
      %dma_start3A_30 = arith.constant 0 : i32
      %dma_start3A_31 = tpu.memref_slice %arg10[%dma_start3A_29, %dma_start3A_30] : memref<8x128xi32, #tpu.memory_space<vmem>> -> memref<1x128xi32, #tpu.memory_space<vmem>>
      %dma_start3A_32 = tpu.memref_squeeze %dma_start3A_31 : memref<1x128xi32, #tpu.memory_space<vmem>> -> memref<128xi32, #tpu.memory_space<vmem>>
      %dma_start3A_33 = arith.constant 0 : i32
      %dma_start3A_34 = arith.constant 0 : i32
      %dma_start3A_35 = tpu.memref_slice %arg7[%dma_start3A_33, %dma_start3A_34] : memref<10240x128xf32, #tpu.memory_space<vmem_shared>> -> memref<10240x128xf32, #tpu.memory_space<vmem_shared>>
      tpu.enqueue_indirect_dma source(%arg12 : memref<128x128xf32, #tpu.memory_space<vmem>>) target(%dma_start3A_35 : memref<10240x128xf32, #tpu.memory_space<vmem_shared>>) offsets(%dma_start3A_32 : memref<128xi32, #tpu.memory_space<vmem>>) semaphore(%arg18 : memref<!tpu.dma_semaphore, #tpu.memory_space<semaphore_mem>>) {add = true}
      %gt3A = arith.constant 0 : i32
      %gt3A_36 = arith.cmpi sgt, %scan3A_21, %gt3A : i32
      %convert_element_type3A = arith.extui %gt3A_36 : i1 to i32
      %cond3A = arith.constant 0 : i32
      %cond3A_37 = arith.cmpi ne, %convert_element_type3A, %cond3A : i32
      scf.if %cond3A_37 {
        %dma_wait3A_507 = arith.constant 7 : i32
        %dma_wait3A_508 = arith.constant 0 : i32
        %dma_wait3A_509 = tpu.memref_slice %arg11[%dma_wait3A_507, %dma_wait3A_508] : memref<8x128xi32, #tpu.memory_space<vmem>> -> memref<1x128xi32, #tpu.memory_space<vmem>>
        %dma_wait3A_510 = tpu.memref_squeeze %dma_wait3A_509 : memref<1x128xi32, #tpu.memory_space<vmem>> -> memref<128xi32, #tpu.memory_space<vmem>>
        %dma_wait3A_511 = arith.constant 0 : i32
        %dma_wait3A_512 = arith.constant 0 : i32
        %dma_wait3A_513 = tpu.memref_slice %arg7[%dma_wait3A_511, %dma_wait3A_512] : memref<10240x128xf32, #tpu.memory_space<vmem_shared>> -> memref<10240x128xf32, #tpu.memory_space<vmem_shared>>
        tpu.wait_indirect_dma semaphore(%arg19 : memref<!tpu.dma_semaphore, #tpu.memory_space<semaphore_mem>>) src(%arg13 : memref<128x128xf32, #tpu.memory_space<vmem>>) dst(%dma_wait3A_513 : memref<10240x128xf32, #tpu.memory_space<vmem_shared>>)
      } else {
      }
      %dma_start3A_38 = arith.constant 1 : i32
      %dma_start3A_39 = arith.constant 0 : i32
      %dma_start3A_40 = tpu.memref_slice %arg8[%dma_start3A_38, %dma_start3A_39] : memref<8x128xi32, #tpu.memory_space<vmem>> -> memref<1x128xi32, #tpu.memory_space<vmem>>
      %dma_start3A_41 = tpu.memref_squeeze %dma_start3A_40 : memref<1x128xi32, #tpu.memory_space<vmem>> -> memref<128xi32, #tpu.memory_space<vmem>>
      %dma_start3A_42 = arith.constant 0 : i32
      %dma_start3A_43 = arith.constant 0 : i32
      %dma_start3A_44 = tpu.memref_slice %arg2[%dma_start3A_42, %dma_start3A_43] : memref<20480x128xf32, #tpu.memory_space<hbm>> -> memref<20480x128xf32, #tpu.memory_space<hbm>>
      tpu.enqueue_indirect_dma source(%dma_start3A_44 : memref<20480x128xf32, #tpu.memory_space<hbm>>) target(%arg13 : memref<128x128xf32, #tpu.memory_space<vmem>>) offsets(%dma_start3A_41 : memref<128xi32, #tpu.memory_space<vmem>>) semaphore(%arg17 : memref<!tpu.dma_semaphore, #tpu.memory_space<semaphore_mem>>)
      %dma_wait3A_45 = arith.constant 1 : i32
      %dma_wait3A_46 = arith.constant 0 : i32
      %dma_wait3A_47 = tpu.memref_slice %arg8[%dma_wait3A_45, %dma_wait3A_46] : memref<8x128xi32, #tpu.memory_space<vmem>> -> memref<1x128xi32, #tpu.memory_space<vmem>>
      %dma_wait3A_48 = tpu.memref_squeeze %dma_wait3A_47 : memref<1x128xi32, #tpu.memory_space<vmem>> -> memref<128xi32, #tpu.memory_space<vmem>>
      %dma_wait3A_49 = arith.constant 0 : i32
      %dma_wait3A_50 = arith.constant 0 : i32
      %dma_wait3A_51 = tpu.memref_slice %arg2[%dma_wait3A_49, %dma_wait3A_50] : memref<20480x128xf32, #tpu.memory_space<hbm>> -> memref<20480x128xf32, #tpu.memory_space<hbm>>
      tpu.wait_indirect_dma semaphore(%arg17 : memref<!tpu.dma_semaphore, #tpu.memory_space<semaphore_mem>>) src(%dma_wait3A_51 : memref<20480x128xf32, #tpu.memory_space<hbm>>) dst(%arg13 : memref<128x128xf32, #tpu.memory_space<vmem>>)
      %dma_start3A_52 = arith.constant 1 : i32
      %dma_start3A_53 = arith.constant 0 : i32
      %dma_start3A_54 = tpu.memref_slice %arg10[%dma_start3A_52, %dma_start3A_53] : memref<8x128xi32, #tpu.memory_space<vmem>> -> memref<1x128xi32, #tpu.memory_space<vmem>>
      %dma_start3A_55 = tpu.memref_squeeze %dma_start3A_54 : memref<1x128xi32, #tpu.memory_space<vmem>> -> memref<128xi32, #tpu.memory_space<vmem>>
      %dma_start3A_56 = arith.constant 0 : i32
      %dma_start3A_57 = arith.constant 0 : i32
      %dma_start3A_58 = tpu.memref_slice %arg7[%dma_start3A_56, %dma_start3A_57] : memref<10240x128xf32, #tpu.memory_space<vmem_shared>> -> memref<10240x128xf32, #tpu.memory_space<vmem_shared>>
      tpu.enqueue_indirect_dma source(%arg13 : memref<128x128xf32, #tpu.memory_space<vmem>>) target(%dma_start3A_58 : memref<10240x128xf32, #tpu.memory_space<vmem_shared>>) offsets(%dma_start3A_55 : memref<128xi32, #tpu.memory_space<vmem>>) semaphore(%arg19 : memref<!tpu.dma_semaphore, #tpu.memory_space<semaphore_mem>>) {add = true}
      %mul3A_59 = arith.constant 2 : i32
      %mul3A_60 = arith.muli %mul3A_59, %scan3A_21 : i32
      %add3A_61 = arith.constant 1 : i32
      %add3A_62 = arith.addi %mul3A_60, %add3A_61 : i32
      %mul3A_63 = arith.constant 8 : i32
      %mul3A_64 = arith.muli %add3A_62, %mul3A_63 : i32
      %mul3A_65 = arith.constant 8 : i32
      %mul3A_66 = arith.muli %add3A_62, %mul3A_65 : i32
      %dma_start3A_67 = arith.constant 0 : i32
      %dma_start3A_68 = tpu.memref_slice %arg3[%arg0, %arg1, %mul3A_64, %dma_start3A_67] : memref<2x16x160x128xi32, #tpu.memory_space<hbm>> -> memref<1x1x8x128xi32, #tpu.memory_space<hbm>>
      %dma_start3A_69 = tpu.memref_squeeze %dma_start3A_68 : memref<1x1x8x128xi32, #tpu.memory_space<hbm>> -> memref<8x128xi32, #tpu.memory_space<hbm>>
      %dma_start3A_70 = arith.constant 0 : i32
      %dma_start3A_71 = tpu.memref_slice %arg3[%arg0, %arg1, %mul3A_64, %dma_start3A_70] : memref<2x16x160x128xi32, #tpu.memory_space<hbm>> -> memref<1x1x8x128xi32, #tpu.memory_space<hbm>>
      %dma_start3A_72 = tpu.memref_squeeze %dma_start3A_71 : memref<1x1x8x128xi32, #tpu.memory_space<hbm>> -> memref<8x128xi32, #tpu.memory_space<hbm>>
      tpu.enqueue_dma source(%dma_start3A_72 : memref<8x128xi32, #tpu.memory_space<hbm>>) target(%arg9 : memref<8x128xi32, #tpu.memory_space<vmem>>) target_semaphore(%arg15 : memref<!tpu.dma_semaphore, #tpu.memory_space<semaphore_mem>>)
      %dma_start3A_73 = arith.constant 0 : i32
      %dma_start3A_74 = tpu.memref_slice %arg4[%arg1, %mul3A_66, %dma_start3A_73] : memref<16x160x128xi32, #tpu.memory_space<hbm>> -> memref<1x8x128xi32, #tpu.memory_space<hbm>>
      %dma_start3A_75 = tpu.memref_squeeze %dma_start3A_74 : memref<1x8x128xi32, #tpu.memory_space<hbm>> -> memref<8x128xi32, #tpu.memory_space<hbm>>
      %dma_start3A_76 = arith.constant 0 : i32
      %dma_start3A_77 = tpu.memref_slice %arg4[%arg1, %mul3A_66, %dma_start3A_76] : memref<16x160x128xi32, #tpu.memory_space<hbm>> -> memref<1x8x128xi32, #tpu.memory_space<hbm>>
      %dma_start3A_78 = tpu.memref_squeeze %dma_start3A_77 : memref<1x8x128xi32, #tpu.memory_space<hbm>> -> memref<8x128xi32, #tpu.memory_space<hbm>>
      tpu.enqueue_dma source(%dma_start3A_78 : memref<8x128xi32, #tpu.memory_space<hbm>>) target(%arg11 : memref<8x128xi32, #tpu.memory_space<vmem>>) target_semaphore(%arg15 : memref<!tpu.dma_semaphore, #tpu.memory_space<semaphore_mem>>)
      %dma_wait3A_79 = arith.constant 0 : i32
      %dma_wait3A_80 = arith.constant 0 : i32
      %dma_wait3A_81 = tpu.memref_slice %arg10[%dma_wait3A_79, %dma_wait3A_80] : memref<8x128xi32, #tpu.memory_space<vmem>> -> memref<1x128xi32, #tpu.memory_space<vmem>>
      %dma_wait3A_82 = tpu.memref_squeeze %dma_wait3A_81 : memref<1x128xi32, #tpu.memory_space<vmem>> -> memref<128xi32, #tpu.memory_space<vmem>>
      %dma_wait3A_83 = arith.constant 0 : i32
      %dma_wait3A_84 = arith.constant 0 : i32
      %dma_wait3A_85 = tpu.memref_slice %arg7[%dma_wait3A_83, %dma_wait3A_84] : memref<10240x128xf32, #tpu.memory_space<vmem_shared>> -> memref<10240x128xf32, #tpu.memory_space<vmem_shared>>
      tpu.wait_indirect_dma semaphore(%arg18 : memref<!tpu.dma_semaphore, #tpu.memory_space<semaphore_mem>>) src(%arg12 : memref<128x128xf32, #tpu.memory_space<vmem>>) dst(%dma_wait3A_85 : memref<10240x128xf32, #tpu.memory_space<vmem_shared>>)
      %dma_start3A_86 = arith.constant 2 : i32
      %dma_start3A_87 = arith.constant 0 : i32
      %dma_start3A_88 = tpu.memref_slice %arg8[%dma_start3A_86, %dma_start3A_87] : memref<8x128xi32, #tpu.memory_space<vmem>> -> memref<1x128xi32, #tpu.memory_space<vmem>>
      %dma_start3A_89 = tpu.memref_squeeze %dma_start3A_88 : memref<1x128xi32, #tpu.memory_space<vmem>> -> memref<128xi32, #tpu.memory_space<vmem>>
      %dma_start3A_90 = arith.constant 0 : i32
      %dma_start3A_91 = arith.constant 0 : i32
      %dma_start3A_92 = tpu.memref_slice %arg2[%dma_start3A_90, %dma_start3A_91] : memref<20480x128xf32, #tpu.memory_space<hbm>> -> memref<20480x128xf32, #tpu.memory_space<hbm>>
      tpu.enqueue_indirect_dma source(%dma_start3A_92 : memref<20480x128xf32, #tpu.memory_space<hbm>>) target(%arg12 : memref<128x128xf32, #tpu.memory_space<vmem>>) offsets(%dma_start3A_89 : memref<128xi32, #tpu.memory_space<vmem>>) semaphore(%arg16 : memref<!tpu.dma_semaphore, #tpu.memory_space<semaphore_mem>>)
      %dma_wait3A_93 = arith.constant 2 : i32
      %dma_wait3A_94 = arith.constant 0 : i32
      %dma_wait3A_95 = tpu.memref_slice %arg8[%dma_wait3A_93, %dma_wait3A_94] : memref<8x128xi32, #tpu.memory_space<vmem>> -> memref<1x128xi32, #tpu.memory_space<vmem>>
      %dma_wait3A_96 = tpu.memref_squeeze %dma_wait3A_95 : memref<1x128xi32, #tpu.memory_space<vmem>> -> memref<128xi32, #tpu.memory_space<vmem>>
      %dma_wait3A_97 = arith.constant 0 : i32
      %dma_wait3A_98 = arith.constant 0 : i32
      %dma_wait3A_99 = tpu.memref_slice %arg2[%dma_wait3A_97, %dma_wait3A_98] : memref<20480x128xf32, #tpu.memory_space<hbm>> -> memref<20480x128xf32, #tpu.memory_space<hbm>>
      tpu.wait_indirect_dma semaphore(%arg16 : memref<!tpu.dma_semaphore, #tpu.memory_space<semaphore_mem>>) src(%dma_wait3A_99 : memref<20480x128xf32, #tpu.memory_space<hbm>>) dst(%arg12 : memref<128x128xf32, #tpu.memory_space<vmem>>)
      %dma_start3A_100 = arith.constant 2 : i32
      %dma_start3A_101 = arith.constant 0 : i32
      %dma_start3A_102 = tpu.memref_slice %arg10[%dma_start3A_100, %dma_start3A_101] : memref<8x128xi32, #tpu.memory_space<vmem>> -> memref<1x128xi32, #tpu.memory_space<vmem>>
      %dma_start3A_103 = tpu.memref_squeeze %dma_start3A_102 : memref<1x128xi32, #tpu.memory_space<vmem>> -> memref<128xi32, #tpu.memory_space<vmem>>
      %dma_start3A_104 = arith.constant 0 : i32
      %dma_start3A_105 = arith.constant 0 : i32
      %dma_start3A_106 = tpu.memref_slice %arg7[%dma_start3A_104, %dma_start3A_105] : memref<10240x128xf32, #tpu.memory_space<vmem_shared>> -> memref<10240x128xf32, #tpu.memory_space<vmem_shared>>
      tpu.enqueue_indirect_dma source(%arg12 : memref<128x128xf32, #tpu.memory_space<vmem>>) target(%dma_start3A_106 : memref<10240x128xf32, #tpu.memory_space<vmem_shared>>) offsets(%dma_start3A_103 : memref<128xi32, #tpu.memory_space<vmem>>) semaphore(%arg18 : memref<!tpu.dma_semaphore, #tpu.memory_space<semaphore_mem>>) {add = true}
      %dma_wait3A_107 = arith.constant 1 : i32
      %dma_wait3A_108 = arith.constant 0 : i32
      %dma_wait3A_109 = tpu.memref_slice %arg10[%dma_wait3A_107, %dma_wait3A_108] : memref<8x128xi32, #tpu.memory_space<vmem>> -> memref<1x128xi32, #tpu.memory_space<vmem>>
      %dma_wait3A_110 = tpu.memref_squeeze %dma_wait3A_109 : memref<1x128xi32, #tpu.memory_space<vmem>> -> memref<128xi32, #tpu.memory_space<vmem>>
      %dma_wait3A_111 = arith.constant 0 : i32
      %dma_wait3A_112 = arith.constant 0 : i32
      %dma_wait3A_113 = tpu.memref_slice %arg7[%dma_wait3A_111, %dma_wait3A_112] : memref<10240x128xf32, #tpu.memory_space<vmem_shared>> -> memref<10240x128xf32, #tpu.memory_space<vmem_shared>>
      tpu.wait_indirect_dma semaphore(%arg19 : memref<!tpu.dma_semaphore, #tpu.memory_space<semaphore_mem>>) src(%arg13 : memref<128x128xf32, #tpu.memory_space<vmem>>) dst(%dma_wait3A_113 : memref<10240x128xf32, #tpu.memory_space<vmem_shared>>)
      %dma_start3A_114 = arith.constant 3 : i32
      %dma_start3A_115 = arith.constant 0 : i32
      %dma_start3A_116 = tpu.memref_slice %arg8[%dma_start3A_114, %dma_start3A_115] : memref<8x128xi32, #tpu.memory_space<vmem>> -> memref<1x128xi32, #tpu.memory_space<vmem>>
      %dma_start3A_117 = tpu.memref_squeeze %dma_start3A_116 : memref<1x128xi32, #tpu.memory_space<vmem>> -> memref<128xi32, #tpu.memory_space<vmem>>
      %dma_start3A_118 = arith.constant 0 : i32
      %dma_start3A_119 = arith.constant 0 : i32
      %dma_start3A_120 = tpu.memref_slice %arg2[%dma_start3A_118, %dma_start3A_119] : memref<20480x128xf32, #tpu.memory_space<hbm>> -> memref<20480x128xf32, #tpu.memory_space<hbm>>
      tpu.enqueue_indirect_dma source(%dma_start3A_120 : memref<20480x128xf32, #tpu.memory_space<hbm>>) target(%arg13 : memref<128x128xf32, #tpu.memory_space<vmem>>) offsets(%dma_start3A_117 : memref<128xi32, #tpu.memory_space<vmem>>) semaphore(%arg17 : memref<!tpu.dma_semaphore, #tpu.memory_space<semaphore_mem>>)
      %dma_wait3A_121 = arith.constant 3 : i32
      %dma_wait3A_122 = arith.constant 0 : i32
      %dma_wait3A_123 = tpu.memref_slice %arg8[%dma_wait3A_121, %dma_wait3A_122] : memref<8x128xi32, #tpu.memory_space<vmem>> -> memref<1x128xi32, #tpu.memory_space<vmem>>
      %dma_wait3A_124 = tpu.memref_squeeze %dma_wait3A_123 : memref<1x128xi32, #tpu.memory_space<vmem>> -> memref<128xi32, #tpu.memory_space<vmem>>
      %dma_wait3A_125 = arith.constant 0 : i32
      %dma_wait3A_126 = arith.constant 0 : i32
      %dma_wait3A_127 = tpu.memref_slice %arg2[%dma_wait3A_125, %dma_wait3A_126] : memref<20480x128xf32, #tpu.memory_space<hbm>> -> memref<20480x128xf32, #tpu.memory_space<hbm>>
      tpu.wait_indirect_dma semaphore(%arg17 : memref<!tpu.dma_semaphore, #tpu.memory_space<semaphore_mem>>) src(%dma_wait3A_127 : memref<20480x128xf32, #tpu.memory_space<hbm>>) dst(%arg13 : memref<128x128xf32, #tpu.memory_space<vmem>>)
      %dma_start3A_128 = arith.constant 3 : i32
      %dma_start3A_129 = arith.constant 0 : i32
      %dma_start3A_130 = tpu.memref_slice %arg10[%dma_start3A_128, %dma_start3A_129] : memref<8x128xi32, #tpu.memory_space<vmem>> -> memref<1x128xi32, #tpu.memory_space<vmem>>
      %dma_start3A_131 = tpu.memref_squeeze %dma_start3A_130 : memref<1x128xi32, #tpu.memory_space<vmem>> -> memref<128xi32, #tpu.memory_space<vmem>>
      %dma_start3A_132 = arith.constant 0 : i32
      %dma_start3A_133 = arith.constant 0 : i32
      %dma_start3A_134 = tpu.memref_slice %arg7[%dma_start3A_132, %dma_start3A_133] : memref<10240x128xf32, #tpu.memory_space<vmem_shared>> -> memref<10240x128xf32, #tpu.memory_space<vmem_shared>>
      tpu.enqueue_indirect_dma source(%arg13 : memref<128x128xf32, #tpu.memory_space<vmem>>) target(%dma_start3A_134 : memref<10240x128xf32, #tpu.memory_space<vmem_shared>>) offsets(%dma_start3A_131 : memref<128xi32, #tpu.memory_space<vmem>>) semaphore(%arg19 : memref<!tpu.dma_semaphore, #tpu.memory_space<semaphore_mem>>) {add = true}
      %dma_wait3A_135 = arith.constant 2 : i32
      %dma_wait3A_136 = arith.constant 0 : i32
      %dma_wait3A_137 = tpu.memref_slice %arg10[%dma_wait3A_135, %dma_wait3A_136] : memref<8x128xi32, #tpu.memory_space<vmem>> -> memref<1x128xi32, #tpu.memory_space<vmem>>
      %dma_wait3A_138 = tpu.memref_squeeze %dma_wait3A_137 : memref<1x128xi32, #tpu.memory_space<vmem>> -> memref<128xi32, #tpu.memory_space<vmem>>
      %dma_wait3A_139 = arith.constant 0 : i32
      %dma_wait3A_140 = arith.constant 0 : i32
      %dma_wait3A_141 = tpu.memref_slice %arg7[%dma_wait3A_139, %dma_wait3A_140] : memref<10240x128xf32, #tpu.memory_space<vmem_shared>> -> memref<10240x128xf32, #tpu.memory_space<vmem_shared>>
      tpu.wait_indirect_dma semaphore(%arg18 : memref<!tpu.dma_semaphore, #tpu.memory_space<semaphore_mem>>) src(%arg12 : memref<128x128xf32, #tpu.memory_space<vmem>>) dst(%dma_wait3A_141 : memref<10240x128xf32, #tpu.memory_space<vmem_shared>>)
      %dma_start3A_142 = arith.constant 4 : i32
      %dma_start3A_143 = arith.constant 0 : i32
      %dma_start3A_144 = tpu.memref_slice %arg8[%dma_start3A_142, %dma_start3A_143] : memref<8x128xi32, #tpu.memory_space<vmem>> -> memref<1x128xi32, #tpu.memory_space<vmem>>
      %dma_start3A_145 = tpu.memref_squeeze %dma_start3A_144 : memref<1x128xi32, #tpu.memory_space<vmem>> -> memref<128xi32, #tpu.memory_space<vmem>>
      %dma_start3A_146 = arith.constant 0 : i32
      %dma_start3A_147 = arith.constant 0 : i32
      %dma_start3A_148 = tpu.memref_slice %arg2[%dma_start3A_146, %dma_start3A_147] : memref<20480x128xf32, #tpu.memory_space<hbm>> -> memref<20480x128xf32, #tpu.memory_space<hbm>>
      tpu.enqueue_indirect_dma source(%dma_start3A_148 : memref<20480x128xf32, #tpu.memory_space<hbm>>) target(%arg12 : memref<128x128xf32, #tpu.memory_space<vmem>>) offsets(%dma_start3A_145 : memref<128xi32, #tpu.memory_space<vmem>>) semaphore(%arg16 : memref<!tpu.dma_semaphore, #tpu.memory_space<semaphore_mem>>)
      %dma_wait3A_149 = arith.constant 4 : i32
      %dma_wait3A_150 = arith.constant 0 : i32
      %dma_wait3A_151 = tpu.memref_slice %arg8[%dma_wait3A_149, %dma_wait3A_150] : memref<8x128xi32, #tpu.memory_space<vmem>> -> memref<1x128xi32, #tpu.memory_space<vmem>>
      %dma_wait3A_152 = tpu.memref_squeeze %dma_wait3A_151 : memref<1x128xi32, #tpu.memory_space<vmem>> -> memref<128xi32, #tpu.memory_space<vmem>>
      %dma_wait3A_153 = arith.constant 0 : i32
      %dma_wait3A_154 = arith.constant 0 : i32
      %dma_wait3A_155 = tpu.memref_slice %arg2[%dma_wait3A_153, %dma_wait3A_154] : memref<20480x128xf32, #tpu.memory_space<hbm>> -> memref<20480x128xf32, #tpu.memory_space<hbm>>
      tpu.wait_indirect_dma semaphore(%arg16 : memref<!tpu.dma_semaphore, #tpu.memory_space<semaphore_mem>>) src(%dma_wait3A_155 : memref<20480x128xf32, #tpu.memory_space<hbm>>) dst(%arg12 : memref<128x128xf32, #tpu.memory_space<vmem>>)
      %dma_start3A_156 = arith.constant 4 : i32
      %dma_start3A_157 = arith.constant 0 : i32
      %dma_start3A_158 = tpu.memref_slice %arg10[%dma_start3A_156, %dma_start3A_157] : memref<8x128xi32, #tpu.memory_space<vmem>> -> memref<1x128xi32, #tpu.memory_space<vmem>>
      %dma_start3A_159 = tpu.memref_squeeze %dma_start3A_158 : memref<1x128xi32, #tpu.memory_space<vmem>> -> memref<128xi32, #tpu.memory_space<vmem>>
      %dma_start3A_160 = arith.constant 0 : i32
      %dma_start3A_161 = arith.constant 0 : i32
      %dma_start3A_162 = tpu.memref_slice %arg7[%dma_start3A_160, %dma_start3A_161] : memref<10240x128xf32, #tpu.memory_space<vmem_shared>> -> memref<10240x128xf32, #tpu.memory_space<vmem_shared>>
      tpu.enqueue_indirect_dma source(%arg12 : memref<128x128xf32, #tpu.memory_space<vmem>>) target(%dma_start3A_162 : memref<10240x128xf32, #tpu.memory_space<vmem_shared>>) offsets(%dma_start3A_159 : memref<128xi32, #tpu.memory_space<vmem>>) semaphore(%arg18 : memref<!tpu.dma_semaphore, #tpu.memory_space<semaphore_mem>>) {add = true}
      %dma_wait3A_163 = arith.constant 3 : i32
      %dma_wait3A_164 = arith.constant 0 : i32
      %dma_wait3A_165 = tpu.memref_slice %arg10[%dma_wait3A_163, %dma_wait3A_164] : memref<8x128xi32, #tpu.memory_space<vmem>> -> memref<1x128xi32, #tpu.memory_space<vmem>>
      %dma_wait3A_166 = tpu.memref_squeeze %dma_wait3A_165 : memref<1x128xi32, #tpu.memory_space<vmem>> -> memref<128xi32, #tpu.memory_space<vmem>>
      %dma_wait3A_167 = arith.constant 0 : i32
      %dma_wait3A_168 = arith.constant 0 : i32
      %dma_wait3A_169 = tpu.memref_slice %arg7[%dma_wait3A_167, %dma_wait3A_168] : memref<10240x128xf32, #tpu.memory_space<vmem_shared>> -> memref<10240x128xf32, #tpu.memory_space<vmem_shared>>
      tpu.wait_indirect_dma semaphore(%arg19 : memref<!tpu.dma_semaphore, #tpu.memory_space<semaphore_mem>>) src(%arg13 : memref<128x128xf32, #tpu.memory_space<vmem>>) dst(%dma_wait3A_169 : memref<10240x128xf32, #tpu.memory_space<vmem_shared>>)
      %dma_start3A_170 = arith.constant 5 : i32
      %dma_start3A_171 = arith.constant 0 : i32
      %dma_start3A_172 = tpu.memref_slice %arg8[%dma_start3A_170, %dma_start3A_171] : memref<8x128xi32, #tpu.memory_space<vmem>> -> memref<1x128xi32, #tpu.memory_space<vmem>>
      %dma_start3A_173 = tpu.memref_squeeze %dma_start3A_172 : memref<1x128xi32, #tpu.memory_space<vmem>> -> memref<128xi32, #tpu.memory_space<vmem>>
      %dma_start3A_174 = arith.constant 0 : i32
      %dma_start3A_175 = arith.constant 0 : i32
      %dma_start3A_176 = tpu.memref_slice %arg2[%dma_start3A_174, %dma_start3A_175] : memref<20480x128xf32, #tpu.memory_space<hbm>> -> memref<20480x128xf32, #tpu.memory_space<hbm>>
      tpu.enqueue_indirect_dma source(%dma_start3A_176 : memref<20480x128xf32, #tpu.memory_space<hbm>>) target(%arg13 : memref<128x128xf32, #tpu.memory_space<vmem>>) offsets(%dma_start3A_173 : memref<128xi32, #tpu.memory_space<vmem>>) semaphore(%arg17 : memref<!tpu.dma_semaphore, #tpu.memory_space<semaphore_mem>>)
      %dma_wait3A_177 = arith.constant 5 : i32
      %dma_wait3A_178 = arith.constant 0 : i32
      %dma_wait3A_179 = tpu.memref_slice %arg8[%dma_wait3A_177, %dma_wait3A_178] : memref<8x128xi32, #tpu.memory_space<vmem>> -> memref<1x128xi32, #tpu.memory_space<vmem>>
      %dma_wait3A_180 = tpu.memref_squeeze %dma_wait3A_179 : memref<1x128xi32, #tpu.memory_space<vmem>> -> memref<128xi32, #tpu.memory_space<vmem>>
      %dma_wait3A_181 = arith.constant 0 : i32
      %dma_wait3A_182 = arith.constant 0 : i32
      %dma_wait3A_183 = tpu.memref_slice %arg2[%dma_wait3A_181, %dma_wait3A_182] : memref<20480x128xf32, #tpu.memory_space<hbm>> -> memref<20480x128xf32, #tpu.memory_space<hbm>>
      tpu.wait_indirect_dma semaphore(%arg17 : memref<!tpu.dma_semaphore, #tpu.memory_space<semaphore_mem>>) src(%dma_wait3A_183 : memref<20480x128xf32, #tpu.memory_space<hbm>>) dst(%arg13 : memref<128x128xf32, #tpu.memory_space<vmem>>)
      %dma_start3A_184 = arith.constant 5 : i32
      %dma_start3A_185 = arith.constant 0 : i32
      %dma_start3A_186 = tpu.memref_slice %arg10[%dma_start3A_184, %dma_start3A_185] : memref<8x128xi32, #tpu.memory_space<vmem>> -> memref<1x128xi32, #tpu.memory_space<vmem>>
      %dma_start3A_187 = tpu.memref_squeeze %dma_start3A_186 : memref<1x128xi32, #tpu.memory_space<vmem>> -> memref<128xi32, #tpu.memory_space<vmem>>
      %dma_start3A_188 = arith.constant 0 : i32
      %dma_start3A_189 = arith.constant 0 : i32
      %dma_start3A_190 = tpu.memref_slice %arg7[%dma_start3A_188, %dma_start3A_189] : memref<10240x128xf32, #tpu.memory_space<vmem_shared>> -> memref<10240x128xf32, #tpu.memory_space<vmem_shared>>
      tpu.enqueue_indirect_dma source(%arg13 : memref<128x128xf32, #tpu.memory_space<vmem>>) target(%dma_start3A_190 : memref<10240x128xf32, #tpu.memory_space<vmem_shared>>) offsets(%dma_start3A_187 : memref<128xi32, #tpu.memory_space<vmem>>) semaphore(%arg19 : memref<!tpu.dma_semaphore, #tpu.memory_space<semaphore_mem>>) {add = true}
      %dma_wait3A_191 = arith.constant 4 : i32
      %dma_wait3A_192 = arith.constant 0 : i32
      %dma_wait3A_193 = tpu.memref_slice %arg10[%dma_wait3A_191, %dma_wait3A_192] : memref<8x128xi32, #tpu.memory_space<vmem>> -> memref<1x128xi32, #tpu.memory_space<vmem>>
      %dma_wait3A_194 = tpu.memref_squeeze %dma_wait3A_193 : memref<1x128xi32, #tpu.memory_space<vmem>> -> memref<128xi32, #tpu.memory_space<vmem>>
      %dma_wait3A_195 = arith.constant 0 : i32
      %dma_wait3A_196 = arith.constant 0 : i32
      %dma_wait3A_197 = tpu.memref_slice %arg7[%dma_wait3A_195, %dma_wait3A_196] : memref<10240x128xf32, #tpu.memory_space<vmem_shared>> -> memref<10240x128xf32, #tpu.memory_space<vmem_shared>>
      tpu.wait_indirect_dma semaphore(%arg18 : memref<!tpu.dma_semaphore, #tpu.memory_space<semaphore_mem>>) src(%arg12 : memref<128x128xf32, #tpu.memory_space<vmem>>) dst(%dma_wait3A_197 : memref<10240x128xf32, #tpu.memory_space<vmem_shared>>)
      %dma_start3A_198 = arith.constant 6 : i32
      %dma_start3A_199 = arith.constant 0 : i32
      %dma_start3A_200 = tpu.memref_slice %arg8[%dma_start3A_198, %dma_start3A_199] : memref<8x128xi32, #tpu.memory_space<vmem>> -> memref<1x128xi32, #tpu.memory_space<vmem>>
      %dma_start3A_201 = tpu.memref_squeeze %dma_start3A_200 : memref<1x128xi32, #tpu.memory_space<vmem>> -> memref<128xi32, #tpu.memory_space<vmem>>
      %dma_start3A_202 = arith.constant 0 : i32
      %dma_start3A_203 = arith.constant 0 : i32
      %dma_start3A_204 = tpu.memref_slice %arg2[%dma_start3A_202, %dma_start3A_203] : memref<20480x128xf32, #tpu.memory_space<hbm>> -> memref<20480x128xf32, #tpu.memory_space<hbm>>
      tpu.enqueue_indirect_dma source(%dma_start3A_204 : memref<20480x128xf32, #tpu.memory_space<hbm>>) target(%arg12 : memref<128x128xf32, #tpu.memory_space<vmem>>) offsets(%dma_start3A_201 : memref<128xi32, #tpu.memory_space<vmem>>) semaphore(%arg16 : memref<!tpu.dma_semaphore, #tpu.memory_space<semaphore_mem>>)
      %dma_wait3A_205 = arith.constant 6 : i32
      %dma_wait3A_206 = arith.constant 0 : i32
      %dma_wait3A_207 = tpu.memref_slice %arg8[%dma_wait3A_205, %dma_wait3A_206] : memref<8x128xi32, #tpu.memory_space<vmem>> -> memref<1x128xi32, #tpu.memory_space<vmem>>
      %dma_wait3A_208 = tpu.memref_squeeze %dma_wait3A_207 : memref<1x128xi32, #tpu.memory_space<vmem>> -> memref<128xi32, #tpu.memory_space<vmem>>
      %dma_wait3A_209 = arith.constant 0 : i32
      %dma_wait3A_210 = arith.constant 0 : i32
      %dma_wait3A_211 = tpu.memref_slice %arg2[%dma_wait3A_209, %dma_wait3A_210] : memref<20480x128xf32, #tpu.memory_space<hbm>> -> memref<20480x128xf32, #tpu.memory_space<hbm>>
      tpu.wait_indirect_dma semaphore(%arg16 : memref<!tpu.dma_semaphore, #tpu.memory_space<semaphore_mem>>) src(%dma_wait3A_211 : memref<20480x128xf32, #tpu.memory_space<hbm>>) dst(%arg12 : memref<128x128xf32, #tpu.memory_space<vmem>>)
      %dma_start3A_212 = arith.constant 6 : i32
      %dma_start3A_213 = arith.constant 0 : i32
      %dma_start3A_214 = tpu.memref_slice %arg10[%dma_start3A_212, %dma_start3A_213] : memref<8x128xi32, #tpu.memory_space<vmem>> -> memref<1x128xi32, #tpu.memory_space<vmem>>
      %dma_start3A_215 = tpu.memref_squeeze %dma_start3A_214 : memref<1x128xi32, #tpu.memory_space<vmem>> -> memref<128xi32, #tpu.memory_space<vmem>>
      %dma_start3A_216 = arith.constant 0 : i32
      %dma_start3A_217 = arith.constant 0 : i32
      %dma_start3A_218 = tpu.memref_slice %arg7[%dma_start3A_216, %dma_start3A_217] : memref<10240x128xf32, #tpu.memory_space<vmem_shared>> -> memref<10240x128xf32, #tpu.memory_space<vmem_shared>>
      tpu.enqueue_indirect_dma source(%arg12 : memref<128x128xf32, #tpu.memory_space<vmem>>) target(%dma_start3A_218 : memref<10240x128xf32, #tpu.memory_space<vmem_shared>>) offsets(%dma_start3A_215 : memref<128xi32, #tpu.memory_space<vmem>>) semaphore(%arg18 : memref<!tpu.dma_semaphore, #tpu.memory_space<semaphore_mem>>) {add = true}
      %dma_wait3A_219 = arith.constant 5 : i32
      %dma_wait3A_220 = arith.constant 0 : i32
      %dma_wait3A_221 = tpu.memref_slice %arg10[%dma_wait3A_219, %dma_wait3A_220] : memref<8x128xi32, #tpu.memory_space<vmem>> -> memref<1x128xi32, #tpu.memory_space<vmem>>
      %dma_wait3A_222 = tpu.memref_squeeze %dma_wait3A_221 : memref<1x128xi32, #tpu.memory_space<vmem>> -> memref<128xi32, #tpu.memory_space<vmem>>
      %dma_wait3A_223 = arith.constant 0 : i32
      %dma_wait3A_224 = arith.constant 0 : i32
      %dma_wait3A_225 = tpu.memref_slice %arg7[%dma_wait3A_223, %dma_wait3A_224] : memref<10240x128xf32, #tpu.memory_space<vmem_shared>> -> memref<10240x128xf32, #tpu.memory_space<vmem_shared>>
      tpu.wait_indirect_dma semaphore(%arg19 : memref<!tpu.dma_semaphore, #tpu.memory_space<semaphore_mem>>) src(%arg13 : memref<128x128xf32, #tpu.memory_space<vmem>>) dst(%dma_wait3A_225 : memref<10240x128xf32, #tpu.memory_space<vmem_shared>>)
      %dma_start3A_226 = arith.constant 7 : i32
      %dma_start3A_227 = arith.constant 0 : i32
      %dma_start3A_228 = tpu.memref_slice %arg8[%dma_start3A_226, %dma_start3A_227] : memref<8x128xi32, #tpu.memory_space<vmem>> -> memref<1x128xi32, #tpu.memory_space<vmem>>
      %dma_start3A_229 = tpu.memref_squeeze %dma_start3A_228 : memref<1x128xi32, #tpu.memory_space<vmem>> -> memref<128xi32, #tpu.memory_space<vmem>>
      %dma_start3A_230 = arith.constant 0 : i32
      %dma_start3A_231 = arith.constant 0 : i32
      %dma_start3A_232 = tpu.memref_slice %arg2[%dma_start3A_230, %dma_start3A_231] : memref<20480x128xf32, #tpu.memory_space<hbm>> -> memref<20480x128xf32, #tpu.memory_space<hbm>>
      tpu.enqueue_indirect_dma source(%dma_start3A_232 : memref<20480x128xf32, #tpu.memory_space<hbm>>) target(%arg13 : memref<128x128xf32, #tpu.memory_space<vmem>>) offsets(%dma_start3A_229 : memref<128xi32, #tpu.memory_space<vmem>>) semaphore(%arg17 : memref<!tpu.dma_semaphore, #tpu.memory_space<semaphore_mem>>)
      %dma_wait3A_233 = arith.constant 7 : i32
      %dma_wait3A_234 = arith.constant 0 : i32
      %dma_wait3A_235 = tpu.memref_slice %arg8[%dma_wait3A_233, %dma_wait3A_234] : memref<8x128xi32, #tpu.memory_space<vmem>> -> memref<1x128xi32, #tpu.memory_space<vmem>>
      %dma_wait3A_236 = tpu.memref_squeeze %dma_wait3A_235 : memref<1x128xi32, #tpu.memory_space<vmem>> -> memref<128xi32, #tpu.memory_space<vmem>>
      %dma_wait3A_237 = arith.constant 0 : i32
      %dma_wait3A_238 = arith.constant 0 : i32
      %dma_wait3A_239 = tpu.memref_slice %arg2[%dma_wait3A_237, %dma_wait3A_238] : memref<20480x128xf32, #tpu.memory_space<hbm>> -> memref<20480x128xf32, #tpu.memory_space<hbm>>
      tpu.wait_indirect_dma semaphore(%arg17 : memref<!tpu.dma_semaphore, #tpu.memory_space<semaphore_mem>>) src(%dma_wait3A_239 : memref<20480x128xf32, #tpu.memory_space<hbm>>) dst(%arg13 : memref<128x128xf32, #tpu.memory_space<vmem>>)
      %dma_start3A_240 = arith.constant 7 : i32
      %dma_start3A_241 = arith.constant 0 : i32
      %dma_start3A_242 = tpu.memref_slice %arg10[%dma_start3A_240, %dma_start3A_241] : memref<8x128xi32, #tpu.memory_space<vmem>> -> memref<1x128xi32, #tpu.memory_space<vmem>>
      %dma_start3A_243 = tpu.memref_squeeze %dma_start3A_242 : memref<1x128xi32, #tpu.memory_space<vmem>> -> memref<128xi32, #tpu.memory_space<vmem>>
      %dma_start3A_244 = arith.constant 0 : i32
      %dma_start3A_245 = arith.constant 0 : i32
      %dma_start3A_246 = tpu.memref_slice %arg7[%dma_start3A_244, %dma_start3A_245] : memref<10240x128xf32, #tpu.memory_space<vmem_shared>> -> memref<10240x128xf32, #tpu.memory_space<vmem_shared>>
      tpu.enqueue_indirect_dma source(%arg13 : memref<128x128xf32, #tpu.memory_space<vmem>>) target(%dma_start3A_246 : memref<10240x128xf32, #tpu.memory_space<vmem_shared>>) offsets(%dma_start3A_243 : memref<128xi32, #tpu.memory_space<vmem>>) semaphore(%arg19 : memref<!tpu.dma_semaphore, #tpu.memory_space<semaphore_mem>>) {add = true}
      %dma_wait3A_247 = arith.constant 6 : i32
      %dma_wait3A_248 = arith.constant 0 : i32
      %dma_wait3A_249 = tpu.memref_slice %arg10[%dma_wait3A_247, %dma_wait3A_248] : memref<8x128xi32, #tpu.memory_space<vmem>> -> memref<1x128xi32, #tpu.memory_space<vmem>>
      %dma_wait3A_250 = tpu.memref_squeeze %dma_wait3A_249 : memref<1x128xi32, #tpu.memory_space<vmem>> -> memref<128xi32, #tpu.memory_space<vmem>>
      %dma_wait3A_251 = arith.constant 0 : i32
      %dma_wait3A_252 = arith.constant 0 : i32
      %dma_wait3A_253 = tpu.memref_slice %arg7[%dma_wait3A_251, %dma_wait3A_252] : memref<10240x128xf32, #tpu.memory_space<vmem_shared>> -> memref<10240x128xf32, #tpu.memory_space<vmem_shared>>
      tpu.wait_indirect_dma semaphore(%arg18 : memref<!tpu.dma_semaphore, #tpu.memory_space<semaphore_mem>>) src(%arg12 : memref<128x128xf32, #tpu.memory_space<vmem>>) dst(%dma_wait3A_253 : memref<10240x128xf32, #tpu.memory_space<vmem_shared>>)
      %mul3A_254 = arith.constant 2 : i32
      %mul3A_255 = arith.muli %mul3A_254, %scan3A_21 : i32
      %add3A_256 = arith.constant 1 : i32
      %add3A_257 = arith.addi %mul3A_255, %add3A_256 : i32
      %mul3A_258 = arith.constant 8 : i32
      %mul3A_259 = arith.muli %add3A_257, %mul3A_258 : i32
      %mul3A_260 = arith.constant 8 : i32
      %mul3A_261 = arith.muli %add3A_257, %mul3A_260 : i32
      %dma_wait3A_262 = arith.constant 0 : i32
      %dma_wait3A_263 = tpu.memref_slice %arg3[%arg0, %arg1, %mul3A_259, %dma_wait3A_262] : memref<2x16x160x128xi32, #tpu.memory_space<hbm>> -> memref<1x1x8x128xi32, #tpu.memory_space<hbm>>
      %dma_wait3A_264 = tpu.memref_squeeze %dma_wait3A_263 : memref<1x1x8x128xi32, #tpu.memory_space<hbm>> -> memref<8x128xi32, #tpu.memory_space<hbm>>
      %dma_wait3A_265 = arith.constant 0 : i32
      %dma_wait3A_266 = tpu.memref_slice %arg3[%arg0, %arg1, %mul3A_259, %dma_wait3A_265] : memref<2x16x160x128xi32, #tpu.memory_space<hbm>> -> memref<1x1x8x128xi32, #tpu.memory_space<hbm>>
      %dma_wait3A_267 = tpu.memref_squeeze %dma_wait3A_266 : memref<1x1x8x128xi32, #tpu.memory_space<hbm>> -> memref<8x128xi32, #tpu.memory_space<hbm>>
      tpu.wait_dma2 semaphore(%arg15 : memref<!tpu.dma_semaphore, #tpu.memory_space<semaphore_mem>>) src(%dma_wait3A_267 : memref<8x128xi32, #tpu.memory_space<hbm>>) dst(%arg9 : memref<8x128xi32, #tpu.memory_space<vmem>>)
      %dma_wait3A_268 = arith.constant 0 : i32
      %dma_wait3A_269 = tpu.memref_slice %arg4[%arg1, %mul3A_261, %dma_wait3A_268] : memref<16x160x128xi32, #tpu.memory_space<hbm>> -> memref<1x8x128xi32, #tpu.memory_space<hbm>>
      %dma_wait3A_270 = tpu.memref_squeeze %dma_wait3A_269 : memref<1x8x128xi32, #tpu.memory_space<hbm>> -> memref<8x128xi32, #tpu.memory_space<hbm>>
      %dma_wait3A_271 = arith.constant 0 : i32
      %dma_wait3A_272 = tpu.memref_slice %arg4[%arg1, %mul3A_261, %dma_wait3A_271] : memref<16x160x128xi32, #tpu.memory_space<hbm>> -> memref<1x8x128xi32, #tpu.memory_space<hbm>>
      %dma_wait3A_273 = tpu.memref_squeeze %dma_wait3A_272 : memref<1x8x128xi32, #tpu.memory_space<hbm>> -> memref<8x128xi32, #tpu.memory_space<hbm>>
      tpu.wait_dma2 semaphore(%arg15 : memref<!tpu.dma_semaphore, #tpu.memory_space<semaphore_mem>>) src(%dma_wait3A_273 : memref<8x128xi32, #tpu.memory_space<hbm>>) dst(%arg11 : memref<8x128xi32, #tpu.memory_space<vmem>>)
      %dma_start3A_274 = arith.constant 0 : i32
      %dma_start3A_275 = arith.constant 0 : i32
      %dma_start3A_276 = tpu.memref_slice %arg9[%dma_start3A_274, %dma_start3A_275] : memref<8x128xi32, #tpu.memory_space<vmem>> -> memref<1x128xi32, #tpu.memory_space<vmem>>
      %dma_start3A_277 = tpu.memref_squeeze %dma_start3A_276 : memref<1x128xi32, #tpu.memory_space<vmem>> -> memref<128xi32, #tpu.memory_space<vmem>>
      %dma_start3A_278 = arith.constant 0 : i32
      %dma_start3A_279 = arith.constant 0 : i32
      %dma_start3A_280 = tpu.memref_slice %arg2[%dma_start3A_278, %dma_start3A_279] : memref<20480x128xf32, #tpu.memory_space<hbm>> -> memref<20480x128xf32, #tpu.memory_space<hbm>>
      tpu.enqueue_indirect_dma source(%dma_start3A_280 : memref<20480x128xf32, #tpu.memory_space<hbm>>) target(%arg12 : memref<128x128xf32, #tpu.memory_space<vmem>>) offsets(%dma_start3A_277 : memref<128xi32, #tpu.memory_space<vmem>>) semaphore(%arg16 : memref<!tpu.dma_semaphore, #tpu.memory_space<semaphore_mem>>)
      %dma_wait3A_281 = arith.constant 0 : i32
      %dma_wait3A_282 = arith.constant 0 : i32
      %dma_wait3A_283 = tpu.memref_slice %arg9[%dma_wait3A_281, %dma_wait3A_282] : memref<8x128xi32, #tpu.memory_space<vmem>> -> memref<1x128xi32, #tpu.memory_space<vmem>>
      %dma_wait3A_284 = tpu.memref_squeeze %dma_wait3A_283 : memref<1x128xi32, #tpu.memory_space<vmem>> -> memref<128xi32, #tpu.memory_space<vmem>>
      %dma_wait3A_285 = arith.constant 0 : i32
      %dma_wait3A_286 = arith.constant 0 : i32
      %dma_wait3A_287 = tpu.memref_slice %arg2[%dma_wait3A_285, %dma_wait3A_286] : memref<20480x128xf32, #tpu.memory_space<hbm>> -> memref<20480x128xf32, #tpu.memory_space<hbm>>
      tpu.wait_indirect_dma semaphore(%arg16 : memref<!tpu.dma_semaphore, #tpu.memory_space<semaphore_mem>>) src(%dma_wait3A_287 : memref<20480x128xf32, #tpu.memory_space<hbm>>) dst(%arg12 : memref<128x128xf32, #tpu.memory_space<vmem>>)
      %dma_start3A_288 = arith.constant 0 : i32
      %dma_start3A_289 = arith.constant 0 : i32
      %dma_start3A_290 = tpu.memref_slice %arg11[%dma_start3A_288, %dma_start3A_289] : memref<8x128xi32, #tpu.memory_space<vmem>> -> memref<1x128xi32, #tpu.memory_space<vmem>>
      %dma_start3A_291 = tpu.memref_squeeze %dma_start3A_290 : memref<1x128xi32, #tpu.memory_space<vmem>> -> memref<128xi32, #tpu.memory_space<vmem>>
      %dma_start3A_292 = arith.constant 0 : i32
      %dma_start3A_293 = arith.constant 0 : i32
      %dma_start3A_294 = tpu.memref_slice %arg7[%dma_start3A_292, %dma_start3A_293] : memref<10240x128xf32, #tpu.memory_space<vmem_shared>> -> memref<10240x128xf32, #tpu.memory_space<vmem_shared>>
      tpu.enqueue_indirect_dma source(%arg12 : memref<128x128xf32, #tpu.memory_space<vmem>>) target(%dma_start3A_294 : memref<10240x128xf32, #tpu.memory_space<vmem_shared>>) offsets(%dma_start3A_291 : memref<128xi32, #tpu.memory_space<vmem>>) semaphore(%arg18 : memref<!tpu.dma_semaphore, #tpu.memory_space<semaphore_mem>>) {add = true}
      %dma_wait3A_295 = arith.constant 7 : i32
      %dma_wait3A_296 = arith.constant 0 : i32
      %dma_wait3A_297 = tpu.memref_slice %arg10[%dma_wait3A_295, %dma_wait3A_296] : memref<8x128xi32, #tpu.memory_space<vmem>> -> memref<1x128xi32, #tpu.memory_space<vmem>>
      %dma_wait3A_298 = tpu.memref_squeeze %dma_wait3A_297 : memref<1x128xi32, #tpu.memory_space<vmem>> -> memref<128xi32, #tpu.memory_space<vmem>>
      %dma_wait3A_299 = arith.constant 0 : i32
      %dma_wait3A_300 = arith.constant 0 : i32
      %dma_wait3A_301 = tpu.memref_slice %arg7[%dma_wait3A_299, %dma_wait3A_300] : memref<10240x128xf32, #tpu.memory_space<vmem_shared>> -> memref<10240x128xf32, #tpu.memory_space<vmem_shared>>
      tpu.wait_indirect_dma semaphore(%arg19 : memref<!tpu.dma_semaphore, #tpu.memory_space<semaphore_mem>>) src(%arg13 : memref<128x128xf32, #tpu.memory_space<vmem>>) dst(%dma_wait3A_301 : memref<10240x128xf32, #tpu.memory_space<vmem_shared>>)
      %dma_start3A_302 = arith.constant 1 : i32
      %dma_start3A_303 = arith.constant 0 : i32
      %dma_start3A_304 = tpu.memref_slice %arg9[%dma_start3A_302, %dma_start3A_303] : memref<8x128xi32, #tpu.memory_space<vmem>> -> memref<1x128xi32, #tpu.memory_space<vmem>>
      %dma_start3A_305 = tpu.memref_squeeze %dma_start3A_304 : memref<1x128xi32, #tpu.memory_space<vmem>> -> memref<128xi32, #tpu.memory_space<vmem>>
      %dma_start3A_306 = arith.constant 0 : i32
      %dma_start3A_307 = arith.constant 0 : i32
      %dma_start3A_308 = tpu.memref_slice %arg2[%dma_start3A_306, %dma_start3A_307] : memref<20480x128xf32, #tpu.memory_space<hbm>> -> memref<20480x128xf32, #tpu.memory_space<hbm>>
      tpu.enqueue_indirect_dma source(%dma_start3A_308 : memref<20480x128xf32, #tpu.memory_space<hbm>>) target(%arg13 : memref<128x128xf32, #tpu.memory_space<vmem>>) offsets(%dma_start3A_305 : memref<128xi32, #tpu.memory_space<vmem>>) semaphore(%arg17 : memref<!tpu.dma_semaphore, #tpu.memory_space<semaphore_mem>>)
      %dma_wait3A_309 = arith.constant 1 : i32
      %dma_wait3A_310 = arith.constant 0 : i32
      %dma_wait3A_311 = tpu.memref_slice %arg9[%dma_wait3A_309, %dma_wait3A_310] : memref<8x128xi32, #tpu.memory_space<vmem>> -> memref<1x128xi32, #tpu.memory_space<vmem>>
      %dma_wait3A_312 = tpu.memref_squeeze %dma_wait3A_311 : memref<1x128xi32, #tpu.memory_space<vmem>> -> memref<128xi32, #tpu.memory_space<vmem>>
      %dma_wait3A_313 = arith.constant 0 : i32
      %dma_wait3A_314 = arith.constant 0 : i32
      %dma_wait3A_315 = tpu.memref_slice %arg2[%dma_wait3A_313, %dma_wait3A_314] : memref<20480x128xf32, #tpu.memory_space<hbm>> -> memref<20480x128xf32, #tpu.memory_space<hbm>>
      tpu.wait_indirect_dma semaphore(%arg17 : memref<!tpu.dma_semaphore, #tpu.memory_space<semaphore_mem>>) src(%dma_wait3A_315 : memref<20480x128xf32, #tpu.memory_space<hbm>>) dst(%arg13 : memref<128x128xf32, #tpu.memory_space<vmem>>)
      %dma_start3A_316 = arith.constant 1 : i32
      %dma_start3A_317 = arith.constant 0 : i32
      %dma_start3A_318 = tpu.memref_slice %arg11[%dma_start3A_316, %dma_start3A_317] : memref<8x128xi32, #tpu.memory_space<vmem>> -> memref<1x128xi32, #tpu.memory_space<vmem>>
      %dma_start3A_319 = tpu.memref_squeeze %dma_start3A_318 : memref<1x128xi32, #tpu.memory_space<vmem>> -> memref<128xi32, #tpu.memory_space<vmem>>
      %dma_start3A_320 = arith.constant 0 : i32
      %dma_start3A_321 = arith.constant 0 : i32
      %dma_start3A_322 = tpu.memref_slice %arg7[%dma_start3A_320, %dma_start3A_321] : memref<10240x128xf32, #tpu.memory_space<vmem_shared>> -> memref<10240x128xf32, #tpu.memory_space<vmem_shared>>
      tpu.enqueue_indirect_dma source(%arg13 : memref<128x128xf32, #tpu.memory_space<vmem>>) target(%dma_start3A_322 : memref<10240x128xf32, #tpu.memory_space<vmem_shared>>) offsets(%dma_start3A_319 : memref<128xi32, #tpu.memory_space<vmem>>) semaphore(%arg19 : memref<!tpu.dma_semaphore, #tpu.memory_space<semaphore_mem>>) {add = true}
      %lt3A = arith.constant 9 : i32
      %lt3A_323 = arith.cmpi slt, %scan3A_21, %lt3A : i32
      %convert_element_type3A_324 = arith.extui %lt3A_323 : i1 to i32
      %cond3A_325 = arith.constant 0 : i32
      %cond3A_326 = arith.cmpi ne, %convert_element_type3A_324, %cond3A_325 : i32
      scf.if %cond3A_326 {
        %mul3A_507 = arith.constant 2 : i32
        %mul3A_508 = arith.muli %mul3A_507, %scan3A_21 : i32
        %add3A_509 = arith.constant 2 : i32
        %add3A_510 = arith.addi %mul3A_508, %add3A_509 : i32
        %mul3A_511 = arith.constant 8 : i32
        %mul3A_512 = arith.muli %add3A_510, %mul3A_511 : i32
        %mul3A_513 = arith.constant 8 : i32
        %mul3A_514 = arith.muli %add3A_510, %mul3A_513 : i32
        %dma_start3A_515 = arith.constant 0 : i32
        %dma_start3A_516 = tpu.memref_slice %arg3[%arg0, %arg1, %mul3A_512, %dma_start3A_515] : memref<2x16x160x128xi32, #tpu.memory_space<hbm>> -> memref<1x1x8x128xi32, #tpu.memory_space<hbm>>
        %dma_start3A_517 = tpu.memref_squeeze %dma_start3A_516 : memref<1x1x8x128xi32, #tpu.memory_space<hbm>> -> memref<8x128xi32, #tpu.memory_space<hbm>>
        %dma_start3A_518 = arith.constant 0 : i32
        %dma_start3A_519 = tpu.memref_slice %arg3[%arg0, %arg1, %mul3A_512, %dma_start3A_518] : memref<2x16x160x128xi32, #tpu.memory_space<hbm>> -> memref<1x1x8x128xi32, #tpu.memory_space<hbm>>
        %dma_start3A_520 = tpu.memref_squeeze %dma_start3A_519 : memref<1x1x8x128xi32, #tpu.memory_space<hbm>> -> memref<8x128xi32, #tpu.memory_space<hbm>>
        tpu.enqueue_dma source(%dma_start3A_520 : memref<8x128xi32, #tpu.memory_space<hbm>>) target(%arg8 : memref<8x128xi32, #tpu.memory_space<vmem>>) target_semaphore(%arg14 : memref<!tpu.dma_semaphore, #tpu.memory_space<semaphore_mem>>)
        %dma_start3A_521 = arith.constant 0 : i32
        %dma_start3A_522 = tpu.memref_slice %arg4[%arg1, %mul3A_514, %dma_start3A_521] : memref<16x160x128xi32, #tpu.memory_space<hbm>> -> memref<1x8x128xi32, #tpu.memory_space<hbm>>
        %dma_start3A_523 = tpu.memref_squeeze %dma_start3A_522 : memref<1x8x128xi32, #tpu.memory_space<hbm>> -> memref<8x128xi32, #tpu.memory_space<hbm>>
        %dma_start3A_524 = arith.constant 0 : i32
        %dma_start3A_525 = tpu.memref_slice %arg4[%arg1, %mul3A_514, %dma_start3A_524] : memref<16x160x128xi32, #tpu.memory_space<hbm>> -> memref<1x8x128xi32, #tpu.memory_space<hbm>>
        %dma_start3A_526 = tpu.memref_squeeze %dma_start3A_525 : memref<1x8x128xi32, #tpu.memory_space<hbm>> -> memref<8x128xi32, #tpu.memory_space<hbm>>
        tpu.enqueue_dma source(%dma_start3A_526 : memref<8x128xi32, #tpu.memory_space<hbm>>) target(%arg10 : memref<8x128xi32, #tpu.memory_space<vmem>>) target_semaphore(%arg14 : memref<!tpu.dma_semaphore, #tpu.memory_space<semaphore_mem>>)
      } else {
      }
      %dma_wait3A_327 = arith.constant 0 : i32
      %dma_wait3A_328 = arith.constant 0 : i32
      %dma_wait3A_329 = tpu.memref_slice %arg11[%dma_wait3A_327, %dma_wait3A_328] : memref<8x128xi32, #tpu.memory_space<vmem>> -> memref<1x128xi32, #tpu.memory_space<vmem>>
      %dma_wait3A_330 = tpu.memref_squeeze %dma_wait3A_329 : memref<1x128xi32, #tpu.memory_space<vmem>> -> memref<128xi32, #tpu.memory_space<vmem>>
      %dma_wait3A_331 = arith.constant 0 : i32
      %dma_wait3A_332 = arith.constant 0 : i32
      %dma_wait3A_333 = tpu.memref_slice %arg7[%dma_wait3A_331, %dma_wait3A_332] : memref<10240x128xf32, #tpu.memory_space<vmem_shared>> -> memref<10240x128xf32, #tpu.memory_space<vmem_shared>>
      tpu.wait_indirect_dma semaphore(%arg18 : memref<!tpu.dma_semaphore, #tpu.memory_space<semaphore_mem>>) src(%arg12 : memref<128x128xf32, #tpu.memory_space<vmem>>) dst(%dma_wait3A_333 : memref<10240x128xf32, #tpu.memory_space<vmem_shared>>)
      %dma_start3A_334 = arith.constant 2 : i32
      %dma_start3A_335 = arith.constant 0 : i32
      %dma_start3A_336 = tpu.memref_slice %arg9[%dma_start3A_334, %dma_start3A_335] : memref<8x128xi32, #tpu.memory_space<vmem>> -> memref<1x128xi32, #tpu.memory_space<vmem>>
      %dma_start3A_337 = tpu.memref_squeeze %dma_start3A_336 : memref<1x128xi32, #tpu.memory_space<vmem>> -> memref<128xi32, #tpu.memory_space<vmem>>
      %dma_start3A_338 = arith.constant 0 : i32
      %dma_start3A_339 = arith.constant 0 : i32
      %dma_start3A_340 = tpu.memref_slice %arg2[%dma_start3A_338, %dma_start3A_339] : memref<20480x128xf32, #tpu.memory_space<hbm>> -> memref<20480x128xf32, #tpu.memory_space<hbm>>
      tpu.enqueue_indirect_dma source(%dma_start3A_340 : memref<20480x128xf32, #tpu.memory_space<hbm>>) target(%arg12 : memref<128x128xf32, #tpu.memory_space<vmem>>) offsets(%dma_start3A_337 : memref<128xi32, #tpu.memory_space<vmem>>) semaphore(%arg16 : memref<!tpu.dma_semaphore, #tpu.memory_space<semaphore_mem>>)
      %dma_wait3A_341 = arith.constant 2 : i32
      %dma_wait3A_342 = arith.constant 0 : i32
      %dma_wait3A_343 = tpu.memref_slice %arg9[%dma_wait3A_341, %dma_wait3A_342] : memref<8x128xi32, #tpu.memory_space<vmem>> -> memref<1x128xi32, #tpu.memory_space<vmem>>
      %dma_wait3A_344 = tpu.memref_squeeze %dma_wait3A_343 : memref<1x128xi32, #tpu.memory_space<vmem>> -> memref<128xi32, #tpu.memory_space<vmem>>
      %dma_wait3A_345 = arith.constant 0 : i32
      %dma_wait3A_346 = arith.constant 0 : i32
      %dma_wait3A_347 = tpu.memref_slice %arg2[%dma_wait3A_345, %dma_wait3A_346] : memref<20480x128xf32, #tpu.memory_space<hbm>> -> memref<20480x128xf32, #tpu.memory_space<hbm>>
      tpu.wait_indirect_dma semaphore(%arg16 : memref<!tpu.dma_semaphore, #tpu.memory_space<semaphore_mem>>) src(%dma_wait3A_347 : memref<20480x128xf32, #tpu.memory_space<hbm>>) dst(%arg12 : memref<128x128xf32, #tpu.memory_space<vmem>>)
      %dma_start3A_348 = arith.constant 2 : i32
      %dma_start3A_349 = arith.constant 0 : i32
      %dma_start3A_350 = tpu.memref_slice %arg11[%dma_start3A_348, %dma_start3A_349] : memref<8x128xi32, #tpu.memory_space<vmem>> -> memref<1x128xi32, #tpu.memory_space<vmem>>
      %dma_start3A_351 = tpu.memref_squeeze %dma_start3A_350 : memref<1x128xi32, #tpu.memory_space<vmem>> -> memref<128xi32, #tpu.memory_space<vmem>>
      %dma_start3A_352 = arith.constant 0 : i32
      %dma_start3A_353 = arith.constant 0 : i32
      %dma_start3A_354 = tpu.memref_slice %arg7[%dma_start3A_352, %dma_start3A_353] : memref<10240x128xf32, #tpu.memory_space<vmem_shared>> -> memref<10240x128xf32, #tpu.memory_space<vmem_shared>>
      tpu.enqueue_indirect_dma source(%arg12 : memref<128x128xf32, #tpu.memory_space<vmem>>) target(%dma_start3A_354 : memref<10240x128xf32, #tpu.memory_space<vmem_shared>>) offsets(%dma_start3A_351 : memref<128xi32, #tpu.memory_space<vmem>>) semaphore(%arg18 : memref<!tpu.dma_semaphore, #tpu.memory_space<semaphore_mem>>) {add = true}
      %dma_wait3A_355 = arith.constant 1 : i32
      %dma_wait3A_356 = arith.constant 0 : i32
      %dma_wait3A_357 = tpu.memref_slice %arg11[%dma_wait3A_355, %dma_wait3A_356] : memref<8x128xi32, #tpu.memory_space<vmem>> -> memref<1x128xi32, #tpu.memory_space<vmem>>
      %dma_wait3A_358 = tpu.memref_squeeze %dma_wait3A_357 : memref<1x128xi32, #tpu.memory_space<vmem>> -> memref<128xi32, #tpu.memory_space<vmem>>
      %dma_wait3A_359 = arith.constant 0 : i32
      %dma_wait3A_360 = arith.constant 0 : i32
      %dma_wait3A_361 = tpu.memref_slice %arg7[%dma_wait3A_359, %dma_wait3A_360] : memref<10240x128xf32, #tpu.memory_space<vmem_shared>> -> memref<10240x128xf32, #tpu.memory_space<vmem_shared>>
      tpu.wait_indirect_dma semaphore(%arg19 : memref<!tpu.dma_semaphore, #tpu.memory_space<semaphore_mem>>) src(%arg13 : memref<128x128xf32, #tpu.memory_space<vmem>>) dst(%dma_wait3A_361 : memref<10240x128xf32, #tpu.memory_space<vmem_shared>>)
      %dma_start3A_362 = arith.constant 3 : i32
      %dma_start3A_363 = arith.constant 0 : i32
      %dma_start3A_364 = tpu.memref_slice %arg9[%dma_start3A_362, %dma_start3A_363] : memref<8x128xi32, #tpu.memory_space<vmem>> -> memref<1x128xi32, #tpu.memory_space<vmem>>
      %dma_start3A_365 = tpu.memref_squeeze %dma_start3A_364 : memref<1x128xi32, #tpu.memory_space<vmem>> -> memref<128xi32, #tpu.memory_space<vmem>>
      %dma_start3A_366 = arith.constant 0 : i32
      %dma_start3A_367 = arith.constant 0 : i32
      %dma_start3A_368 = tpu.memref_slice %arg2[%dma_start3A_366, %dma_start3A_367] : memref<20480x128xf32, #tpu.memory_space<hbm>> -> memref<20480x128xf32, #tpu.memory_space<hbm>>
      tpu.enqueue_indirect_dma source(%dma_start3A_368 : memref<20480x128xf32, #tpu.memory_space<hbm>>) target(%arg13 : memref<128x128xf32, #tpu.memory_space<vmem>>) offsets(%dma_start3A_365 : memref<128xi32, #tpu.memory_space<vmem>>) semaphore(%arg17 : memref<!tpu.dma_semaphore, #tpu.memory_space<semaphore_mem>>)
      %dma_wait3A_369 = arith.constant 3 : i32
      %dma_wait3A_370 = arith.constant 0 : i32
      %dma_wait3A_371 = tpu.memref_slice %arg9[%dma_wait3A_369, %dma_wait3A_370] : memref<8x128xi32, #tpu.memory_space<vmem>> -> memref<1x128xi32, #tpu.memory_space<vmem>>
      %dma_wait3A_372 = tpu.memref_squeeze %dma_wait3A_371 : memref<1x128xi32, #tpu.memory_space<vmem>> -> memref<128xi32, #tpu.memory_space<vmem>>
      %dma_wait3A_373 = arith.constant 0 : i32
      %dma_wait3A_374 = arith.constant 0 : i32
      %dma_wait3A_375 = tpu.memref_slice %arg2[%dma_wait3A_373, %dma_wait3A_374] : memref<20480x128xf32, #tpu.memory_space<hbm>> -> memref<20480x128xf32, #tpu.memory_space<hbm>>
      tpu.wait_indirect_dma semaphore(%arg17 : memref<!tpu.dma_semaphore, #tpu.memory_space<semaphore_mem>>) src(%dma_wait3A_375 : memref<20480x128xf32, #tpu.memory_space<hbm>>) dst(%arg13 : memref<128x128xf32, #tpu.memory_space<vmem>>)
      %dma_start3A_376 = arith.constant 3 : i32
      %dma_start3A_377 = arith.constant 0 : i32
      %dma_start3A_378 = tpu.memref_slice %arg11[%dma_start3A_376, %dma_start3A_377] : memref<8x128xi32, #tpu.memory_space<vmem>> -> memref<1x128xi32, #tpu.memory_space<vmem>>
      %dma_start3A_379 = tpu.memref_squeeze %dma_start3A_378 : memref<1x128xi32, #tpu.memory_space<vmem>> -> memref<128xi32, #tpu.memory_space<vmem>>
      %dma_start3A_380 = arith.constant 0 : i32
      %dma_start3A_381 = arith.constant 0 : i32
      %dma_start3A_382 = tpu.memref_slice %arg7[%dma_start3A_380, %dma_start3A_381] : memref<10240x128xf32, #tpu.memory_space<vmem_shared>> -> memref<10240x128xf32, #tpu.memory_space<vmem_shared>>
      tpu.enqueue_indirect_dma source(%arg13 : memref<128x128xf32, #tpu.memory_space<vmem>>) target(%dma_start3A_382 : memref<10240x128xf32, #tpu.memory_space<vmem_shared>>) offsets(%dma_start3A_379 : memref<128xi32, #tpu.memory_space<vmem>>) semaphore(%arg19 : memref<!tpu.dma_semaphore, #tpu.memory_space<semaphore_mem>>) {add = true}
      %dma_wait3A_383 = arith.constant 2 : i32
      %dma_wait3A_384 = arith.constant 0 : i32
      %dma_wait3A_385 = tpu.memref_slice %arg11[%dma_wait3A_383, %dma_wait3A_384] : memref<8x128xi32, #tpu.memory_space<vmem>> -> memref<1x128xi32, #tpu.memory_space<vmem>>
      %dma_wait3A_386 = tpu.memref_squeeze %dma_wait3A_385 : memref<1x128xi32, #tpu.memory_space<vmem>> -> memref<128xi32, #tpu.memory_space<vmem>>
      %dma_wait3A_387 = arith.constant 0 : i32
      %dma_wait3A_388 = arith.constant 0 : i32
      %dma_wait3A_389 = tpu.memref_slice %arg7[%dma_wait3A_387, %dma_wait3A_388] : memref<10240x128xf32, #tpu.memory_space<vmem_shared>> -> memref<10240x128xf32, #tpu.memory_space<vmem_shared>>
      tpu.wait_indirect_dma semaphore(%arg18 : memref<!tpu.dma_semaphore, #tpu.memory_space<semaphore_mem>>) src(%arg12 : memref<128x128xf32, #tpu.memory_space<vmem>>) dst(%dma_wait3A_389 : memref<10240x128xf32, #tpu.memory_space<vmem_shared>>)
      %dma_start3A_390 = arith.constant 4 : i32
      %dma_start3A_391 = arith.constant 0 : i32
      %dma_start3A_392 = tpu.memref_slice %arg9[%dma_start3A_390, %dma_start3A_391] : memref<8x128xi32, #tpu.memory_space<vmem>> -> memref<1x128xi32, #tpu.memory_space<vmem>>
      %dma_start3A_393 = tpu.memref_squeeze %dma_start3A_392 : memref<1x128xi32, #tpu.memory_space<vmem>> -> memref<128xi32, #tpu.memory_space<vmem>>
      %dma_start3A_394 = arith.constant 0 : i32
      %dma_start3A_395 = arith.constant 0 : i32
      %dma_start3A_396 = tpu.memref_slice %arg2[%dma_start3A_394, %dma_start3A_395] : memref<20480x128xf32, #tpu.memory_space<hbm>> -> memref<20480x128xf32, #tpu.memory_space<hbm>>
      tpu.enqueue_indirect_dma source(%dma_start3A_396 : memref<20480x128xf32, #tpu.memory_space<hbm>>) target(%arg12 : memref<128x128xf32, #tpu.memory_space<vmem>>) offsets(%dma_start3A_393 : memref<128xi32, #tpu.memory_space<vmem>>) semaphore(%arg16 : memref<!tpu.dma_semaphore, #tpu.memory_space<semaphore_mem>>)
      %dma_wait3A_397 = arith.constant 4 : i32
      %dma_wait3A_398 = arith.constant 0 : i32
      %dma_wait3A_399 = tpu.memref_slice %arg9[%dma_wait3A_397, %dma_wait3A_398] : memref<8x128xi32, #tpu.memory_space<vmem>> -> memref<1x128xi32, #tpu.memory_space<vmem>>
      %dma_wait3A_400 = tpu.memref_squeeze %dma_wait3A_399 : memref<1x128xi32, #tpu.memory_space<vmem>> -> memref<128xi32, #tpu.memory_space<vmem>>
      %dma_wait3A_401 = arith.constant 0 : i32
      %dma_wait3A_402 = arith.constant 0 : i32
      %dma_wait3A_403 = tpu.memref_slice %arg2[%dma_wait3A_401, %dma_wait3A_402] : memref<20480x128xf32, #tpu.memory_space<hbm>> -> memref<20480x128xf32, #tpu.memory_space<hbm>>
      tpu.wait_indirect_dma semaphore(%arg16 : memref<!tpu.dma_semaphore, #tpu.memory_space<semaphore_mem>>) src(%dma_wait3A_403 : memref<20480x128xf32, #tpu.memory_space<hbm>>) dst(%arg12 : memref<128x128xf32, #tpu.memory_space<vmem>>)
      %dma_start3A_404 = arith.constant 4 : i32
      %dma_start3A_405 = arith.constant 0 : i32
      %dma_start3A_406 = tpu.memref_slice %arg11[%dma_start3A_404, %dma_start3A_405] : memref<8x128xi32, #tpu.memory_space<vmem>> -> memref<1x128xi32, #tpu.memory_space<vmem>>
      %dma_start3A_407 = tpu.memref_squeeze %dma_start3A_406 : memref<1x128xi32, #tpu.memory_space<vmem>> -> memref<128xi32, #tpu.memory_space<vmem>>
      %dma_start3A_408 = arith.constant 0 : i32
      %dma_start3A_409 = arith.constant 0 : i32
      %dma_start3A_410 = tpu.memref_slice %arg7[%dma_start3A_408, %dma_start3A_409] : memref<10240x128xf32, #tpu.memory_space<vmem_shared>> -> memref<10240x128xf32, #tpu.memory_space<vmem_shared>>
      tpu.enqueue_indirect_dma source(%arg12 : memref<128x128xf32, #tpu.memory_space<vmem>>) target(%dma_start3A_410 : memref<10240x128xf32, #tpu.memory_space<vmem_shared>>) offsets(%dma_start3A_407 : memref<128xi32, #tpu.memory_space<vmem>>) semaphore(%arg18 : memref<!tpu.dma_semaphore, #tpu.memory_space<semaphore_mem>>) {add = true}
      %dma_wait3A_411 = arith.constant 3 : i32
      %dma_wait3A_412 = arith.constant 0 : i32
      %dma_wait3A_413 = tpu.memref_slice %arg11[%dma_wait3A_411, %dma_wait3A_412] : memref<8x128xi32, #tpu.memory_space<vmem>> -> memref<1x128xi32, #tpu.memory_space<vmem>>
      %dma_wait3A_414 = tpu.memref_squeeze %dma_wait3A_413 : memref<1x128xi32, #tpu.memory_space<vmem>> -> memref<128xi32, #tpu.memory_space<vmem>>
      %dma_wait3A_415 = arith.constant 0 : i32
      %dma_wait3A_416 = arith.constant 0 : i32
      %dma_wait3A_417 = tpu.memref_slice %arg7[%dma_wait3A_415, %dma_wait3A_416] : memref<10240x128xf32, #tpu.memory_space<vmem_shared>> -> memref<10240x128xf32, #tpu.memory_space<vmem_shared>>
      tpu.wait_indirect_dma semaphore(%arg19 : memref<!tpu.dma_semaphore, #tpu.memory_space<semaphore_mem>>) src(%arg13 : memref<128x128xf32, #tpu.memory_space<vmem>>) dst(%dma_wait3A_417 : memref<10240x128xf32, #tpu.memory_space<vmem_shared>>)
      %dma_start3A_418 = arith.constant 5 : i32
      %dma_start3A_419 = arith.constant 0 : i32
      %dma_start3A_420 = tpu.memref_slice %arg9[%dma_start3A_418, %dma_start3A_419] : memref<8x128xi32, #tpu.memory_space<vmem>> -> memref<1x128xi32, #tpu.memory_space<vmem>>
      %dma_start3A_421 = tpu.memref_squeeze %dma_start3A_420 : memref<1x128xi32, #tpu.memory_space<vmem>> -> memref<128xi32, #tpu.memory_space<vmem>>
      %dma_start3A_422 = arith.constant 0 : i32
      %dma_start3A_423 = arith.constant 0 : i32
      %dma_start3A_424 = tpu.memref_slice %arg2[%dma_start3A_422, %dma_start3A_423] : memref<20480x128xf32, #tpu.memory_space<hbm>> -> memref<20480x128xf32, #tpu.memory_space<hbm>>
      tpu.enqueue_indirect_dma source(%dma_start3A_424 : memref<20480x128xf32, #tpu.memory_space<hbm>>) target(%arg13 : memref<128x128xf32, #tpu.memory_space<vmem>>) offsets(%dma_start3A_421 : memref<128xi32, #tpu.memory_space<vmem>>) semaphore(%arg17 : memref<!tpu.dma_semaphore, #tpu.memory_space<semaphore_mem>>)
      %dma_wait3A_425 = arith.constant 5 : i32
      %dma_wait3A_426 = arith.constant 0 : i32
      %dma_wait3A_427 = tpu.memref_slice %arg9[%dma_wait3A_425, %dma_wait3A_426] : memref<8x128xi32, #tpu.memory_space<vmem>> -> memref<1x128xi32, #tpu.memory_space<vmem>>
      %dma_wait3A_428 = tpu.memref_squeeze %dma_wait3A_427 : memref<1x128xi32, #tpu.memory_space<vmem>> -> memref<128xi32, #tpu.memory_space<vmem>>
      %dma_wait3A_429 = arith.constant 0 : i32
      %dma_wait3A_430 = arith.constant 0 : i32
      %dma_wait3A_431 = tpu.memref_slice %arg2[%dma_wait3A_429, %dma_wait3A_430] : memref<20480x128xf32, #tpu.memory_space<hbm>> -> memref<20480x128xf32, #tpu.memory_space<hbm>>
      tpu.wait_indirect_dma semaphore(%arg17 : memref<!tpu.dma_semaphore, #tpu.memory_space<semaphore_mem>>) src(%dma_wait3A_431 : memref<20480x128xf32, #tpu.memory_space<hbm>>) dst(%arg13 : memref<128x128xf32, #tpu.memory_space<vmem>>)
      %dma_start3A_432 = arith.constant 5 : i32
      %dma_start3A_433 = arith.constant 0 : i32
      %dma_start3A_434 = tpu.memref_slice %arg11[%dma_start3A_432, %dma_start3A_433] : memref<8x128xi32, #tpu.memory_space<vmem>> -> memref<1x128xi32, #tpu.memory_space<vmem>>
      %dma_start3A_435 = tpu.memref_squeeze %dma_start3A_434 : memref<1x128xi32, #tpu.memory_space<vmem>> -> memref<128xi32, #tpu.memory_space<vmem>>
      %dma_start3A_436 = arith.constant 0 : i32
      %dma_start3A_437 = arith.constant 0 : i32
      %dma_start3A_438 = tpu.memref_slice %arg7[%dma_start3A_436, %dma_start3A_437] : memref<10240x128xf32, #tpu.memory_space<vmem_shared>> -> memref<10240x128xf32, #tpu.memory_space<vmem_shared>>
      tpu.enqueue_indirect_dma source(%arg13 : memref<128x128xf32, #tpu.memory_space<vmem>>) target(%dma_start3A_438 : memref<10240x128xf32, #tpu.memory_space<vmem_shared>>) offsets(%dma_start3A_435 : memref<128xi32, #tpu.memory_space<vmem>>) semaphore(%arg19 : memref<!tpu.dma_semaphore, #tpu.memory_space<semaphore_mem>>) {add = true}
      %dma_wait3A_439 = arith.constant 4 : i32
      %dma_wait3A_440 = arith.constant 0 : i32
      %dma_wait3A_441 = tpu.memref_slice %arg11[%dma_wait3A_439, %dma_wait3A_440] : memref<8x128xi32, #tpu.memory_space<vmem>> -> memref<1x128xi32, #tpu.memory_space<vmem>>
      %dma_wait3A_442 = tpu.memref_squeeze %dma_wait3A_441 : memref<1x128xi32, #tpu.memory_space<vmem>> -> memref<128xi32, #tpu.memory_space<vmem>>
      %dma_wait3A_443 = arith.constant 0 : i32
      %dma_wait3A_444 = arith.constant 0 : i32
      %dma_wait3A_445 = tpu.memref_slice %arg7[%dma_wait3A_443, %dma_wait3A_444] : memref<10240x128xf32, #tpu.memory_space<vmem_shared>> -> memref<10240x128xf32, #tpu.memory_space<vmem_shared>>
      tpu.wait_indirect_dma semaphore(%arg18 : memref<!tpu.dma_semaphore, #tpu.memory_space<semaphore_mem>>) src(%arg12 : memref<128x128xf32, #tpu.memory_space<vmem>>) dst(%dma_wait3A_445 : memref<10240x128xf32, #tpu.memory_space<vmem_shared>>)
      %dma_start3A_446 = arith.constant 6 : i32
      %dma_start3A_447 = arith.constant 0 : i32
      %dma_start3A_448 = tpu.memref_slice %arg9[%dma_start3A_446, %dma_start3A_447] : memref<8x128xi32, #tpu.memory_space<vmem>> -> memref<1x128xi32, #tpu.memory_space<vmem>>
      %dma_start3A_449 = tpu.memref_squeeze %dma_start3A_448 : memref<1x128xi32, #tpu.memory_space<vmem>> -> memref<128xi32, #tpu.memory_space<vmem>>
      %dma_start3A_450 = arith.constant 0 : i32
      %dma_start3A_451 = arith.constant 0 : i32
      %dma_start3A_452 = tpu.memref_slice %arg2[%dma_start3A_450, %dma_start3A_451] : memref<20480x128xf32, #tpu.memory_space<hbm>> -> memref<20480x128xf32, #tpu.memory_space<hbm>>
      tpu.enqueue_indirect_dma source(%dma_start3A_452 : memref<20480x128xf32, #tpu.memory_space<hbm>>) target(%arg12 : memref<128x128xf32, #tpu.memory_space<vmem>>) offsets(%dma_start3A_449 : memref<128xi32, #tpu.memory_space<vmem>>) semaphore(%arg16 : memref<!tpu.dma_semaphore, #tpu.memory_space<semaphore_mem>>)
      %dma_wait3A_453 = arith.constant 6 : i32
      %dma_wait3A_454 = arith.constant 0 : i32
      %dma_wait3A_455 = tpu.memref_slice %arg9[%dma_wait3A_453, %dma_wait3A_454] : memref<8x128xi32, #tpu.memory_space<vmem>> -> memref<1x128xi32, #tpu.memory_space<vmem>>
      %dma_wait3A_456 = tpu.memref_squeeze %dma_wait3A_455 : memref<1x128xi32, #tpu.memory_space<vmem>> -> memref<128xi32, #tpu.memory_space<vmem>>
      %dma_wait3A_457 = arith.constant 0 : i32
      %dma_wait3A_458 = arith.constant 0 : i32
      %dma_wait3A_459 = tpu.memref_slice %arg2[%dma_wait3A_457, %dma_wait3A_458] : memref<20480x128xf32, #tpu.memory_space<hbm>> -> memref<20480x128xf32, #tpu.memory_space<hbm>>
      tpu.wait_indirect_dma semaphore(%arg16 : memref<!tpu.dma_semaphore, #tpu.memory_space<semaphore_mem>>) src(%dma_wait3A_459 : memref<20480x128xf32, #tpu.memory_space<hbm>>) dst(%arg12 : memref<128x128xf32, #tpu.memory_space<vmem>>)
      %dma_start3A_460 = arith.constant 6 : i32
      %dma_start3A_461 = arith.constant 0 : i32
      %dma_start3A_462 = tpu.memref_slice %arg11[%dma_start3A_460, %dma_start3A_461] : memref<8x128xi32, #tpu.memory_space<vmem>> -> memref<1x128xi32, #tpu.memory_space<vmem>>
      %dma_start3A_463 = tpu.memref_squeeze %dma_start3A_462 : memref<1x128xi32, #tpu.memory_space<vmem>> -> memref<128xi32, #tpu.memory_space<vmem>>
      %dma_start3A_464 = arith.constant 0 : i32
      %dma_start3A_465 = arith.constant 0 : i32
      %dma_start3A_466 = tpu.memref_slice %arg7[%dma_start3A_464, %dma_start3A_465] : memref<10240x128xf32, #tpu.memory_space<vmem_shared>> -> memref<10240x128xf32, #tpu.memory_space<vmem_shared>>
      tpu.enqueue_indirect_dma source(%arg12 : memref<128x128xf32, #tpu.memory_space<vmem>>) target(%dma_start3A_466 : memref<10240x128xf32, #tpu.memory_space<vmem_shared>>) offsets(%dma_start3A_463 : memref<128xi32, #tpu.memory_space<vmem>>) semaphore(%arg18 : memref<!tpu.dma_semaphore, #tpu.memory_space<semaphore_mem>>) {add = true}
      %dma_wait3A_467 = arith.constant 5 : i32
      %dma_wait3A_468 = arith.constant 0 : i32
      %dma_wait3A_469 = tpu.memref_slice %arg11[%dma_wait3A_467, %dma_wait3A_468] : memref<8x128xi32, #tpu.memory_space<vmem>> -> memref<1x128xi32, #tpu.memory_space<vmem>>
      %dma_wait3A_470 = tpu.memref_squeeze %dma_wait3A_469 : memref<1x128xi32, #tpu.memory_space<vmem>> -> memref<128xi32, #tpu.memory_space<vmem>>
      %dma_wait3A_471 = arith.constant 0 : i32
      %dma_wait3A_472 = arith.constant 0 : i32
      %dma_wait3A_473 = tpu.memref_slice %arg7[%dma_wait3A_471, %dma_wait3A_472] : memref<10240x128xf32, #tpu.memory_space<vmem_shared>> -> memref<10240x128xf32, #tpu.memory_space<vmem_shared>>
      tpu.wait_indirect_dma semaphore(%arg19 : memref<!tpu.dma_semaphore, #tpu.memory_space<semaphore_mem>>) src(%arg13 : memref<128x128xf32, #tpu.memory_space<vmem>>) dst(%dma_wait3A_473 : memref<10240x128xf32, #tpu.memory_space<vmem_shared>>)
      %dma_start3A_474 = arith.constant 7 : i32
      %dma_start3A_475 = arith.constant 0 : i32
      %dma_start3A_476 = tpu.memref_slice %arg9[%dma_start3A_474, %dma_start3A_475] : memref<8x128xi32, #tpu.memory_space<vmem>> -> memref<1x128xi32, #tpu.memory_space<vmem>>
      %dma_start3A_477 = tpu.memref_squeeze %dma_start3A_476 : memref<1x128xi32, #tpu.memory_space<vmem>> -> memref<128xi32, #tpu.memory_space<vmem>>
      %dma_start3A_478 = arith.constant 0 : i32
      %dma_start3A_479 = arith.constant 0 : i32
      %dma_start3A_480 = tpu.memref_slice %arg2[%dma_start3A_478, %dma_start3A_479] : memref<20480x128xf32, #tpu.memory_space<hbm>> -> memref<20480x128xf32, #tpu.memory_space<hbm>>
      tpu.enqueue_indirect_dma source(%dma_start3A_480 : memref<20480x128xf32, #tpu.memory_space<hbm>>) target(%arg13 : memref<128x128xf32, #tpu.memory_space<vmem>>) offsets(%dma_start3A_477 : memref<128xi32, #tpu.memory_space<vmem>>) semaphore(%arg17 : memref<!tpu.dma_semaphore, #tpu.memory_space<semaphore_mem>>)
      %dma_wait3A_481 = arith.constant 7 : i32
      %dma_wait3A_482 = arith.constant 0 : i32
      %dma_wait3A_483 = tpu.memref_slice %arg9[%dma_wait3A_481, %dma_wait3A_482] : memref<8x128xi32, #tpu.memory_space<vmem>> -> memref<1x128xi32, #tpu.memory_space<vmem>>
      %dma_wait3A_484 = tpu.memref_squeeze %dma_wait3A_483 : memref<1x128xi32, #tpu.memory_space<vmem>> -> memref<128xi32, #tpu.memory_space<vmem>>
      %dma_wait3A_485 = arith.constant 0 : i32
      %dma_wait3A_486 = arith.constant 0 : i32
      %dma_wait3A_487 = tpu.memref_slice %arg2[%dma_wait3A_485, %dma_wait3A_486] : memref<20480x128xf32, #tpu.memory_space<hbm>> -> memref<20480x128xf32, #tpu.memory_space<hbm>>
      tpu.wait_indirect_dma semaphore(%arg17 : memref<!tpu.dma_semaphore, #tpu.memory_space<semaphore_mem>>) src(%dma_wait3A_487 : memref<20480x128xf32, #tpu.memory_space<hbm>>) dst(%arg13 : memref<128x128xf32, #tpu.memory_space<vmem>>)
      %dma_start3A_488 = arith.constant 7 : i32
      %dma_start3A_489 = arith.constant 0 : i32
      %dma_start3A_490 = tpu.memref_slice %arg11[%dma_start3A_488, %dma_start3A_489] : memref<8x128xi32, #tpu.memory_space<vmem>> -> memref<1x128xi32, #tpu.memory_space<vmem>>
      %dma_start3A_491 = tpu.memref_squeeze %dma_start3A_490 : memref<1x128xi32, #tpu.memory_space<vmem>> -> memref<128xi32, #tpu.memory_space<vmem>>
      %dma_start3A_492 = arith.constant 0 : i32
      %dma_start3A_493 = arith.constant 0 : i32
      %dma_start3A_494 = tpu.memref_slice %arg7[%dma_start3A_492, %dma_start3A_493] : memref<10240x128xf32, #tpu.memory_space<vmem_shared>> -> memref<10240x128xf32, #tpu.memory_space<vmem_shared>>
      tpu.enqueue_indirect_dma source(%arg13 : memref<128x128xf32, #tpu.memory_space<vmem>>) target(%dma_start3A_494 : memref<10240x128xf32, #tpu.memory_space<vmem_shared>>) offsets(%dma_start3A_491 : memref<128xi32, #tpu.memory_space<vmem>>) semaphore(%arg19 : memref<!tpu.dma_semaphore, #tpu.memory_space<semaphore_mem>>) {add = true}
      %dma_wait3A_495 = arith.constant 6 : i32
      %dma_wait3A_496 = arith.constant 0 : i32
      %dma_wait3A_497 = tpu.memref_slice %arg11[%dma_wait3A_495, %dma_wait3A_496] : memref<8x128xi32, #tpu.memory_space<vmem>> -> memref<1x128xi32, #tpu.memory_space<vmem>>
      %dma_wait3A_498 = tpu.memref_squeeze %dma_wait3A_497 : memref<1x128xi32, #tpu.memory_space<vmem>> -> memref<128xi32, #tpu.memory_space<vmem>>
      %dma_wait3A_499 = arith.constant 0 : i32
      %dma_wait3A_500 = arith.constant 0 : i32
      %dma_wait3A_501 = tpu.memref_slice %arg7[%dma_wait3A_499, %dma_wait3A_500] : memref<10240x128xf32, #tpu.memory_space<vmem_shared>> -> memref<10240x128xf32, #tpu.memory_space<vmem_shared>>
      tpu.wait_indirect_dma semaphore(%arg18 : memref<!tpu.dma_semaphore, #tpu.memory_space<semaphore_mem>>) src(%arg12 : memref<128x128xf32, #tpu.memory_space<vmem>>) dst(%dma_wait3A_501 : memref<10240x128xf32, #tpu.memory_space<vmem_shared>>)
      %lt3A_502 = arith.constant 9 : i32
      %lt3A_503 = arith.cmpi slt, %scan3A_21, %lt3A_502 : i32
      %convert_element_type3A_504 = arith.extui %lt3A_503 : i1 to i32
      %cond3A_505 = arith.constant 0 : i32
      %cond3A_506 = arith.cmpi ne, %convert_element_type3A_504, %cond3A_505 : i32
      scf.if %cond3A_506 {
        %mul3A_507 = arith.constant 2 : i32
        %mul3A_508 = arith.muli %mul3A_507, %scan3A_21 : i32
        %add3A_509 = arith.constant 2 : i32
        %add3A_510 = arith.addi %mul3A_508, %add3A_509 : i32
        %mul3A_511 = arith.constant 8 : i32
        %mul3A_512 = arith.muli %add3A_510, %mul3A_511 : i32
        %mul3A_513 = arith.constant 8 : i32
        %mul3A_514 = arith.muli %add3A_510, %mul3A_513 : i32
        %dma_wait3A_515 = arith.constant 0 : i32
        %dma_wait3A_516 = tpu.memref_slice %arg3[%arg0, %arg1, %mul3A_512, %dma_wait3A_515] : memref<2x16x160x128xi32, #tpu.memory_space<hbm>> -> memref<1x1x8x128xi32, #tpu.memory_space<hbm>>
        %dma_wait3A_517 = tpu.memref_squeeze %dma_wait3A_516 : memref<1x1x8x128xi32, #tpu.memory_space<hbm>> -> memref<8x128xi32, #tpu.memory_space<hbm>>
        %dma_wait3A_518 = arith.constant 0 : i32
        %dma_wait3A_519 = tpu.memref_slice %arg3[%arg0, %arg1, %mul3A_512, %dma_wait3A_518] : memref<2x16x160x128xi32, #tpu.memory_space<hbm>> -> memref<1x1x8x128xi32, #tpu.memory_space<hbm>>
        %dma_wait3A_520 = tpu.memref_squeeze %dma_wait3A_519 : memref<1x1x8x128xi32, #tpu.memory_space<hbm>> -> memref<8x128xi32, #tpu.memory_space<hbm>>
        tpu.wait_dma2 semaphore(%arg14 : memref<!tpu.dma_semaphore, #tpu.memory_space<semaphore_mem>>) src(%dma_wait3A_520 : memref<8x128xi32, #tpu.memory_space<hbm>>) dst(%arg8 : memref<8x128xi32, #tpu.memory_space<vmem>>)
        %dma_wait3A_521 = arith.constant 0 : i32
        %dma_wait3A_522 = tpu.memref_slice %arg4[%arg1, %mul3A_514, %dma_wait3A_521] : memref<16x160x128xi32, #tpu.memory_space<hbm>> -> memref<1x8x128xi32, #tpu.memory_space<hbm>>
        %dma_wait3A_523 = tpu.memref_squeeze %dma_wait3A_522 : memref<1x8x128xi32, #tpu.memory_space<hbm>> -> memref<8x128xi32, #tpu.memory_space<hbm>>
        %dma_wait3A_524 = arith.constant 0 : i32
        %dma_wait3A_525 = tpu.memref_slice %arg4[%arg1, %mul3A_514, %dma_wait3A_524] : memref<16x160x128xi32, #tpu.memory_space<hbm>> -> memref<1x8x128xi32, #tpu.memory_space<hbm>>
        %dma_wait3A_526 = tpu.memref_squeeze %dma_wait3A_525 : memref<1x8x128xi32, #tpu.memory_space<hbm>> -> memref<8x128xi32, #tpu.memory_space<hbm>>
        tpu.wait_dma2 semaphore(%arg14 : memref<!tpu.dma_semaphore, #tpu.memory_space<semaphore_mem>>) src(%dma_wait3A_526 : memref<8x128xi32, #tpu.memory_space<hbm>>) dst(%arg10 : memref<8x128xi32, #tpu.memory_space<vmem>>)
        %dma_start3A_527 = arith.constant 0 : i32
        %dma_start3A_528 = arith.constant 0 : i32
        %dma_start3A_529 = tpu.memref_slice %arg8[%dma_start3A_527, %dma_start3A_528] : memref<8x128xi32, #tpu.memory_space<vmem>> -> memref<1x128xi32, #tpu.memory_space<vmem>>
        %dma_start3A_530 = tpu.memref_squeeze %dma_start3A_529 : memref<1x128xi32, #tpu.memory_space<vmem>> -> memref<128xi32, #tpu.memory_space<vmem>>
        %dma_start3A_531 = arith.constant 0 : i32
        %dma_start3A_532 = arith.constant 0 : i32
        %dma_start3A_533 = tpu.memref_slice %arg2[%dma_start3A_531, %dma_start3A_532] : memref<20480x128xf32, #tpu.memory_space<hbm>> -> memref<20480x128xf32, #tpu.memory_space<hbm>>
        tpu.enqueue_indirect_dma source(%dma_start3A_533 : memref<20480x128xf32, #tpu.memory_space<hbm>>) target(%arg12 : memref<128x128xf32, #tpu.memory_space<vmem>>) offsets(%dma_start3A_530 : memref<128xi32, #tpu.memory_space<vmem>>) semaphore(%arg16 : memref<!tpu.dma_semaphore, #tpu.memory_space<semaphore_mem>>)
      } else {
      }
    }
    %scan3A_11 = arith.constant 10 : i32
    %dma_wait3A = arith.constant 7 : i32
    %dma_wait3A_12 = arith.constant 0 : i32
    %dma_wait3A_13 = tpu.memref_slice %arg11[%dma_wait3A, %dma_wait3A_12] : memref<8x128xi32, #tpu.memory_space<vmem>> -> memref<1x128xi32, #tpu.memory_space<vmem>>
    %dma_wait3A_14 = tpu.memref_squeeze %dma_wait3A_13 : memref<1x128xi32, #tpu.memory_space<vmem>> -> memref<128xi32, #tpu.memory_space<vmem>>
    %dma_wait3A_15 = arith.constant 0 : i32
    %dma_wait3A_16 = arith.constant 0 : i32
    %dma_wait3A_17 = tpu.memref_slice %arg7[%dma_wait3A_15, %dma_wait3A_16] : memref<10240x128xf32, #tpu.memory_space<vmem_shared>> -> memref<10240x128xf32, #tpu.memory_space<vmem_shared>>
    tpu.wait_indirect_dma semaphore(%arg19 : memref<!tpu.dma_semaphore, #tpu.memory_space<semaphore_mem>>) src(%arg13 : memref<128x128xf32, #tpu.memory_space<vmem>>) dst(%dma_wait3A_17 : memref<10240x128xf32, #tpu.memory_space<vmem_shared>>)
    %barrier3A_18 = arith.constant 0 : index
    tpu.barrier barrier_id(%barrier3A_18)
    %mul3A_19 = arith.constant 10240 : i32
    %mul3A_20 = arith.muli %arg0, %mul3A_19 : i32
    %add3A = arith.addi %mul3A_20, %mul3A_0 : i32
    "tpu.region"() ({
      %run_scoped3A = tpu.sem_alloc : memref<!tpu.dma_semaphore, #tpu.memory_space<semaphore_mem>>
      %dma_start3A_21 = arith.constant 0 : i32
      %dma_start3A_22 = tpu.memref_slice %arg6[%add3A, %dma_start3A_21] : memref<20480x128xf32, #tpu.memory_space<hbm>> -> memref<640x128xf32, #tpu.memory_space<hbm>>
      %dma_start3A_23 = arith.constant 0 : i32
      %dma_start3A_24 = tpu.memref_slice %arg7[%mul3A_0, %dma_start3A_23] : memref<10240x128xf32, #tpu.memory_space<vmem_shared>> -> memref<640x128xf32, #tpu.memory_space<vmem_shared>>
      tpu.enqueue_dma source(%dma_start3A_24 : memref<640x128xf32, #tpu.memory_space<vmem_shared>>) target(%dma_start3A_22 : memref<640x128xf32, #tpu.memory_space<hbm>>) target_semaphore(%run_scoped3A : memref<!tpu.dma_semaphore, #tpu.memory_space<semaphore_mem>>)
      %dma_wait3A_25 = arith.constant 0 : i32
      %dma_wait3A_26 = tpu.memref_slice %arg6[%add3A, %dma_wait3A_25] : memref<20480x128xf32, #tpu.memory_space<hbm>> -> memref<640x128xf32, #tpu.memory_space<hbm>>
      %dma_wait3A_27 = arith.constant 0 : i32
      %dma_wait3A_28 = tpu.memref_slice %arg7[%mul3A_0, %dma_wait3A_27] : memref<10240x128xf32, #tpu.memory_space<vmem_shared>> -> memref<640x128xf32, #tpu.memory_space<vmem_shared>>
      tpu.wait_dma2 semaphore(%run_scoped3A : memref<!tpu.dma_semaphore, #tpu.memory_space<semaphore_mem>>) src(%dma_wait3A_28 : memref<640x128xf32, #tpu.memory_space<vmem_shared>>) dst(%dma_wait3A_26 : memref<640x128xf32, #tpu.memory_space<hbm>>)
      tpu.yield
    }) : () -> ()
    return
  }
}

module attributes {stable_mosaic.version = 14 : i64} {
  func.func @body(%arg0: i32, %arg1: memref<1280x128xf32, #tpu.memory_space<vmem>>, %arg2: memref<128x256xf32, #tpu.memory_space<vmem>>, %arg3: memref<1280x256xf32, #tpu.memory_space<vmem>>) attributes {dimension_semantics = [#tpu.dimension_semantics<arbitrary>], iteration_bounds = array<i64: 8>, scalar_prefetch = 0 : i64, scratch_operands = 0 : i64, tpu.core_type = #tpu.core_type<tc>, window_params = [{transform_indices = @transform_0, window_bounds = array<i64: 1280, 128>}, {pipeline_mode = #tpu.pipeline_mode<synchronous>, transform_indices = @transform_1, window_bounds = array<i64: 128, 256>}, {transform_indices = @transform_2, window_bounds = array<i64: 1280, 256>}]} {
    %get3A = arith.constant 0 : index
    %get3A_0 = arith.constant 0 : index
    %get3A_1 = vector.load %arg1[%get3A, %get3A_0] : memref<1280x128xf32, #tpu.memory_space<vmem>>, vector<1280x128xf32>
    %get3A_2 = arith.constant 0 : index
    %get3A_3 = arith.constant 0 : index
    %get3A_4 = vector.load %arg2[%get3A_2, %get3A_3] : memref<128x256xf32, #tpu.memory_space<vmem>>, vector<128x256xf32>
    %dot_general3A = arith.constant dense<0.000000e+00> : vector<1280x256xf32>
    %dot_general3A_5 = tpu.matmul %get3A_1, %get3A_4, %dot_general3A {dimension_numbers = #tpu.dot_dimension_numbers<[1], [0], [0], [1], [0, 0, 1, 1], [], []>, transpose_lhs_hint = false} : vector<1280x128xf32>, vector<128x256xf32>, vector<1280x256xf32> -> vector<1280x256xf32>
    %swap3A = arith.constant 0 : index
    %swap3A_6 = arith.constant 0 : index
    %swap3A_7 = vector.load %arg3[%swap3A, %swap3A_6] : memref<1280x256xf32, #tpu.memory_space<vmem>>, vector<1280x256xf32>
    tpu.vector_store %arg3[%swap3A, %swap3A_6], %dot_general3A_5 {strides = array<i32>} : memref<1280x256xf32, #tpu.memory_space<vmem>>, vector<1280x256xf32>,
    return
  }
  func.func @transform_0(%arg0: i32) -> (i32, i32) {
    %c0_i32 = arith.constant 0 : i32
    %c0_i32_0 = arith.constant 0 : i32
    return %arg0, %c0_i32 : i32, i32
  }
  func.func @transform_1(%arg0: i32) -> (i32, i32) {
    %c0_i32 = arith.constant 0 : i32
    %c0_i32_0 = arith.constant 0 : i32
    %c0_i32_1 = arith.constant 0 : i32
    return %c0_i32, %c0_i32_0 : i32, i32
  }
  func.func @transform_2(%arg0: i32) -> (i32, i32) {
    %c0_i32 = arith.constant 0 : i32
    %c0_i32_0 = arith.constant 0 : i32
    return %arg0, %c0_i32 : i32, i32
  }
}

module attributes {stable_mosaic.version = 14 : i64} {
  func.func @body(%arg0: i32, %arg1: memref<1280x256xf32, #tpu.memory_space<vmem>>, %arg2: memref<2x1280x128xf32, #tpu.memory_space<vmem>>, %arg3: memref<2x1280x128xf32, #tpu.memory_space<vmem>>) attributes {dimension_semantics = [#tpu.dimension_semantics<arbitrary>], iteration_bounds = array<i64: 8>, scalar_prefetch = 0 : i64, scratch_operands = 0 : i64, tpu.core_type = #tpu.core_type<tc>, window_params = [{transform_indices = @transform_0, window_bounds = array<i64: 1280, 256>}, {transform_indices = @transform_1, window_bounds = array<i64: 2, 1280, 128>}, {transform_indices = @transform_2, window_bounds = array<i64: 2, 1280, 128>}]} {
    %get3A = arith.constant 0 : index
    %get3A_0 = arith.constant 0 : index
    %get3A_1 = arith.constant 0 : index
    %get3A_2 = vector.load %arg2[%get3A, %get3A_0, %get3A_1] : memref<2x1280x128xf32, #tpu.memory_space<vmem>>, vector<1x1280x1xf32>
    %get3A_3 = vector.shape_cast %get3A_2 : vector<1x1280x1xf32> to vector<1280xf32>
    %add3A = arith.constant 1.000000e+00 : f32
    %add3A_4 = vector.broadcast %add3A : f32 to vector<1280xf32>
    %add3A_5 = arith.addf %add3A_4, %get3A_3 : vector<1280xf32>
    %get3A_6 = arith.constant 1 : index
    %get3A_7 = arith.constant 0 : index
    %get3A_8 = arith.constant 0 : index
    %get3A_9 = vector.load %arg2[%get3A_6, %get3A_7, %get3A_8] : memref<2x1280x128xf32, #tpu.memory_space<vmem>>, vector<1x1280x1xf32>
    %get3A_10 = vector.shape_cast %get3A_9 : vector<1x1280x1xf32> to vector<1280xf32>
    %add3A_11 = arith.addf %add3A_5, %get3A_10 : vector<1280xf32>
    %rsqrt3A = math.rsqrt %add3A_11 : vector<1280xf32>
    %get3A_12 = arith.constant 0 : index
    %get3A_13 = arith.constant 0 : index
    %get3A_14 = vector.load %arg1[%get3A_12, %get3A_13] : memref<1280x256xf32, #tpu.memory_space<vmem>>, vector<1280x256xf32>
    %broadcast_in_dim3A = vector.shape_cast %rsqrt3A : vector<1280xf32> to vector<1280x1xf32>
    %mul3A = vector.broadcast %broadcast_in_dim3A : vector<1280x1xf32> to vector<1280x256xf32>
    %mul3A_15 = arith.mulf %get3A_14, %mul3A : vector<1280x256xf32>
    %slice3A = vector.extract_strided_slice %mul3A_15 {offsets = [0, 0], sizes = [1280, 128], strides = [1, 1]} : vector<1280x256xf32> to vector<1280x128xf32>
    %swap3A = arith.constant 0 : index
    %swap3A_16 = arith.constant 0 : index
    %swap3A_17 = arith.constant 0 : index
    %swap3A_18 = vector.load %arg3[%swap3A, %swap3A_16, %swap3A_17] : memref<2x1280x128xf32, #tpu.memory_space<vmem>>, vector<1x1280x128xf32>
    %swap3A_19 = vector.shape_cast %swap3A_18 : vector<1x1280x128xf32> to vector<1280x128xf32>
    %swap3A_20 = vector.shape_cast %slice3A : vector<1280x128xf32> to vector<1x1280x128xf32>
    tpu.vector_store %arg3[%swap3A, %swap3A_16, %swap3A_17], %swap3A_20 {strides = array<i32>} : memref<2x1280x128xf32, #tpu.memory_space<vmem>>, vector<1x1280x128xf32>,
    %slice3A_21 = vector.extract_strided_slice %mul3A_15 {offsets = [0, 128], sizes = [1280, 128], strides = [1, 1]} : vector<1280x256xf32> to vector<1280x128xf32>
    %swap3A_22 = arith.constant 1 : index
    %swap3A_23 = arith.constant 0 : index
    %swap3A_24 = arith.constant 0 : index
    %swap3A_25 = vector.load %arg3[%swap3A_22, %swap3A_23, %swap3A_24] : memref<2x1280x128xf32, #tpu.memory_space<vmem>>, vector<1x1280x128xf32>
    %swap3A_26 = vector.shape_cast %swap3A_25 : vector<1x1280x128xf32> to vector<1280x128xf32>
    %swap3A_27 = vector.shape_cast %slice3A_21 : vector<1280x128xf32> to vector<1x1280x128xf32>
    tpu.vector_store %arg3[%swap3A_22, %swap3A_23, %swap3A_24], %swap3A_27 {strides = array<i32>} : memref<2x1280x128xf32, #tpu.memory_space<vmem>>, vector<1x1280x128xf32>,
    return
  }
  func.func @transform_0(%arg0: i32) -> (i32, i32) {
    %c0_i32 = arith.constant 0 : i32
    %c0_i32_0 = arith.constant 0 : i32
    return %arg0, %c0_i32 : i32, i32
  }
  func.func @transform_1(%arg0: i32) -> (i32, i32, i32) {
    %c0_i32 = arith.constant 0 : i32
    %c0_i32_0 = arith.constant 0 : i32
    %c0_i32_1 = arith.constant 0 : i32
    return %c0_i32, %arg0, %c0_i32_0 : i32, i32, i32
  }
  func.func @transform_2(%arg0: i32) -> (i32, i32, i32) {
    %c0_i32 = arith.constant 0 : i32
    %c0_i32_0 = arith.constant 0 : i32
    %c0_i32_1 = arith.constant 0 : i32
    return %c0_i32, %arg0, %c0_i32_0 : i32, i32, i32
  }
}

module attributes {stable_mosaic.version = 14 : i64} {
  func.func @body(%arg0: i32, %arg1: memref<2x1280x128xf32, #tpu.memory_space<vmem>>, %arg2: memref<2x1280x128xf32, #tpu.memory_space<vmem>>, %arg3: memref<2x1280x128xf32, #tpu.memory_space<vmem>>, %arg4: memref<256x256xf32, #tpu.memory_space<vmem>>, %arg5: memref<1x256xf32, #tpu.memory_space<vmem>>, %arg6: memref<2x1280x128xf32, #tpu.memory_space<vmem>>) attributes {dimension_semantics = [#tpu.dimension_semantics<arbitrary>], iteration_bounds = array<i64: 8>, scalar_prefetch = 0 : i64, scratch_operands = 0 : i64, tpu.core_type = #tpu.core_type<tc>, window_params = [{transform_indices = @transform_0, window_bounds = array<i64: 2, 1280, 128>}, {transform_indices = @transform_1, window_bounds = array<i64: 2, 1280, 128>}, {transform_indices = @transform_2, window_bounds = array<i64: 2, 1280, 128>}, {pipeline_mode = #tpu.pipeline_mode<synchronous>, transform_indices = @transform_3, window_bounds = array<i64: 256, 256>}, {pipeline_mode = #tpu.pipeline_mode<synchronous>, transform_indices = @transform_4, window_bounds = array<i64: 1, 256>}, {transform_indices = @transform_5, window_bounds = array<i64: 2, 1280, 128>}]} {
    %get3A = arith.constant 0 : index
    %get3A_0 = arith.constant 0 : index
    %get3A_1 = arith.constant 0 : index
    %get3A_2 = vector.load %arg3[%get3A, %get3A_0, %get3A_1] : memref<2x1280x128xf32, #tpu.memory_space<vmem>>, vector<1x1280x1xf32>
    %get3A_3 = vector.shape_cast %get3A_2 : vector<1x1280x1xf32> to vector<1280xf32>
    %add3A = arith.constant 1.000000e+00 : f32
    %add3A_4 = vector.broadcast %add3A : f32 to vector<1280xf32>
    %add3A_5 = arith.addf %add3A_4, %get3A_3 : vector<1280xf32>
    %get3A_6 = arith.constant 1 : index
    %get3A_7 = arith.constant 0 : index
    %get3A_8 = arith.constant 0 : index
    %get3A_9 = vector.load %arg3[%get3A_6, %get3A_7, %get3A_8] : memref<2x1280x128xf32, #tpu.memory_space<vmem>>, vector<1x1280x1xf32>
    %get3A_10 = vector.shape_cast %get3A_9 : vector<1x1280x1xf32> to vector<1280xf32>
    %add3A_11 = arith.addf %add3A_5, %get3A_10 : vector<1280xf32>
    %rsqrt3A = math.rsqrt %add3A_11 : vector<1280xf32>
    %get3A_12 = arith.constant 0 : index
    %get3A_13 = arith.constant 0 : index
    %get3A_14 = arith.constant 0 : index
    %get3A_15 = vector.load %arg1[%get3A_12, %get3A_13, %get3A_14] : memref<2x1280x128xf32, #tpu.memory_space<vmem>>, vector<1x1280x128xf32>
    %get3A_16 = vector.shape_cast %get3A_15 : vector<1x1280x128xf32> to vector<1280x128xf32>
    %get3A_17 = arith.constant 1 : index
    %get3A_18 = arith.constant 0 : index
    %get3A_19 = arith.constant 0 : index
    %get3A_20 = vector.load %arg1[%get3A_17, %get3A_18, %get3A_19] : memref<2x1280x128xf32, #tpu.memory_space<vmem>>, vector<1x1280x128xf32>
    %get3A_21 = vector.shape_cast %get3A_20 : vector<1x1280x128xf32> to vector<1280x128xf32>
    %concatenate3A = tpu.concatenate %get3A_16, %get3A_21 in 1 : vector<1280x128xf32>, vector<1280x128xf32> -> vector<1280x256xf32>
    %get3A_22 = arith.constant 0 : index
    %get3A_23 = arith.constant 0 : index
    %get3A_24 = arith.constant 0 : index
    %get3A_25 = vector.load %arg2[%get3A_22, %get3A_23, %get3A_24] : memref<2x1280x128xf32, #tpu.memory_space<vmem>>, vector<1x1280x128xf32>
    %get3A_26 = vector.shape_cast %get3A_25 : vector<1x1280x128xf32> to vector<1280x128xf32>
    %get3A_27 = arith.constant 1 : index
    %get3A_28 = arith.constant 0 : index
    %get3A_29 = arith.constant 0 : index
    %get3A_30 = vector.load %arg2[%get3A_27, %get3A_28, %get3A_29] : memref<2x1280x128xf32, #tpu.memory_space<vmem>>, vector<1x1280x128xf32>
    %get3A_31 = vector.shape_cast %get3A_30 : vector<1x1280x128xf32> to vector<1280x128xf32>
    %concatenate3A_32 = tpu.concatenate %get3A_26, %get3A_31 in 1 : vector<1280x128xf32>, vector<1280x128xf32> -> vector<1280x256xf32>
    %add3A_33 = arith.addf %concatenate3A, %concatenate3A_32 : vector<1280x256xf32>
    %broadcast_in_dim3A = vector.shape_cast %rsqrt3A : vector<1280xf32> to vector<1280x1xf32>
    %mul3A = vector.broadcast %broadcast_in_dim3A : vector<1280x1xf32> to vector<1280x256xf32>
    %mul3A_34 = arith.mulf %add3A_33, %mul3A : vector<1280x256xf32>
    %get3A_35 = arith.constant 0 : index
    %get3A_36 = arith.constant 0 : index
    %get3A_37 = vector.load %arg5[%get3A_35, %get3A_36] : memref<1x256xf32, #tpu.memory_space<vmem>>, vector<1x256xf32>
    %add3A_38 = vector.broadcast %get3A_37 : vector<1x256xf32> to vector<1280x256xf32>
    %add3A_39 = arith.addf %mul3A_34, %add3A_38 : vector<1280x256xf32>
    %max3A = arith.constant 0.000000e+00 : f32
    %max3A_40 = vector.broadcast %max3A : f32 to vector<1280x256xf32>
    %max3A_41 = arith.maximumf %add3A_39, %max3A_40 : vector<1280x256xf32>
    %get3A_42 = arith.constant 0 : index
    %get3A_43 = arith.constant 0 : index
    %get3A_44 = vector.load %arg4[%get3A_42, %get3A_43] : memref<256x256xf32, #tpu.memory_space<vmem>>, vector<256x256xf32>
    %dot_general3A = arith.constant dense<0.000000e+00> : vector<1280x256xf32>
    %dot_general3A_45 = tpu.matmul %max3A_41, %get3A_44, %dot_general3A {dimension_numbers = #tpu.dot_dimension_numbers<[1], [0], [0], [1], [0, 0, 1, 1], [], []>, transpose_lhs_hint = false} : vector<1280x256xf32>, vector<256x256xf32>, vector<1280x256xf32> -> vector<1280x256xf32>
    %broadcast_in_dim3A_46 = vector.shape_cast %rsqrt3A : vector<1280xf32> to vector<1280x1xf32>
    %mul3A_47 = vector.broadcast %broadcast_in_dim3A_46 : vector<1280x1xf32> to vector<1280x256xf32>
    %mul3A_48 = arith.mulf %dot_general3A_45, %mul3A_47 : vector<1280x256xf32>
    %slice3A = vector.extract_strided_slice %mul3A_48 {offsets = [0, 0], sizes = [1280, 128], strides = [1, 1]} : vector<1280x256xf32> to vector<1280x128xf32>
    %swap3A = arith.constant 0 : index
    %swap3A_49 = arith.constant 0 : index
    %swap3A_50 = arith.constant 0 : index
    %swap3A_51 = vector.load %arg6[%swap3A, %swap3A_49, %swap3A_50] : memref<2x1280x128xf32, #tpu.memory_space<vmem>>, vector<1x1280x128xf32>
    %swap3A_52 = vector.shape_cast %swap3A_51 : vector<1x1280x128xf32> to vector<1280x128xf32>
    %swap3A_53 = vector.shape_cast %slice3A : vector<1280x128xf32> to vector<1x1280x128xf32>
    tpu.vector_store %arg6[%swap3A, %swap3A_49, %swap3A_50], %swap3A_53 {strides = array<i32>} : memref<2x1280x128xf32, #tpu.memory_space<vmem>>, vector<1x1280x128xf32>,
    %slice3A_54 = vector.extract_strided_slice %mul3A_48 {offsets = [0, 128], sizes = [1280, 128], strides = [1, 1]} : vector<1280x256xf32> to vector<1280x128xf32>
    %swap3A_55 = arith.constant 1 : index
    %swap3A_56 = arith.constant 0 : index
    %swap3A_57 = arith.constant 0 : index
    %swap3A_58 = vector.load %arg6[%swap3A_55, %swap3A_56, %swap3A_57] : memref<2x1280x128xf32, #tpu.memory_space<vmem>>, vector<1x1280x128xf32>
    %swap3A_59 = vector.shape_cast %swap3A_58 : vector<1x1280x128xf32> to vector<1280x128xf32>
    %swap3A_60 = vector.shape_cast %slice3A_54 : vector<1280x128xf32> to vector<1x1280x128xf32>
    tpu.vector_store %arg6[%swap3A_55, %swap3A_56, %swap3A_57], %swap3A_60 {strides = array<i32>} : memref<2x1280x128xf32, #tpu.memory_space<vmem>>, vector<1x1280x128xf32>,
    return
  }
  func.func @transform_0(%arg0: i32) -> (i32, i32, i32) {
    %c0_i32 = arith.constant 0 : i32
    %c0_i32_0 = arith.constant 0 : i32
    %c0_i32_1 = arith.constant 0 : i32
    return %c0_i32, %arg0, %c0_i32_0 : i32, i32, i32
  }
  func.func @transform_1(%arg0: i32) -> (i32, i32, i32) {
    %c0_i32 = arith.constant 0 : i32
    %c0_i32_0 = arith.constant 0 : i32
    %c0_i32_1 = arith.constant 0 : i32
    return %c0_i32, %arg0, %c0_i32_0 : i32, i32, i32
  }
  func.func @transform_2(%arg0: i32) -> (i32, i32, i32) {
    %c0_i32 = arith.constant 0 : i32
    %c0_i32_0 = arith.constant 0 : i32
    %c0_i32_1 = arith.constant 0 : i32
    return %c0_i32, %arg0, %c0_i32_0 : i32, i32, i32
  }
  func.func @transform_3(%arg0: i32) -> (i32, i32) {
    %c0_i32 = arith.constant 0 : i32
    %c0_i32_0 = arith.constant 0 : i32
    %c0_i32_1 = arith.constant 0 : i32
    return %c0_i32, %c0_i32_0 : i32, i32
  }
  func.func @transform_4(%arg0: i32) -> (i32, i32) {
    %c0_i32 = arith.constant 0 : i32
    %c0_i32_0 = arith.constant 0 : i32
    %c0_i32_1 = arith.constant 0 : i32
    return %c0_i32, %c0_i32_0 : i32, i32
  }
  func.func @transform_5(%arg0: i32) -> (i32, i32, i32) {
    %c0_i32 = arith.constant 0 : i32
    %c0_i32_0 = arith.constant 0 : i32
    %c0_i32_1 = arith.constant 0 : i32
    return %c0_i32, %arg0, %c0_i32_0 : i32, i32, i32
  }
}

module attributes {stable_mosaic.version = 14 : i64} {
  func.func @body(%arg0: i32, %arg1: memref<2x1280x128xf32, #tpu.memory_space<vmem>>, %arg2: memref<2x1280x128xf32, #tpu.memory_space<vmem>>, %arg3: memref<2x1280x128xf32, #tpu.memory_space<vmem>>, %arg4: memref<256x512xf32, #tpu.memory_space<vmem>>, %arg5: memref<1x256xf32, #tpu.memory_space<vmem>>, %arg6: memref<1x512xf32, #tpu.memory_space<vmem>>, %arg7: memref<1280x512xf32, #tpu.memory_space<vmem>>) attributes {dimension_semantics = [#tpu.dimension_semantics<arbitrary>], iteration_bounds = array<i64: 8>, scalar_prefetch = 0 : i64, scratch_operands = 0 : i64, tpu.core_type = #tpu.core_type<tc>, window_params = [{transform_indices = @transform_0, window_bounds = array<i64: 2, 1280, 128>}, {transform_indices = @transform_1, window_bounds = array<i64: 2, 1280, 128>}, {transform_indices = @transform_2, window_bounds = array<i64: 2, 1280, 128>}, {pipeline_mode = #tpu.pipeline_mode<synchronous>, transform_indices = @transform_3, window_bounds = array<i64: 256, 512>}, {pipeline_mode = #tpu.pipeline_mode<synchronous>, transform_indices = @transform_4, window_bounds = array<i64: 1, 256>}, {pipeline_mode = #tpu.pipeline_mode<synchronous>, transform_indices = @transform_5, window_bounds = array<i64: 1, 512>}, {transform_indices = @transform_6, window_bounds = array<i64: 1280, 512>}]} {
    %get3A = arith.constant 0 : index
    %get3A_0 = arith.constant 0 : index
    %get3A_1 = arith.constant 0 : index
    %get3A_2 = vector.load %arg3[%get3A, %get3A_0, %get3A_1] : memref<2x1280x128xf32, #tpu.memory_space<vmem>>, vector<1x1280x1xf32>
    %get3A_3 = vector.shape_cast %get3A_2 : vector<1x1280x1xf32> to vector<1280xf32>
    %add3A = arith.constant 1.000000e+00 : f32
    %add3A_4 = vector.broadcast %add3A : f32 to vector<1280xf32>
    %add3A_5 = arith.addf %add3A_4, %get3A_3 : vector<1280xf32>
    %get3A_6 = arith.constant 1 : index
    %get3A_7 = arith.constant 0 : index
    %get3A_8 = arith.constant 0 : index
    %get3A_9 = vector.load %arg3[%get3A_6, %get3A_7, %get3A_8] : memref<2x1280x128xf32, #tpu.memory_space<vmem>>, vector<1x1280x1xf32>
    %get3A_10 = vector.shape_cast %get3A_9 : vector<1x1280x1xf32> to vector<1280xf32>
    %add3A_11 = arith.addf %add3A_5, %get3A_10 : vector<1280xf32>
    %rsqrt3A = math.rsqrt %add3A_11 : vector<1280xf32>
    %get3A_12 = arith.constant 0 : index
    %get3A_13 = arith.constant 0 : index
    %get3A_14 = arith.constant 0 : index
    %get3A_15 = vector.load %arg1[%get3A_12, %get3A_13, %get3A_14] : memref<2x1280x128xf32, #tpu.memory_space<vmem>>, vector<1x1280x128xf32>
    %get3A_16 = vector.shape_cast %get3A_15 : vector<1x1280x128xf32> to vector<1280x128xf32>
    %get3A_17 = arith.constant 1 : index
    %get3A_18 = arith.constant 0 : index
    %get3A_19 = arith.constant 0 : index
    %get3A_20 = vector.load %arg1[%get3A_17, %get3A_18, %get3A_19] : memref<2x1280x128xf32, #tpu.memory_space<vmem>>, vector<1x1280x128xf32>
    %get3A_21 = vector.shape_cast %get3A_20 : vector<1x1280x128xf32> to vector<1280x128xf32>
    %concatenate3A = tpu.concatenate %get3A_16, %get3A_21 in 1 : vector<1280x128xf32>, vector<1280x128xf32> -> vector<1280x256xf32>
    %get3A_22 = arith.constant 0 : index
    %get3A_23 = arith.constant 0 : index
    %get3A_24 = arith.constant 0 : index
    %get3A_25 = vector.load %arg2[%get3A_22, %get3A_23, %get3A_24] : memref<2x1280x128xf32, #tpu.memory_space<vmem>>, vector<1x1280x128xf32>
    %get3A_26 = vector.shape_cast %get3A_25 : vector<1x1280x128xf32> to vector<1280x128xf32>
    %get3A_27 = arith.constant 1 : index
    %get3A_28 = arith.constant 0 : index
    %get3A_29 = arith.constant 0 : index
    %get3A_30 = vector.load %arg2[%get3A_27, %get3A_28, %get3A_29] : memref<2x1280x128xf32, #tpu.memory_space<vmem>>, vector<1x1280x128xf32>
    %get3A_31 = vector.shape_cast %get3A_30 : vector<1x1280x128xf32> to vector<1280x128xf32>
    %concatenate3A_32 = tpu.concatenate %get3A_26, %get3A_31 in 1 : vector<1280x128xf32>, vector<1280x128xf32> -> vector<1280x256xf32>
    %add3A_33 = arith.addf %concatenate3A, %concatenate3A_32 : vector<1280x256xf32>
    %broadcast_in_dim3A = vector.shape_cast %rsqrt3A : vector<1280xf32> to vector<1280x1xf32>
    %mul3A = vector.broadcast %broadcast_in_dim3A : vector<1280x1xf32> to vector<1280x256xf32>
    %mul3A_34 = arith.mulf %add3A_33, %mul3A : vector<1280x256xf32>
    %get3A_35 = arith.constant 0 : index
    %get3A_36 = arith.constant 0 : index
    %get3A_37 = vector.load %arg5[%get3A_35, %get3A_36] : memref<1x256xf32, #tpu.memory_space<vmem>>, vector<1x256xf32>
    %add3A_38 = vector.broadcast %get3A_37 : vector<1x256xf32> to vector<1280x256xf32>
    %add3A_39 = arith.addf %mul3A_34, %add3A_38 : vector<1280x256xf32>
    %get3A_40 = arith.constant 0 : index
    %get3A_41 = arith.constant 0 : index
    %get3A_42 = vector.load %arg4[%get3A_40, %get3A_41] : memref<256x512xf32, #tpu.memory_space<vmem>>, vector<256x512xf32>
    %dot_general3A = arith.constant dense<0.000000e+00> : vector<1280x512xf32>
    %dot_general3A_43 = tpu.matmul %add3A_39, %get3A_42, %dot_general3A {dimension_numbers = #tpu.dot_dimension_numbers<[1], [0], [0], [1], [0, 0, 1, 1], [], []>, transpose_lhs_hint = false} : vector<1280x256xf32>, vector<256x512xf32>, vector<1280x512xf32> -> vector<1280x512xf32>
    %get3A_44 = arith.constant 0 : index
    %get3A_45 = arith.constant 0 : index
    %get3A_46 = vector.load %arg6[%get3A_44, %get3A_45] : memref<1x512xf32, #tpu.memory_space<vmem>>, vector<1x512xf32>
    %add3A_47 = vector.broadcast %get3A_46 : vector<1x512xf32> to vector<1280x512xf32>
    %add3A_48 = arith.addf %dot_general3A_43, %add3A_47 : vector<1280x512xf32>
    %slice3A = vector.extract_strided_slice %add3A_48 {offsets = [0, 0], sizes = [1280, 128], strides = [1, 1]} : vector<1280x512xf32> to vector<1280x128xf32>
    %reduce_max3A = arith.constant dense<0xFF800000> : vector<1280xf32>
    %reduce_max3A_49 = vector.multi_reduction <maximumf>, %slice3A, %reduce_max3A [1] : vector<1280x128xf32> to vector<1280xf32>
    %broadcast_in_dim3A_50 = vector.shape_cast %reduce_max3A_49 : vector<1280xf32> to vector<1280x1xf32>
    %sub3A = vector.broadcast %broadcast_in_dim3A_50 : vector<1280x1xf32> to vector<1280x128xf32>
    %sub3A_51 = arith.subf %slice3A, %sub3A : vector<1280x128xf32>
    %exp3A = math.exp %sub3A_51 : vector<1280x128xf32>
    %reduce_sum3A = arith.constant dense<0.000000e+00> : vector<1280xf32>
    %reduce_sum3A_52 = vector.multi_reduction <add>, %exp3A, %reduce_sum3A [1] : vector<1280x128xf32> to vector<1280xf32>
    %broadcast_in_dim3A_53 = vector.shape_cast %reduce_sum3A_52 : vector<1280xf32> to vector<1280x1xf32>
    %div3A = vector.broadcast %broadcast_in_dim3A_53 : vector<1280x1xf32> to vector<1280x128xf32>
    %div3A_54 = arith.divf %exp3A, %div3A : vector<1280x128xf32>
    %swap3A = arith.constant 0 : index
    %swap3A_55 = arith.constant 0 : index
    %swap3A_56 = vector.load %arg7[%swap3A, %swap3A_55] : memref<1280x512xf32, #tpu.memory_space<vmem>>, vector<1280x128xf32>
    tpu.vector_store %arg7[%swap3A, %swap3A_55], %div3A_54 {strides = array<i32>} : memref<1280x512xf32, #tpu.memory_space<vmem>>, vector<1280x128xf32>,
    %slice3A_57 = vector.extract_strided_slice %add3A_48 {offsets = [0, 128], sizes = [1280, 128], strides = [1, 1]} : vector<1280x512xf32> to vector<1280x128xf32>
    %reduce_max3A_58 = arith.constant dense<0xFF800000> : vector<1280xf32>
    %reduce_max3A_59 = vector.multi_reduction <maximumf>, %slice3A_57, %reduce_max3A_58 [1] : vector<1280x128xf32> to vector<1280xf32>
    %broadcast_in_dim3A_60 = vector.shape_cast %reduce_max3A_59 : vector<1280xf32> to vector<1280x1xf32>
    %sub3A_61 = vector.broadcast %broadcast_in_dim3A_60 : vector<1280x1xf32> to vector<1280x128xf32>
    %sub3A_62 = arith.subf %slice3A_57, %sub3A_61 : vector<1280x128xf32>
    %exp3A_63 = math.exp %sub3A_62 : vector<1280x128xf32>
    %reduce_sum3A_64 = arith.constant dense<0.000000e+00> : vector<1280xf32>
    %reduce_sum3A_65 = vector.multi_reduction <add>, %exp3A_63, %reduce_sum3A_64 [1] : vector<1280x128xf32> to vector<1280xf32>
    %broadcast_in_dim3A_66 = vector.shape_cast %reduce_sum3A_65 : vector<1280xf32> to vector<1280x1xf32>
    %div3A_67 = vector.broadcast %broadcast_in_dim3A_66 : vector<1280x1xf32> to vector<1280x128xf32>
    %div3A_68 = arith.divf %exp3A_63, %div3A_67 : vector<1280x128xf32>
    %swap3A_69 = arith.constant 0 : index
    %swap3A_70 = arith.constant 128 : index
    %swap3A_71 = vector.load %arg7[%swap3A_69, %swap3A_70] : memref<1280x512xf32, #tpu.memory_space<vmem>>, vector<1280x128xf32>
    tpu.vector_store %arg7[%swap3A_69, %swap3A_70], %div3A_68 {strides = array<i32>} : memref<1280x512xf32, #tpu.memory_space<vmem>>, vector<1280x128xf32>,
    %slice3A_72 = vector.extract_strided_slice %add3A_48 {offsets = [0, 256], sizes = [1280, 128], strides = [1, 1]} : vector<1280x512xf32> to vector<1280x128xf32>
    %reduce_max3A_73 = arith.constant dense<0xFF800000> : vector<1280xf32>
    %reduce_max3A_74 = vector.multi_reduction <maximumf>, %slice3A_72, %reduce_max3A_73 [1] : vector<1280x128xf32> to vector<1280xf32>
    %broadcast_in_dim3A_75 = vector.shape_cast %reduce_max3A_74 : vector<1280xf32> to vector<1280x1xf32>
    %sub3A_76 = vector.broadcast %broadcast_in_dim3A_75 : vector<1280x1xf32> to vector<1280x128xf32>
    %sub3A_77 = arith.subf %slice3A_72, %sub3A_76 : vector<1280x128xf32>
    %exp3A_78 = math.exp %sub3A_77 : vector<1280x128xf32>
    %reduce_sum3A_79 = arith.constant dense<0.000000e+00> : vector<1280xf32>
    %reduce_sum3A_80 = vector.multi_reduction <add>, %exp3A_78, %reduce_sum3A_79 [1] : vector<1280x128xf32> to vector<1280xf32>
    %broadcast_in_dim3A_81 = vector.shape_cast %reduce_sum3A_80 : vector<1280xf32> to vector<1280x1xf32>
    %div3A_82 = vector.broadcast %broadcast_in_dim3A_81 : vector<1280x1xf32> to vector<1280x128xf32>
    %div3A_83 = arith.divf %exp3A_78, %div3A_82 : vector<1280x128xf32>
    %swap3A_84 = arith.constant 0 : index
    %swap3A_85 = arith.constant 256 : index
    %swap3A_86 = vector.load %arg7[%swap3A_84, %swap3A_85] : memref<1280x512xf32, #tpu.memory_space<vmem>>, vector<1280x128xf32>
    tpu.vector_store %arg7[%swap3A_84, %swap3A_85], %div3A_83 {strides = array<i32>} : memref<1280x512xf32, #tpu.memory_space<vmem>>, vector<1280x128xf32>,
    %slice3A_87 = vector.extract_strided_slice %add3A_48 {offsets = [0, 384], sizes = [1280, 128], strides = [1, 1]} : vector<1280x512xf32> to vector<1280x128xf32>
    %reduce_max3A_88 = arith.constant dense<0xFF800000> : vector<1280xf32>
    %reduce_max3A_89 = vector.multi_reduction <maximumf>, %slice3A_87, %reduce_max3A_88 [1] : vector<1280x128xf32> to vector<1280xf32>
    %broadcast_in_dim3A_90 = vector.shape_cast %reduce_max3A_89 : vector<1280xf32> to vector<1280x1xf32>
    %sub3A_91 = vector.broadcast %broadcast_in_dim3A_90 : vector<1280x1xf32> to vector<1280x128xf32>
    %sub3A_92 = arith.subf %slice3A_87, %sub3A_91 : vector<1280x128xf32>
    %exp3A_93 = math.exp %sub3A_92 : vector<1280x128xf32>
    %reduce_sum3A_94 = arith.constant dense<0.000000e+00> : vector<1280xf32>
    %reduce_sum3A_95 = vector.multi_reduction <add>, %exp3A_93, %reduce_sum3A_94 [1] : vector<1280x128xf32> to vector<1280xf32>
    %broadcast_in_dim3A_96 = vector.shape_cast %reduce_sum3A_95 : vector<1280xf32> to vector<1280x1xf32>
    %div3A_97 = vector.broadcast %broadcast_in_dim3A_96 : vector<1280x1xf32> to vector<1280x128xf32>
    %div3A_98 = arith.divf %exp3A_93, %div3A_97 : vector<1280x128xf32>
    %swap3A_99 = arith.constant 0 : index
    %swap3A_100 = arith.constant 384 : index
    %swap3A_101 = vector.load %arg7[%swap3A_99, %swap3A_100] : memref<1280x512xf32, #tpu.memory_space<vmem>>, vector<1280x128xf32>
    tpu.vector_store %arg7[%swap3A_99, %swap3A_100], %div3A_98 {strides = array<i32>} : memref<1280x512xf32, #tpu.memory_space<vmem>>, vector<1280x128xf32>,
    return
  }
  func.func @transform_0(%arg0: i32) -> (i32, i32, i32) {
    %c0_i32 = arith.constant 0 : i32
    %c0_i32_0 = arith.constant 0 : i32
    %c0_i32_1 = arith.constant 0 : i32
    return %c0_i32, %arg0, %c0_i32_0 : i32, i32, i32
  }
  func.func @transform_1(%arg0: i32) -> (i32, i32, i32) {
    %c0_i32 = arith.constant 0 : i32
    %c0_i32_0 = arith.constant 0 : i32
    %c0_i32_1 = arith.constant 0 : i32
    return %c0_i32, %arg0, %c0_i32_0 : i32, i32, i32
  }
  func.func @transform_2(%arg0: i32) -> (i32, i32, i32) {
    %c0_i32 = arith.constant 0 : i32
    %c0_i32_0 = arith.constant 0 : i32
    %c0_i32_1 = arith.constant 0 : i32
    return %c0_i32, %arg0, %c0_i32_0 : i32, i32, i32
  }
  func.func @transform_3(%arg0: i32) -> (i32, i32) {
    %c0_i32 = arith.constant 0 : i32
    %c0_i32_0 = arith.constant 0 : i32
    %c0_i32_1 = arith.constant 0 : i32
    return %c0_i32, %c0_i32_0 : i32, i32
  }
  func.func @transform_4(%arg0: i32) -> (i32, i32) {
    %c0_i32 = arith.constant 0 : i32
    %c0_i32_0 = arith.constant 0 : i32
    %c0_i32_1 = arith.constant 0 : i32
    return %c0_i32, %c0_i32_0 : i32, i32
  }
  func.func @transform_5(%arg0: i32) -> (i32, i32) {
    %c0_i32 = arith.constant 0 : i32
    %c0_i32_0 = arith.constant 0 : i32
    %c0_i32_1 = arith.constant 0 : i32
    return %c0_i32, %c0_i32_0 : i32, i32
  }
  func.func @transform_6(%arg0: i32) -> (i32, i32) {
    %c0_i32 = arith.constant 0 : i32
    %c0_i32_0 = arith.constant 0 : i32
    return %arg0, %c0_i32 : i32, i32
  }
}

</mosaic_0001>

<sc_bundles>
// kernel: kernel.12.cloned.1.call-start
scs
__scs_entry_jumppad:
0x0: {  	(pc) =	sbr.rel $0x88, $3  }
0x1: {  	(tag) =	ssettag $0x0;
	lr =	simm.s32 $0x1  }
0x2: {  	[smem:$0x3F8D] =	sst lr;
	_ =	strace $0xD0000000  }
0x3: {  	_ = 	snop  }
0x4: {  	_ = 	snop  }
0x5: {  	_ = 	snop  }
0x6: {  	_ = 	snop  }
0x7: {  	_ = 	snop  }
__scs_overlays_trampoline_lowered:
0x8: {  	[smem:$0x3F9C] =	sst s0  }
0x9: {  	[smem:$0x3F9D] =	sst s1  }
0xa: {  	[smem:$0x3F9E] =	sst s2  }
0xb: {  	[smem:$0x3F9F] =	sst s3  }
0xc: {  	[smem:$0x3FA0] =	sst s4  }
0xd: {  	[smem:$0x3FA1] =	sst s5  }
0xe: {  	[smem:$0x3FA2] =	sst s6  }
0xf: {  	[smem:$0x3FA3] =	sst s7  }
0x10: {  	[smem:$0x3FA4] =	sst s8  }
0x11: {  	[smem:$0x3FA5] =	sst s9;
	s0 =	simm.s32 @!p0 $0x0  }
0x12: {  	s1 =	sld [smem:$0x3F8B];
	s0 =	simm.s32 @p0 $0x1  }
0x13: {  	[smem:$0x3FA6] =	sst s0;
	s0 =	simm.s32 @!p1 $0x0  }
0x14: {  	s2 =	sld [smem:$0x3F8A];
	s0 =	simm.s32 @p1 $0x1  }
0x15: {  	[smem:$0x3FA7] =	sst s0;
	s0 =	simm.s32 @!p2 $0x0  }
0x16: {  	s3 =	sld [smem:$0x3FDB];
	s0 =	simm.s32 @p2 $0x1  }
0x17: {  	s4 =	simm.s32 $0x1BF5;
	[smem:$0x3FA9] =	sst s0  }
0x18: {  	s0 =	sld [smem:$0x3F8C];
	_ =	swait.ge [sflag:s4], $0x0  }
0x19: {  	s7 =	sld [smem:$0x3F8D]  }
0x1a: {  	s8 =	sadd.s32 $0xFFFFE003, lr  }
0x1b: {  	s9 =	sadd.s32 $0xFFFFFEF7, lr;
	s5 =	simm.s32 $0xFFFFFFFF;
	p2 =	slt.u32 s8, $0xFFFFF086  }
0x1c: {  	p1 =	slt.u32 s9, $0xF7A;
	s5 =	simm.s32 @!p2 $0x0  }
0x1d: {  	s5 =	simm.s32 @p1 $0x1;
	p0 =	seq.s32 s7, s2  }
0x1e: {  	s7 =	smul.u32 @!p0 $0xF7A, s2;
	p2 =	seq.s32 @!p0 s5, $0x0  }
0x1f: {  	s9 =	smul.u32 $0xF7A, s1;
	s8 =	simm.s32 @!p0 $0x1BF5;
	p2 =	por !p2, p0  }
0x20: {  	[sflag:s8] =	ssyncset.s32 @!p0 $0xFFFFF086;
	s6 =	sadd.s32 @!p0 s3, s7;
	s7 =	simm.s32 @!p0 $0x108  }
0x21: {  	s3 =	sadd.s32 s3, s9;
	s6 =	sadd.s32 @!p0 $0x88, s6;
	s7 =	simm.s32 @p2 $0x1082  }
0x22: {  	[simem:s7], [sflag:s8] =	dma.local @!p0 [hbm:s6], $0xF7A  }
0x23: {  	s9 =	sor.u32 $0xD0000000, s2;
	s6 =	simm.s32 $0x108;
	_ =	swait.ge @!p0 [sflag:s8], $0x0  }
0x24: {  	s3 =	sadd.s32 $0x88, s3;
	s6 =	simm.s32 @!p1 $0x1082;
	[sflag:s4] =	ssyncset.s32 $0xFFFFF086  }
0x25: {  	[simem:s6], [sflag:s4] =	dma.local [hbm:s3], $0xF7A  }
0x26: {  	[smem:$0x3F8D] =	sst s1;
	(tag) =	ssettag s2;
	_ =	strace s9  }
0x27: {  	s1 =	sld [smem:$0x3F9D]  }
0x28: {  	s2 =	sld [smem:$0x3F9E]  }
0x29: {  	s4 =	sld [smem:$0x3FA0]  }
0x2a: {  	p0 =	seq.s32 s5, $0x0;
	s5 =	sld [smem:$0x3FA1]  }
0x2b: {  	s6 =	sld [smem:$0x3FA2]  }
0x2c: {  	s7 =	sld [smem:$0x3FA3]  }
0x2d: {  	s3 =	simm.s32 $0x108;
	s8 =	sld [smem:$0x3FA4]  }
0x2e: {  	s3 =	simm.s32 @!p0 $0x1082;
	s9 =	sld [smem:$0x3FA5]  }
0x2f: {  	lr =	sadd.s32 s0, s3;
	s0 =	sld [smem:$0x3F9C]  }
0x30: {  	s3 =	sld [smem:$0x3F9F]  }
0x31: {  	[smem:$0x3FA8] =	sst s10  }
0x32: {  	s10 =	sld [smem:$0x3FA6];
	_ =	sdelay $0x3  }
0x33: {  	p0 =	seq.s32 s10, $0x1;
	s10 =	sld [smem:$0x3FA8];
	_ =	sdelay $0x3  }
0x34: {  	[smem:$0x3FA8] =	sst s10  }
0x35: {  	s10 =	sld [smem:$0x3FA7];
	_ =	sdelay $0x3  }
0x36: {  	p1 =	seq.s32 s10, $0x1;
	s10 =	sld [smem:$0x3FA8];
	_ =	sdelay $0x3  }
0x37: {  	[smem:$0x3FA8] =	sst s10  }
0x38: {  	s10 =	sld [smem:$0x3FA9]  }
0x39: {  	_ = 	snop;
	(pc) =	sbr.ind lr, $3  }
0x3a: {  	_ = 	snop  }
0x3b: {  	_ = 	snop  }
0x3c: {  	p2 =	seq.s32 s10, $0x1;
	s10 =	sld [smem:$0x3FA8]  }
0x3d: {  	_ =	shalt  }
0x3e: {  	_ =	shalt  }
0x3f: {  	_ =	shalt  }
0x40: {  	_ =	shalt  }
0x41: {  	_ =	shalt  }
0x42: {  	_ =	shalt  }
0x43: {  	_ =	shalt  }
0x44: {  	_ =	shalt  }
0x45: {  	_ =	shalt  }
0x46: {  	_ =	shalt  }
0x47: {  	_ =	shalt  }
0x48: {  	_ =	shalt  }
0x49: {  	_ =	shalt  }
0x4a: {  	_ =	shalt  }
0x4b: {  	_ =	shalt  }
0x4c: {  	_ =	shalt  }
0x4d: {  	_ =	shalt  }
0x4e: {  	_ =	shalt  }
0x4f: {  	_ =	shalt  }
0x50: {  	_ =	shalt  }
0x51: {  	_ =	shalt  }
0x52: {  	_ =	shalt  }
0x53: {  	_ =	shalt  }
0x54: {  	_ =	shalt  }
0x55: {  	_ =	shalt  }
0x56: {  	_ =	shalt  }
0x57: {  	_ =	shalt  }
0x58: {  	_ =	shalt  }
0x59: {  	_ =	shalt  }
0x5a: {  	_ =	shalt  }
0x5b: {  	_ =	shalt  }
0x5c: {  	_ =	shalt  }
0x5d: {  	_ =	shalt  }
0x5e: {  	_ =	shalt  }
0x5f: {  	_ =	shalt  }
0x60: {  	_ =	shalt  }
0x61: {  	_ =	shalt  }
0x62: {  	_ =	shalt  }
0x63: {  	_ =	shalt  }
0x64: {  	_ =	shalt  }
0x65: {  	_ =	shalt  }
0x66: {  	_ =	shalt  }
0x67: {  	_ =	shalt  }
0x68: {  	_ =	shalt  }
0x69: {  	_ =	shalt  }
0x6a: {  	_ =	shalt  }
0x6b: {  	_ =	shalt  }
0x6c: {  	_ =	shalt  }
0x6d: {  	_ =	shalt  }
0x6e: {  	_ =	shalt  }
0x6f: {  	_ =	shalt  }
0x70: {  	_ =	shalt  }
0x71: {  	_ =	shalt  }
0x72: {  	_ =	shalt  }
0x73: {  	_ =	shalt  }
0x74: {  	_ =	shalt  }
0x75: {  	_ =	shalt  }
0x76: {  	_ =	shalt  }
0x77: {  	_ =	shalt  }
0x78: {  	_ =	shalt  }
0x79: {  	_ =	shalt  }
0x7a: {  	_ =	shalt  }
0x7b: {  	_ =	shalt  }
0x7c: {  	_ =	shalt  }
0x7d: {  	_ =	shalt  }
0x7e: {  	_ =	shalt  }
0x7f: {  	_ =	shalt  }
0x80: {  	_ =	shalt  }
0x81: {  	_ =	shalt  }
0x82: {  	_ =	shalt  }
0x83: {  	_ =	shalt  }
0x84: {  	_ =	shalt  }
0x85: {  	_ =	shalt  }
0x86: {  	_ =	shalt  }
0x87: {  	_ =	shalt  }
.Lfunc_end0:
.L_simem_size_0:
called_computation.1_lowered:
.L_overlay_start_0:
0x88: {  	s2 =	sld [smem:$0x3FD9]  }
0x89: {  	s3 =	sld [smem:$0x3FFE];
	_ =	sdelay $0x1  }
0x8a: {  	s1 =	srdreg.scid  }
0x8b: {  	s0 =	sand.u32 $0x1, s1  }
0x8c: {  	s14 =	sshll.u32 s0, $0xA;
	s2 =	sadd.s32 s3, s2  }
0x8d: {  	s2 =	sadd.s32 s2, s14  }
0x8e: {  	[smem:$0x3FB4] =	sst s2  }
0x8f: {  	_ = 	snop  }
0x90: {  	s2 =	sld [smem:$0x3FD0];
	_ =	sdelay $0x2  }
0x91: {  	s15 =	simm.s32 $0xA;
	s4 =	simm.s32 $0x10  }
0x92: {  	[smem:s4], [sflag:s15] =	dma.local [hbm:s2], $0x1  }
0x93: {  	_ =	swait.eq [sflag:s15], $0x1  }
0x94: {  	[sflag:s15] =	ssyncset.done $0x0  }
0x95: {  	s16 =	sld [smem:$0x11];
	[sflag:s15] =	ssyncadd.s32 $0xFFFFFFFF  }
0x96: {  	s17 =	sld [smem:$0x13];
	(tm) =	ssettm $0x1  }
0x97: {  	s18 =	sld [smem:$0x3FFB];
	_ =	sdelay $0x3  }
0x98: {  	_ =	strace s18  }
0x99: {  	s4 =	sld [smem:$0x3FFC];
	_ =	sdelay $0x3  }
0x9a: {  	_ =	strace s4  }
0x9b: {  	s4 =	sld [smem:$0x3FFD];
	_ =	sdelay $0x3  }
0x9c: {  	_ =	strace s4  }
0x9d: {  	_ =	strace $0x8FFFFFFF  }
0x9e: {  	s19 =	sld [smem:$0x3FDB];
	_ =	sdelay $0x1  }
0x9f: {  	s5 =	simm.s32 $_scs_section_size  }
0xa0: {  	s6 =	simm.s32 $_size__tile_overlayer_lowered;
	s7 =	simm.s32 $_tile_overlayer_lowered  }
0xa1: {  	s22 =	simm.s32 $0x1BFF;
	s21 =	sshll.u32 s7, $0x1;
	s4 =	sadd.s32 s5, s19  }
0xa2: {  	s8 =	simm.s32 $0x0;
	s20 =	sshll.u32 s6, $0x1;
	s6 =	sadd.s32 s21, s4  }
0xa3: {  	[timem:s8], [sflag:s22] =	dma.local [hbm:s6], s20  }
0xa4: {  	_ =	swait.ge [sflag:s22], s20  }
0xa5: {  	s5 =	ssub.s32 $0x0, s20;
	[sflag:s22] =	ssyncset.done $0x0  }
0xa6: {  	[sflag:s22] =	ssyncadd.s32 s5;
	_ =	sdelay $0x1  }
0xa7: {  	s23 =	simm.s32 $0x1B8B  }
0xa8: {  	_ =	swait.ge [sflag:s23], $0x1  }
0xa9: {  	[sflag:s23] =	ssyncset.done $0x0  }
0xaa: {  	s25 =	simm.s32 $0x1B8E;
	s24 =	sld [smem:$0x3FFE];
	[sflag:s23] =	ssyncadd.s32 $0xFFFFFFFF  }
0xab: {  	s26 =	simm.s32 $execute0_lowered;
	[smem:$0x3FD2] =	sst s25  }
0xac: {  	s6 =	sshll.u32 s26, $0x1;
	_ =	strace $0x80000049;
	[dreg:$0x1] =	wrdreg $0xFFFFFFFF  }
0xad: {  	s28 =	simm.s32 $_size_execute0_lowered;
	s4 =	sadd.s32 s4, s6;
	[dreg:$0x0] =	wrdreg $0x0  }
0xae: {  	s6 =	sshll.u32 s28, $0x1;
	[dreg:$0x2] =	wrdreg s4  }
0xaf: {  	[dreg:$0x3] =	wrdreg s6  }
0xb0: {  	[dreg:$0x4] =	wrdreg $0xC0  }
0xb1: {  	_ =	task [dreg:s8], $0x5FFFF  }
0xb2: {  	[dreg:$0x1] =	wrdreg $0xFFFFFFFF  }
0xb3: {  	[dreg:$0x0] =	wrdreg $0x60  }
0xb4: {  	[dreg:$0x2] =	wrdreg s24  }
0xb5: {  	[dreg:$0x3] =	wrdreg s17  }
0xb6: {  	[dreg:$0x4] =	wrdreg s16  }
0xb7: {  	[dreg:$0x5] =	wrdreg $0x0  }
0xb8: {  	[dreg:$0x6] =	wrdreg $0x9  }
0xb9: {  	_ =	task.clear_ibuf [dreg:s8], $0x7FFFF;
	_ =	strace $0x90000049  }
0xba: {  	s29 =	simm.s32 $0x9;
	_ =	strace $0x8000004B  }
0xbb: {  	_ =	swait.ge [sflag:s29], $0x1  }
0xbc: {  	[sflag:s29] =	ssyncadd.s32 $0xFFFFFFFF  }
0xbd: {  	_ =	strace $0x9000004B  }
0xbe: {  	_ =	sfence  }
0xbf: {  	s30 =	sld [smem:$0x0];
	_ =	sdelay $0x2  }
0xc0: {  	s31 =	sshll.u32 s1, $0xD;
	s1 =	sshrl.u32 s1, $0x2  }
0xc1: {  	s3 =	sand.u32 $0x4000, s31;
	s1 =	sadd.s32 s1, s30  }
0xc2: {  	s0 =	sor.u32 s3, s0;
	s1 =	sshll.u32 s1, $0x11  }
0xc3: {  	s0 =	sor.u32 s1, s0  }
0xc4: {  	s0 =	sadd.s32 $0x8F2B, s0  }
0xc5: {  	[sflag:s0] =	ssyncadd.remote.s32 $0x1  }
0xc6: {  	_ =	sfence.sel $0xFFFF  }
0xc7: {  	[dreg:$0x0] =	wrdreg $0xFFFFFFFF;
	(pc) =	sbr.abs _section_cstart, $3  }
0xc8: {  	[dreg:$0x1] =	wrdreg $0xFFFFFFFF  }
0xc9: {  	_ =	task.clear_ibuf [dreg:s8], $0x2FFFF;
	_ =	strace $0x9FFFFFFF  }
0xca: {  	(tm) =	ssettm $0x7FFFFFFF  }
0xcb: {  	_ =	shalt  }
tec
execute0_lowered:
.L_overlay_start_1:
0x0: {  	(tag) =	ssettag $0x1  }
0x1: {  	s0 =	rddreg [dreg:$0x0]  }
0x2: {  	s1 =	rddreg [dreg:$0x1]  }
0x3: {  	s5 =	rddreg [dreg:$0x2]  }
0x4: {  	s2 =	rddreg [dreg:$0x3];
	s13 =	stileid.u32  }
0x5: {  	s4 =	srdreg.scid;
	s6 =	smul.u32 $0x2800, s13  }
0x6: {  	s3 =	simm.s32 $0x0;
	s28 =	simm.s32 $0x5;
	s11 =	smul.u32 $0x5000, s13  }
0x7: {  	s31 =	simm.s32 $0x6;
	s30 =	simm.s32 $0x14000;
	s12 =	smul.u32 $0x50000, s13  }
0x8: {  	s7 =	sand.u32 $0x1, s4;
	[smem:$0x7FF] =	sst s3;
	s22 =	smul.u32 $0xA00, s13  }
0x9: {  	s4 =	sadd.s32 $0x78400, s0;
	s8 =	smul.u32 $0x28000, s7;
	_ =	strace $0x8000004A  }
0xa: {  	s9 =	smul.u32 $0x50000, s7;
	s7 =	ssub.s32 $0x2, s7;
	s10 =	sadd.s32 s6, s0  }
0xb: {  	s26 =	sshrl.u32 s7, $0x1;
	s17 =	sshrl.u32 s11, $0x3;
	s18 =	sshrl.u32 s12, $0x2  }
0xc: {  	s6 =	sadd.s32 s6, s8;
	s14 =	ssub.s32 s7, s26;
	s15 =	sadd.s32 s11, s9  }
0xd: {  	s19 =	sadd.s32 s5, s17;
	s20 =	sadd.s32 s18, s2;
	s21 =	sadd.s32 $0x400, s10  }
0xe: {  	s10 =	sadd.s32 s22, s5;
	s26 =	sshll.u32 s13, $0x6;
	s17 =	simm.s32 $0x15000  }
0xf: {  	s22 =	simm.s32 $0x19000;
	s13 =	simm.s32 $0x2;
	s5 =	simm.s32 $0x14E00  }
0x10: {  	s9 =	simm.s32 $0x14F00;
	s18 =	simm.s32 $0x14780;
	[dreg:$0x6] =	wrdreg s19  }
0x11: {  	s0 =	sadd.s32 s6, s0;
	s16 =	sshrl.u32 s15, $0x3;
	[dreg:$0x7] =	wrdreg s21  }
0x12: {  	s6 =	smax.u32 s14, $0x1;
	s23 =	sor.u32 $0x400, s15;
	s7 =	sor.u32 $0x800, s15  }
0x13: {  	s21 =	sor.u32 $0x1C07, s26;
	s29 =	sshrl.u32 s20, $0x3;
	s20 =	simm.s32 $0x3  }
0x14: {  	s26 =	simm.s32 $0x14C00;
	s19 =	simm.s32 $0x14F80;
	s14 =	simm.s32 $0x1  }
0x15: {  	s8 =	sadd.s32 s1, s16;
	s0 =	sadd.s32 $0xC8400, s0;
	[dreg:$0x9] =	wrdreg s6  }
0x16: {  	s24 =	sshrl.u32 s23, $0x3;
	s25 =	sshrl.u32 s7, $0x3;
	[dreg:$0xa] =	wrdreg s21  }
.Ltmp0:
0x17: {  	s16 =	simm.s32 $0x80;
	[dreg:$0xb] =	wrdreg s29;
	(pc) =	sbr.rel .LBB2_1-.Ltmp0, $4  }
0x18: {  	s23 =	simm.s32 $0x4;
	s6 =	simm.s32 $0x14680;
	[dreg:$0x5] =	wrdreg s8  }
0x19: {  	s7 =	simm.s32 $0x14E80;
	[dreg:$0x8] =	wrdreg s0;
	s11 =	sadd.s32 s24, s1  }
0x1a: {  	s12 =	sadd.s32 s25, s1;
	s24 =	simm.s32 $0x7;
	s25 =	simm.s32 $0x14400  }
0x1b: {  	s1 =	simm.s32 $0x14600;
	s8 =	simm.s32 $0x14700;
	s0 =	simm.s32 $0x0  }
.LBB2_4:
0x1c: {  	_ =	swait.ge [sflag:s31], $0x4000  }
0x1d: {  	[sflag:s31] =	ssyncset.done $0x0  }
0x1e: {  	[sflag:s31] =	ssyncadd.s32 $0xFFFFC000  }
0x1f: {  	[bflag:$0x0] =	sbarrier.arrive $0xFFFF  }
0x20: {  	s15 =	rddreg [dreg:$0x8]  }
0x21: {  	s21 =	rddreg [dreg:$0xa]  }
0x22: {  	s24 =	simm.s32 $0x7;
	s29 =	rddreg [dreg:$0xb]  }
0x23: {  	[hbm:s15], [sflag:s21] =	dma.local [spmem:s29], $0x2800  }
0x24: {  	_ =	swait.ge [sflag:s24], $0x2800  }
0x25: {  	s0 =	rddreg [dreg:$0xc]  }
0x26: {  	s15 =	rddreg [dreg:$0x9];
	s0 =	sadd.s32 $0x1, s0  }
0x27: {  	p0 =	sne.s32 s0, s15  }
.Ltmp1:
0x28: {  	_ = 	snop;
	(pc) =	sbr.rel @!p0 .LBB2_5-.Ltmp1, $3  }
0x29: {  	_ =	sdelay $0x1  }
0x2a: {  	[sflag:s24] =	ssyncset.done $0x0  }
0x2b: {  	[sflag:s24] =	ssyncadd.s32 $0xFFFFD800  }
.LBB2_1:
0x2c: {  	[dreg:$0xc] =	wrdreg s0  }
0x2d: {  	s15 =	rddreg [dreg:$0x5];
	s0 =	simm.s32 $0x14000  }
0x2e: {  	[tilespmem:s0], [sflag:$0x7] =	stream.linear.gather [hbm4b:s15+s3], $0x400, $0x38;
	[tilespmem:$0x1D000] =	vst v63  }
0x2f: {  	_ =	swait.ge [sflag:s24], $0x400  }
0x30: {  	s0 =	smov.u32 s29;
	[sflag:s24] =	ssyncset.done $0x0  }
0x31: {  	s29 =	simm.s32 $0x14800;
	s15 =	rddreg [dreg:$0x6];
	[sflag:s24] =	ssyncadd.s32 $0xFFFFFC00  }
0x32: {  	[tilespmem:s29], [sflag:$0x7] =	stream.linear.gather [hbm4b:s15+s3], $0x400, $0x38;
	[tilespmem:$0x1D000] =	vst v63  }
0x33: {  	_ =	swait.ge [sflag:s24], $0x400  }
0x34: {  	[sflag:s24] =	ssyncset.done $0x0  }
0x35: {  	s29 =	simm.s32 $0x14000;
	[sflag:s24] =	ssyncadd.s32 $0xFFFFFC00  }
0x36: {  	[tilespmem:s17], [sflag:$0x3] =	stream.indirect.gather [hbm4b:s4+s16], $0x80, s29, s16, $0xb8;
	[tilespmem:$0x1D000] =	vst v63  }
0x37: {  	s29 =	rddreg [dreg:$0x7]  }
0x38: {  	[spmem:s0], [sflag:s21] =	dma.local [hbm:s29], $0x2800  }
0x39: {  	_ =	swait.ge [sflag:s24], $0x2800  }
0x3a: {  	[sflag:s24] =	ssyncset.done $0x0  }
0x3b: {  	[sflag:s24] =	ssyncadd.s32 $0xFFFFD800  }
0x3c: {  	s0 =	simm.s32 $0x14080;
	s21 =	simm.s32 $0x0;
	[bflag:$0x0] =	sbarrier.arrive $0xFFFF  }
.LBB2_2:
0x3d: {  	_ =	swait.ge [sflag:s20], $0x4000  }
0x3e: {  	[sflag:s20] =	ssyncset.done $0x0  }
0x3f: {  	s15 =	simm.s32 $0x14800;
	p0 =	seq.s32 s21, $0x0;
	[sflag:s20] =	ssyncadd.s32 $0xFFFFC000  }
0x40: {  	[spmem:s2] =	stream.indirect.scatter.add.f32 [tilespmem:s17], [sflag:$0x5], $0x80, s15, s16, $0xb8;
	[tilespmem:$0x1D000] =	vst v63  }
0x41: {  	s15 =	simm.s32 @!p0 $0x6  }
0x42: {  	_ =	swait.ge @!p0 [sflag:s15], $0x4000  }
0x43: {  	[sflag:s15] =	ssyncset.done @!p0 $0x0  }
0x44: {  	[sflag:s15] =	ssyncadd.s32 @!p0 $0xFFFFC000  }
0x45: {  	[tilespmem:s22], [sflag:$0x4] =	stream.indirect.gather [hbm4b:s4+s16], $0x80, s0, s16, $0xb8;
	[tilespmem:$0x1D000] =	vst v63  }
0x46: {  	_ =	swait.ge [sflag:s23], $0x4000  }
0x47: {  	[sflag:s23] =	ssyncset.done $0x0  }
0x48: {  	s29 =	simm.s32 $0x14880;
	[sflag:s23] =	ssyncadd.s32 $0xFFFFC000  }
0x49: {  	[spmem:s2] =	stream.indirect.scatter.add.f32 [tilespmem:s22], [sflag:$0x6], $0x80, s29, s16, $0xb8;
	[tilespmem:$0x1D000] =	vst v63  }
0x4a: {  	s24 =	sadd.s32 s21, s11;
	s29 =	sadd.s32 s21, s10  }
0x4b: {  	[tilespmem:s25], [sflag:$0x2] =	stream.linear.gather [hbm4b:s24+s3], $0x400, $0x38;
	[tilespmem:$0x1D000] =	vst v63  }
0x4c: {  	s15 =	sadd.s32 $0x80, s29  }
0x4d: {  	[tilespmem:s26], [sflag:$0x2] =	stream.linear.gather [hbm4b:s15+s3], $0x400, $0x38;
	[tilespmem:$0x1D000] =	vst v63  }
0x4e: {  	_ =	swait.ge [sflag:s28], $0x4000  }
0x4f: {  	[sflag:s28] =	ssyncset.done $0x0  }
0x50: {  	s24 =	simm.s32 $0x14100;
	[sflag:s28] =	ssyncadd.s32 $0xFFFFC000  }
0x51: {  	[tilespmem:s17], [sflag:$0x3] =	stream.indirect.gather [hbm4b:s4+s16], $0x80, s24, s16, $0xb8;
	[tilespmem:$0x1D000] =	vst v63  }
0x52: {  	_ =	swait.ge [sflag:s20], $0x4000  }
0x53: {  	[sflag:s20] =	ssyncset.done $0x0  }
0x54: {  	s29 =	simm.s32 $0x14900;
	[sflag:s20] =	ssyncadd.s32 $0xFFFFC000  }
0x55: {  	[spmem:s2] =	stream.indirect.scatter.add.f32 [tilespmem:s17], [sflag:$0x5], $0x80, s29, s16, $0xb8;
	[tilespmem:$0x1D000] =	vst v63  }
0x56: {  	_ =	swait.ge [sflag:s31], $0x4000  }
0x57: {  	[sflag:s31] =	ssyncset.done $0x0  }
0x58: {  	s24 =	simm.s32 $0x14180;
	[sflag:s31] =	ssyncadd.s32 $0xFFFFC000  }
0x59: {  	[tilespmem:s22], [sflag:$0x4] =	stream.indirect.gather [hbm4b:s4+s16], $0x80, s24, s16, $0xb8;
	[tilespmem:$0x1D000] =	vst v63  }
0x5a: {  	_ =	swait.ge [sflag:s23], $0x4000  }
0x5b: {  	[sflag:s23] =	ssyncset.done $0x0  }
0x5c: {  	s29 =	simm.s32 $0x14980;
	[sflag:s23] =	ssyncadd.s32 $0xFFFFC000  }
0x5d: {  	[spmem:s2] =	stream.indirect.scatter.add.f32 [tilespmem:s22], [sflag:$0x6], $0x80, s29, s16, $0xb8;
	[tilespmem:$0x1D000] =	vst v63  }
0x5e: {  	_ =	swait.ge [sflag:s28], $0x4000  }
0x5f: {  	[sflag:s28] =	ssyncset.done $0x0  }
0x60: {  	s24 =	simm.s32 $0x14200;
	[sflag:s28] =	ssyncadd.s32 $0xFFFFC000  }
0x61: {  	[tilespmem:s17], [sflag:$0x3] =	stream.indirect.gather [hbm4b:s4+s16], $0x80, s24, s16, $0xb8;
	[tilespmem:$0x1D000] =	vst v63  }
0x62: {  	_ =	swait.ge [sflag:s20], $0x4000  }
0x63: {  	[sflag:s20] =	ssyncset.done $0x0  }
0x64: {  	s29 =	simm.s32 $0x14A00;
	[sflag:s20] =	ssyncadd.s32 $0xFFFFC000  }
0x65: {  	[spmem:s2] =	stream.indirect.scatter.add.f32 [tilespmem:s17], [sflag:$0x5], $0x80, s29, s16, $0xb8;
	[tilespmem:$0x1D000] =	vst v63  }
0x66: {  	_ =	swait.ge [sflag:s31], $0x4000  }
0x67: {  	[sflag:s31] =	ssyncset.done $0x0  }
0x68: {  	s24 =	simm.s32 $0x14280;
	[sflag:s31] =	ssyncadd.s32 $0xFFFFC000  }
0x69: {  	[tilespmem:s22], [sflag:$0x4] =	stream.indirect.gather [hbm4b:s4+s16], $0x80, s24, s16, $0xb8;
	[tilespmem:$0x1D000] =	vst v63  }
0x6a: {  	_ =	swait.ge [sflag:s23], $0x4000  }
0x6b: {  	[sflag:s23] =	ssyncset.done $0x0  }
0x6c: {  	s29 =	simm.s32 $0x14A80;
	[sflag:s23] =	ssyncadd.s32 $0xFFFFC000  }
0x6d: {  	[spmem:s2] =	stream.indirect.scatter.add.f32 [tilespmem:s22], [sflag:$0x6], $0x80, s29, s16, $0xb8;
	[tilespmem:$0x1D000] =	vst v63  }
0x6e: {  	_ =	swait.ge [sflag:s28], $0x4000  }
0x6f: {  	[sflag:s28] =	ssyncset.done $0x0  }
0x70: {  	s24 =	simm.s32 $0x14300;
	[sflag:s28] =	ssyncadd.s32 $0xFFFFC000  }
0x71: {  	[tilespmem:s17], [sflag:$0x3] =	stream.indirect.gather [hbm4b:s4+s16], $0x80, s24, s16, $0xb8;
	[tilespmem:$0x1D000] =	vst v63  }
0x72: {  	_ =	swait.ge [sflag:s20], $0x4000  }
0x73: {  	[sflag:s20] =	ssyncset.done $0x0  }
0x74: {  	s29 =	simm.s32 $0x14B00;
	[sflag:s20] =	ssyncadd.s32 $0xFFFFC000  }
0x75: {  	[spmem:s2] =	stream.indirect.scatter.add.f32 [tilespmem:s17], [sflag:$0x5], $0x80, s29, s16, $0xb8;
	[tilespmem:$0x1D000] =	vst v63  }
0x76: {  	_ =	swait.ge [sflag:s31], $0x4000  }
0x77: {  	[sflag:s31] =	ssyncset.done $0x0  }
0x78: {  	s24 =	simm.s32 $0x14380;
	[sflag:s31] =	ssyncadd.s32 $0xFFFFC000  }
0x79: {  	[tilespmem:s22], [sflag:$0x4] =	stream.indirect.gather [hbm4b:s4+s16], $0x80, s24, s16, $0xb8;
	[tilespmem:$0x1D000] =	vst v63  }
0x7a: {  	_ =	swait.ge [sflag:s23], $0x4000  }
0x7b: {  	[sflag:s23] =	ssyncset.done $0x0  }
0x7c: {  	s29 =	simm.s32 $0x14B80;
	[sflag:s23] =	ssyncadd.s32 $0xFFFFC000  }
0x7d: {  	[spmem:s2] =	stream.indirect.scatter.add.f32 [tilespmem:s22], [sflag:$0x6], $0x80, s29, s16, $0xb8;
	[tilespmem:$0x1D000] =	vst v63  }
0x7e: {  	_ =	swait.ge [sflag:s28], $0x4000  }
0x7f: {  	[sflag:s28] =	ssyncset.done $0x0  }
0x80: {  	[sflag:s28] =	ssyncadd.s32 $0xFFFFC000  }
0x81: {  	_ =	swait.ge [sflag:s13], $0x400  }
0x82: {  	[sflag:s13] =	ssyncset.done $0x0  }
0x83: {  	[sflag:s13] =	ssyncadd.s32 $0xFFFFFC00  }
0x84: {  	_ =	swait.ge [sflag:s13], $0x400  }
0x85: {  	[sflag:s13] =	ssyncset.done $0x0  }
0x86: {  	[sflag:s13] =	ssyncadd.s32 $0xFFFFFC00  }
0x87: {  	[tilespmem:s17], [sflag:$0x3] =	stream.indirect.gather [hbm4b:s4+s16], $0x80, s25, s16, $0xb8;
	[tilespmem:$0x1D000] =	vst v63  }
0x88: {  	_ =	swait.ge [sflag:s20], $0x4000  }
0x89: {  	[sflag:s20] =	ssyncset.done $0x0  }
0x8a: {  	[sflag:s20] =	ssyncadd.s32 $0xFFFFC000  }
0x8b: {  	[spmem:s2] =	stream.indirect.scatter.add.f32 [tilespmem:s17], [sflag:$0x5], $0x80, s26, s16, $0xb8;
	[tilespmem:$0x1D000] =	vst v63  }
0x8c: {  	_ =	swait.ge [sflag:s31], $0x4000  }
0x8d: {  	[sflag:s31] =	ssyncset.done $0x0  }
0x8e: {  	s24 =	simm.s32 $0x14480;
	[sflag:s31] =	ssyncadd.s32 $0xFFFFC000  }
0x8f: {  	[tilespmem:s22], [sflag:$0x4] =	stream.indirect.gather [hbm4b:s4+s16], $0x80, s24, s16, $0xb8;
	[tilespmem:$0x1D000] =	vst v63  }
0x90: {  	_ =	swait.ge [sflag:s23], $0x4000  }
0x91: {  	[sflag:s23] =	ssyncset.done $0x0  }
0x92: {  	p0 =	seq.s32 s21, $0x900;
	s29 =	simm.s32 $0x14C80;
	[sflag:s23] =	ssyncadd.s32 $0xFFFFC000  }
0x93: {  	[spmem:s2] =	stream.indirect.scatter.add.f32 [tilespmem:s22], [sflag:$0x6], $0x80, s29, s16, $0xb8;
	[tilespmem:$0x1D000] =	vst v63  }
0x94: {  	s15 =	sadd.s32 @!p0 s21, s12;
	s24 =	simm.s32 @!p0 $0x0;
	s29 =	simm.s32 @!p0 $0x14000  }
0x95: {  	[tilespmem:s29], [sflag:$0x1] =	stream.linear.gather @!p0 [hbm4b:s15+s24], $0x400, $0x38;
	[tilespmem:$0x1D000] =	vst v63  }
0x96: {  	s15 =	sadd.s32 @!p0 s21, s10  }
0x97: {  	s29 =	simm.s32 @!p0 $0x14800;
	s15 =	sadd.s32 @!p0 $0x100, s15  }
0x98: {  	[tilespmem:s29], [sflag:$0x1] =	stream.linear.gather @!p0 [hbm4b:s15+s24], $0x400, $0x38;
	[tilespmem:$0x1D000] =	vst v63  }
0x99: {  	_ =	swait.ge [sflag:s28], $0x4000  }
0x9a: {  	[sflag:s28] =	ssyncset.done $0x0  }
0x9b: {  	s24 =	simm.s32 $0x14500;
	[sflag:s28] =	ssyncadd.s32 $0xFFFFC000  }
0x9c: {  	[tilespmem:s17], [sflag:$0x3] =	stream.indirect.gather [hbm4b:s4+s16], $0x80, s24, s16, $0xb8;
	[tilespmem:$0x1D000] =	vst v63  }
0x9d: {  	_ =	swait.ge [sflag:s20], $0x4000  }
0x9e: {  	[sflag:s20] =	ssyncset.done $0x0  }
0x9f: {  	s29 =	simm.s32 $0x14D00;
	[sflag:s20] =	ssyncadd.s32 $0xFFFFC000  }
0xa0: {  	[spmem:s2] =	stream.indirect.scatter.add.f32 [tilespmem:s17], [sflag:$0x5], $0x80, s29, s16, $0xb8;
	[tilespmem:$0x1D000] =	vst v63  }
0xa1: {  	_ =	swait.ge [sflag:s31], $0x4000  }
0xa2: {  	[sflag:s31] =	ssyncset.done $0x0  }
0xa3: {  	s24 =	simm.s32 $0x14580;
	[sflag:s31] =	ssyncadd.s32 $0xFFFFC000  }
0xa4: {  	[tilespmem:s22], [sflag:$0x4] =	stream.indirect.gather [hbm4b:s4+s16], $0x80, s24, s16, $0xb8;
	[tilespmem:$0x1D000] =	vst v63  }
0xa5: {  	_ =	swait.ge [sflag:s23], $0x4000  }
0xa6: {  	[sflag:s23] =	ssyncset.done $0x0  }
0xa7: {  	s29 =	simm.s32 $0x14D80;
	[sflag:s23] =	ssyncadd.s32 $0xFFFFC000  }
0xa8: {  	[spmem:s2] =	stream.indirect.scatter.add.f32 [tilespmem:s22], [sflag:$0x6], $0x80, s29, s16, $0xb8;
	[tilespmem:$0x1D000] =	vst v63  }
0xa9: {  	_ =	swait.ge [sflag:s28], $0x4000  }
0xaa: {  	[sflag:s28] =	ssyncset.done $0x0  }
0xab: {  	[sflag:s28] =	ssyncadd.s32 $0xFFFFC000  }
0xac: {  	[tilespmem:s17], [sflag:$0x3] =	stream.indirect.gather [hbm4b:s4+s16], $0x80, s1, s16, $0xb8;
	[tilespmem:$0x1D000] =	vst v63  }
0xad: {  	_ =	swait.ge [sflag:s20], $0x4000  }
0xae: {  	[sflag:s20] =	ssyncset.done $0x0  }
0xaf: {  	[sflag:s20] =	ssyncadd.s32 $0xFFFFC000  }
0xb0: {  	[spmem:s2] =	stream.indirect.scatter.add.f32 [tilespmem:s17], [sflag:$0x5], $0x80, s5, s16, $0xb8;
	[tilespmem:$0x1D000] =	vst v63  }
0xb1: {  	_ =	swait.ge [sflag:s31], $0x4000  }
0xb2: {  	[sflag:s31] =	ssyncset.done $0x0  }
0xb3: {  	[sflag:s31] =	ssyncadd.s32 $0xFFFFC000  }
0xb4: {  	[tilespmem:s22], [sflag:$0x4] =	stream.indirect.gather [hbm4b:s4+s16], $0x80, s6, s16, $0xb8;
	[tilespmem:$0x1D000] =	vst v63  }
0xb5: {  	_ =	swait.ge [sflag:s23], $0x4000  }
0xb6: {  	[sflag:s23] =	ssyncset.done $0x0  }
0xb7: {  	[sflag:s23] =	ssyncadd.s32 $0xFFFFC000  }
0xb8: {  	[spmem:s2] =	stream.indirect.scatter.add.f32 [tilespmem:s22], [sflag:$0x6], $0x80, s7, s16, $0xb8;
	[tilespmem:$0x1D000] =	vst v63  }
0xb9: {  	_ =	swait.ge [sflag:s28], $0x4000  }
0xba: {  	[sflag:s28] =	ssyncset.done $0x0  }
0xbb: {  	[sflag:s28] =	ssyncadd.s32 $0xFFFFC000  }
0xbc: {  	[tilespmem:s17], [sflag:$0x3] =	stream.indirect.gather [hbm4b:s4+s16], $0x80, s8, s16, $0xb8;
	[tilespmem:$0x1D000] =	vst v63  }
0xbd: {  	_ =	swait.ge [sflag:s20], $0x4000  }
0xbe: {  	[sflag:s20] =	ssyncset.done $0x0  }
0xbf: {  	[sflag:s20] =	ssyncadd.s32 $0xFFFFC000  }
0xc0: {  	[spmem:s2] =	stream.indirect.scatter.add.f32 [tilespmem:s17], [sflag:$0x5], $0x80, s9, s16, $0xb8;
	[tilespmem:$0x1D000] =	vst v63  }
0xc1: {  	_ =	swait.ge [sflag:s31], $0x4000  }
0xc2: {  	[sflag:s31] =	ssyncset.done $0x0  }
0xc3: {  	[sflag:s31] =	ssyncadd.s32 $0xFFFFC000  }
0xc4: {  	[tilespmem:s22], [sflag:$0x4] =	stream.indirect.gather [hbm4b:s4+s16], $0x80, s18, s16, $0xb8;
	[tilespmem:$0x1D000] =	vst v63  }
0xc5: {  	_ =	swait.ge [sflag:s23], $0x4000  }
0xc6: {  	[sflag:s23] =	ssyncset.done $0x0  }
.Ltmp2:
0xc7: {  	[sflag:s23] =	ssyncadd.s32 $0xFFFFC000;
	(pc) =	sbr.rel @p0 .LBB2_4-.Ltmp2, $4  }
0xc8: {  	[spmem:s2] =	stream.indirect.scatter.add.f32 [tilespmem:s22], [sflag:$0x6], $0x80, s19, s16, $0xb8;
	[tilespmem:$0x1D000] =	vst v63  }
0xc9: {  	_ =	swait.ge [sflag:s28], $0x4000  }
0xca: {  	[sflag:s28] =	ssyncset.done $0x0  }
0xcb: {  	[sflag:s28] =	ssyncadd.s32 $0xFFFFC000  }
0xcc: {  	_ =	swait.ge [sflag:s14], $0x400  }
0xcd: {  	[sflag:s14] =	ssyncset.done $0x0  }
.Ltmp3:
0xce: {  	[sflag:s14] =	ssyncadd.s32 $0xFFFFFC00;
	(pc) =	sbr.rel .LBB2_2-.Ltmp3, $4  }
0xcf: {  	_ =	swait.ge [sflag:s14], $0x400  }
0xd0: {  	[sflag:s14] =	ssyncset.done $0x0  }
0xd1: {  	s21 =	sadd.s32 $0x100, s21;
	[sflag:s14] =	ssyncadd.s32 $0xFFFFFC00  }
0xd2: {  	[tilespmem:s17], [sflag:$0x3] =	stream.indirect.gather [hbm4b:s4+s16], $0x80, s30, s16, $0xb8;
	[tilespmem:$0x1D000] =	vst v63  }
.LBB2_5:
0xd3: {  	_ =	sfence.sel $0x180000  }
0xd4: {  	[bflag:$0x0] =	sbarrier.arrive $0xFFFF  }
0xd5: {  	_ =	strace $0x9000004A  }
0xd6: {  	s0 =	stileid.u32;
	[bflag:$0x2] =	sbarrier.arrive $0xFFFF  }
0xd7: {  	p0 =	sne.s32 s0, $0x0;
	s0 =	rddreg [dreg:$0x4]  }
0xd8: {  	s0 =	sadd.s32 @!p0 $0x100000, s0  }
0xd9: {  	[sflag:s0] =	ssyncadd.tile.s32 @!p0 $0x1;
	_ =	shalt  }
.Lfunc_end2:
_tile_overlayer_lowered:
.L_overlay_start_2:
0xda: {  	(tag) =	ssettag $0x2  }
0xdb: {  	s0 =	rddreg [dreg:$0x0];
	s2 =	stileid.u32  }
0xdc: {  	s1 =	rddreg [dreg:$0x1];
	p0 =	sne.s32 s2, $0x0  }
0xdd: {  	s3 =	rddreg [dreg:$0x2];
	[bflag:$0x3] =	sbarrier.arrive $0xFFFF;
	s2 =	simm.s32 @!p0 $0x1C07  }
0xde: {  	[timem:s3], [sflag:s2] =	dma.local @!p0 [hbm:s0], s1  }
0xdf: {  	s0 =	simm.s32 @!p0 $0x7  }
0xe0: {  	_ =	swait.ge @!p0 [sflag:s0], s1  }
0xe1: {  	s1 =	ssub.s32 @!p0 $0x0, s1;
	[sflag:s0] =	ssyncset.done @!p0 $0x0  }
0xe2: {  	[sflag:s0] =	ssyncadd.s32 @!p0 s1  }
0xe3: {  	[bflag:$0x3] =	sbarrier.arrive $0xFFFF  }
0xe4: {  	_ =	shalt  }

// kernel: kernel.15.cloned.1.call-start
scs
__scs_entry_jumppad:
0x0: {  	(pc) =	sbr.rel $0x88, $3  }
0x1: {  	(tag) =	ssettag $0x0;
	lr =	simm.s32 $0x1  }
0x2: {  	[smem:$0x3F8D] =	sst lr;
	_ =	strace $0xD0000000  }
0x3: {  	_ = 	snop  }
0x4: {  	_ = 	snop  }
0x5: {  	_ = 	snop  }
0x6: {  	_ = 	snop  }
0x7: {  	_ = 	snop  }
__scs_overlays_trampoline_lowered:
0x8: {  	[smem:$0x3F9C] =	sst s0  }
0x9: {  	[smem:$0x3F9D] =	sst s1  }
0xa: {  	[smem:$0x3F9E] =	sst s2  }
0xb: {  	[smem:$0x3F9F] =	sst s3  }
0xc: {  	[smem:$0x3FA0] =	sst s4  }
0xd: {  	[smem:$0x3FA1] =	sst s5  }
0xe: {  	[smem:$0x3FA2] =	sst s6  }
0xf: {  	[smem:$0x3FA3] =	sst s7  }
0x10: {  	[smem:$0x3FA4] =	sst s8  }
0x11: {  	[smem:$0x3FA5] =	sst s9;
	s0 =	simm.s32 @!p0 $0x0  }
0x12: {  	s1 =	sld [smem:$0x3F8B];
	s0 =	simm.s32 @p0 $0x1  }
0x13: {  	[smem:$0x3FA6] =	sst s0;
	s0 =	simm.s32 @!p1 $0x0  }
0x14: {  	s2 =	sld [smem:$0x3F8A];
	s0 =	simm.s32 @p1 $0x1  }
0x15: {  	[smem:$0x3FA7] =	sst s0;
	s0 =	simm.s32 @!p2 $0x0  }
0x16: {  	s3 =	sld [smem:$0x3FDB];
	s0 =	simm.s32 @p2 $0x1  }
0x17: {  	s4 =	simm.s32 $0x1BF5;
	[smem:$0x3FA9] =	sst s0  }
0x18: {  	s0 =	sld [smem:$0x3F8C];
	_ =	swait.ge [sflag:s4], $0x0  }
0x19: {  	s7 =	sld [smem:$0x3F8D]  }
0x1a: {  	s8 =	sadd.s32 $0xFFFFE003, lr  }
0x1b: {  	s9 =	sadd.s32 $0xFFFFFEF7, lr;
	s5 =	simm.s32 $0xFFFFFFFF;
	p2 =	slt.u32 s8, $0xFFFFF086  }
0x1c: {  	p1 =	slt.u32 s9, $0xF7A;
	s5 =	simm.s32 @!p2 $0x0  }
0x1d: {  	s5 =	simm.s32 @p1 $0x1;
	p0 =	seq.s32 s7, s2  }
0x1e: {  	s7 =	smul.u32 @!p0 $0xF7A, s2;
	p2 =	seq.s32 @!p0 s5, $0x0  }
0x1f: {  	s9 =	smul.u32 $0xF7A, s1;
	s8 =	simm.s32 @!p0 $0x1BF5;
	p2 =	por !p2, p0  }
0x20: {  	[sflag:s8] =	ssyncset.s32 @!p0 $0xFFFFF086;
	s6 =	sadd.s32 @!p0 s3, s7;
	s7 =	simm.s32 @!p0 $0x108  }
0x21: {  	s3 =	sadd.s32 s3, s9;
	s6 =	sadd.s32 @!p0 $0x88, s6;
	s7 =	simm.s32 @p2 $0x1082  }
0x22: {  	[simem:s7], [sflag:s8] =	dma.local @!p0 [hbm:s6], $0xF7A  }
0x23: {  	s9 =	sor.u32 $0xD0000000, s2;
	s6 =	simm.s32 $0x108;
	_ =	swait.ge @!p0 [sflag:s8], $0x0  }
0x24: {  	s3 =	sadd.s32 $0x88, s3;
	s6 =	simm.s32 @!p1 $0x1082;
	[sflag:s4] =	ssyncset.s32 $0xFFFFF086  }
0x25: {  	[simem:s6], [sflag:s4] =	dma.local [hbm:s3], $0xF7A  }
0x26: {  	[smem:$0x3F8D] =	sst s1;
	(tag) =	ssettag s2;
	_ =	strace s9  }
0x27: {  	s1 =	sld [smem:$0x3F9D]  }
0x28: {  	s2 =	sld [smem:$0x3F9E]  }
0x29: {  	s4 =	sld [smem:$0x3FA0]  }
0x2a: {  	p0 =	seq.s32 s5, $0x0;
	s5 =	sld [smem:$0x3FA1]  }
0x2b: {  	s6 =	sld [smem:$0x3FA2]  }
0x2c: {  	s7 =	sld [smem:$0x3FA3]  }
0x2d: {  	s3 =	simm.s32 $0x108;
	s8 =	sld [smem:$0x3FA4]  }
0x2e: {  	s3 =	simm.s32 @!p0 $0x1082;
	s9 =	sld [smem:$0x3FA5]  }
0x2f: {  	lr =	sadd.s32 s0, s3;
	s0 =	sld [smem:$0x3F9C]  }
0x30: {  	s3 =	sld [smem:$0x3F9F]  }
0x31: {  	[smem:$0x3FA8] =	sst s10  }
0x32: {  	s10 =	sld [smem:$0x3FA6];
	_ =	sdelay $0x3  }
0x33: {  	p0 =	seq.s32 s10, $0x1;
	s10 =	sld [smem:$0x3FA8];
	_ =	sdelay $0x3  }
0x34: {  	[smem:$0x3FA8] =	sst s10  }
0x35: {  	s10 =	sld [smem:$0x3FA7];
	_ =	sdelay $0x3  }
0x36: {  	p1 =	seq.s32 s10, $0x1;
	s10 =	sld [smem:$0x3FA8];
	_ =	sdelay $0x3  }
0x37: {  	[smem:$0x3FA8] =	sst s10  }
0x38: {  	s10 =	sld [smem:$0x3FA9]  }
0x39: {  	_ = 	snop;
	(pc) =	sbr.ind lr, $3  }
0x3a: {  	_ = 	snop  }
0x3b: {  	_ = 	snop  }
0x3c: {  	p2 =	seq.s32 s10, $0x1;
	s10 =	sld [smem:$0x3FA8]  }
0x3d: {  	_ =	shalt  }
0x3e: {  	_ =	shalt  }
0x3f: {  	_ =	shalt  }
0x40: {  	_ =	shalt  }
0x41: {  	_ =	shalt  }
0x42: {  	_ =	shalt  }
0x43: {  	_ =	shalt  }
0x44: {  	_ =	shalt  }
0x45: {  	_ =	shalt  }
0x46: {  	_ =	shalt  }
0x47: {  	_ =	shalt  }
0x48: {  	_ =	shalt  }
0x49: {  	_ =	shalt  }
0x4a: {  	_ =	shalt  }
0x4b: {  	_ =	shalt  }
0x4c: {  	_ =	shalt  }
0x4d: {  	_ =	shalt  }
0x4e: {  	_ =	shalt  }
0x4f: {  	_ =	shalt  }
0x50: {  	_ =	shalt  }
0x51: {  	_ =	shalt  }
0x52: {  	_ =	shalt  }
0x53: {  	_ =	shalt  }
0x54: {  	_ =	shalt  }
0x55: {  	_ =	shalt  }
0x56: {  	_ =	shalt  }
0x57: {  	_ =	shalt  }
0x58: {  	_ =	shalt  }
0x59: {  	_ =	shalt  }
0x5a: {  	_ =	shalt  }
0x5b: {  	_ =	shalt  }
0x5c: {  	_ =	shalt  }
0x5d: {  	_ =	shalt  }
0x5e: {  	_ =	shalt  }
0x5f: {  	_ =	shalt  }
0x60: {  	_ =	shalt  }
0x61: {  	_ =	shalt  }
0x62: {  	_ =	shalt  }
0x63: {  	_ =	shalt  }
0x64: {  	_ =	shalt  }
0x65: {  	_ =	shalt  }
0x66: {  	_ =	shalt  }
0x67: {  	_ =	shalt  }
0x68: {  	_ =	shalt  }
0x69: {  	_ =	shalt  }
0x6a: {  	_ =	shalt  }
0x6b: {  	_ =	shalt  }
0x6c: {  	_ =	shalt  }
0x6d: {  	_ =	shalt  }
0x6e: {  	_ =	shalt  }
0x6f: {  	_ =	shalt  }
0x70: {  	_ =	shalt  }
0x71: {  	_ =	shalt  }
0x72: {  	_ =	shalt  }
0x73: {  	_ =	shalt  }
0x74: {  	_ =	shalt  }
0x75: {  	_ =	shalt  }
0x76: {  	_ =	shalt  }
0x77: {  	_ =	shalt  }
0x78: {  	_ =	shalt  }
0x79: {  	_ =	shalt  }
0x7a: {  	_ =	shalt  }
0x7b: {  	_ =	shalt  }
0x7c: {  	_ =	shalt  }
0x7d: {  	_ =	shalt  }
0x7e: {  	_ =	shalt  }
0x7f: {  	_ =	shalt  }
0x80: {  	_ =	shalt  }
0x81: {  	_ =	shalt  }
0x82: {  	_ =	shalt  }
0x83: {  	_ =	shalt  }
0x84: {  	_ =	shalt  }
0x85: {  	_ =	shalt  }
0x86: {  	_ =	shalt  }
0x87: {  	_ =	shalt  }
.Lfunc_end0:
.L_simem_size_0:
called_computation.2_lowered:
.L_overlay_start_0:
0x88: {  	s2 =	sld [smem:$0x3FD9]  }
0x89: {  	s3 =	sld [smem:$0x3FFE];
	_ =	sdelay $0x1  }
0x8a: {  	s1 =	srdreg.scid  }
0x8b: {  	s0 =	sand.u32 $0x1, s1  }
0x8c: {  	s14 =	sshll.u32 s0, $0xA;
	s2 =	sadd.s32 s3, s2  }
0x8d: {  	s2 =	sadd.s32 s2, s14  }
0x8e: {  	[smem:$0x3FB4] =	sst s2  }
0x8f: {  	_ = 	snop  }
0x90: {  	s2 =	sld [smem:$0x3FD0];
	_ =	sdelay $0x2  }
0x91: {  	s15 =	simm.s32 $0xA;
	s4 =	simm.s32 $0x10  }
0x92: {  	[smem:s4], [sflag:s15] =	dma.local [hbm:s2], $0x1  }
0x93: {  	_ =	swait.eq [sflag:s15], $0x1  }
0x94: {  	[sflag:s15] =	ssyncset.done $0x0  }
0x95: {  	s16 =	sld [smem:$0x11];
	[sflag:s15] =	ssyncadd.s32 $0xFFFFFFFF  }
0x96: {  	s17 =	sld [smem:$0x13];
	(tm) =	ssettm $0x1  }
0x97: {  	s18 =	sld [smem:$0x3FFB];
	_ =	sdelay $0x3  }
0x98: {  	_ =	strace s18  }
0x99: {  	s4 =	sld [smem:$0x3FFC];
	_ =	sdelay $0x3  }
0x9a: {  	_ =	strace s4  }
0x9b: {  	s4 =	sld [smem:$0x3FFD];
	_ =	sdelay $0x3  }
0x9c: {  	_ =	strace s4  }
0x9d: {  	_ =	strace $0x8FFFFFFF  }
0x9e: {  	s19 =	sld [smem:$0x3FDB];
	_ =	sdelay $0x1  }
0x9f: {  	s5 =	simm.s32 $_scs_section_size  }
0xa0: {  	s6 =	simm.s32 $_size__tile_overlayer_lowered;
	s7 =	simm.s32 $_tile_overlayer_lowered  }
0xa1: {  	s22 =	simm.s32 $0x1BFF;
	s21 =	sshll.u32 s7, $0x1;
	s4 =	sadd.s32 s5, s19  }
0xa2: {  	s8 =	simm.s32 $0x0;
	s20 =	sshll.u32 s6, $0x1;
	s6 =	sadd.s32 s21, s4  }
0xa3: {  	[timem:s8], [sflag:s22] =	dma.local [hbm:s6], s20  }
0xa4: {  	_ =	swait.ge [sflag:s22], s20  }
0xa5: {  	s5 =	ssub.s32 $0x0, s20;
	[sflag:s22] =	ssyncset.done $0x0  }
0xa6: {  	[sflag:s22] =	ssyncadd.s32 s5;
	_ =	sdelay $0x1  }
0xa7: {  	s23 =	simm.s32 $0x1B8B  }
0xa8: {  	_ =	swait.ge [sflag:s23], $0x1  }
0xa9: {  	[sflag:s23] =	ssyncset.done $0x0  }
0xaa: {  	s25 =	simm.s32 $0x1B8E;
	s24 =	sld [smem:$0x3FFE];
	[sflag:s23] =	ssyncadd.s32 $0xFFFFFFFF  }
0xab: {  	s26 =	simm.s32 $execute0_lowered;
	[smem:$0x3FD2] =	sst s25  }
0xac: {  	s6 =	sshll.u32 s26, $0x1;
	_ =	strace $0x8000004C;
	[dreg:$0x1] =	wrdreg $0xFFFFFFFF  }
0xad: {  	s28 =	simm.s32 $_size_execute0_lowered;
	s4 =	sadd.s32 s4, s6;
	[dreg:$0x0] =	wrdreg $0x0  }
0xae: {  	s6 =	sshll.u32 s28, $0x1;
	[dreg:$0x2] =	wrdreg s4  }
0xaf: {  	[dreg:$0x3] =	wrdreg s6  }
0xb0: {  	[dreg:$0x4] =	wrdreg $0xC0  }
0xb1: {  	_ =	task [dreg:s8], $0x5FFFF  }
0xb2: {  	[dreg:$0x1] =	wrdreg $0xFFFFFFFF  }
0xb3: {  	[dreg:$0x0] =	wrdreg $0x60  }
0xb4: {  	[dreg:$0x2] =	wrdreg s24  }
0xb5: {  	[dreg:$0x3] =	wrdreg s17  }
0xb6: {  	[dreg:$0x4] =	wrdreg s16  }
0xb7: {  	[dreg:$0x5] =	wrdreg $0x0  }
0xb8: {  	[dreg:$0x6] =	wrdreg $0x9  }
0xb9: {  	_ =	task.clear_ibuf [dreg:s8], $0x7FFFF;
	_ =	strace $0x9000004C  }
0xba: {  	s29 =	simm.s32 $0x9;
	_ =	strace $0x8000004E  }
0xbb: {  	_ =	swait.ge [sflag:s29], $0x1  }
0xbc: {  	[sflag:s29] =	ssyncadd.s32 $0xFFFFFFFF  }
0xbd: {  	_ =	strace $0x9000004E  }
0xbe: {  	_ =	sfence  }
0xbf: {  	s30 =	sld [smem:$0x0];
	_ =	sdelay $0x2  }
0xc0: {  	s31 =	sshll.u32 s1, $0xD;
	s1 =	sshrl.u32 s1, $0x2  }
0xc1: {  	s3 =	sand.u32 $0x4000, s31;
	s1 =	sadd.s32 s1, s30  }
0xc2: {  	s0 =	sor.u32 s3, s0;
	s1 =	sshll.u32 s1, $0x11  }
0xc3: {  	s0 =	sor.u32 s1, s0  }
0xc4: {  	s0 =	sadd.s32 $0x8F2B, s0  }
0xc5: {  	[sflag:s0] =	ssyncadd.remote.s32 $0x1  }
0xc6: {  	_ =	sfence.sel $0xFFFF  }
0xc7: {  	[dreg:$0x0] =	wrdreg $0xFFFFFFFF;
	(pc) =	sbr.abs _section_cstart, $3  }
0xc8: {  	[dreg:$0x1] =	wrdreg $0xFFFFFFFF  }
0xc9: {  	_ =	task.clear_ibuf [dreg:s8], $0x2FFFF;
	_ =	strace $0x9FFFFFFF  }
0xca: {  	(tm) =	ssettm $0x7FFFFFFF  }
0xcb: {  	_ =	shalt  }
tec
execute0_lowered:
.L_overlay_start_1:
0x0: {  	(tag) =	ssettag $0x1  }
0x1: {  	s0 =	rddreg [dreg:$0x0]  }
0x2: {  	s1 =	rddreg [dreg:$0x1]  }
0x3: {  	s5 =	rddreg [dreg:$0x2]  }
0x4: {  	s2 =	rddreg [dreg:$0x3];
	s13 =	stileid.u32  }
0x5: {  	s4 =	srdreg.scid;
	s6 =	smul.u32 $0x2800, s13  }
0x6: {  	s3 =	simm.s32 $0x0;
	s28 =	simm.s32 $0x5;
	s11 =	smul.u32 $0x5000, s13  }
0x7: {  	s31 =	simm.s32 $0x6;
	s30 =	simm.s32 $0x14000;
	s12 =	smul.u32 $0x50000, s13  }
0x8: {  	s7 =	sand.u32 $0x1, s4;
	[smem:$0x7FF] =	sst s3;
	s22 =	smul.u32 $0xA00, s13  }
0x9: {  	s4 =	sadd.s32 $0x78400, s0;
	s8 =	smul.u32 $0x28000, s7;
	_ =	strace $0x8000004D  }
0xa: {  	s9 =	smul.u32 $0x50000, s7;
	s7 =	ssub.s32 $0x2, s7;
	s10 =	sadd.s32 s6, s0  }
0xb: {  	s26 =	sshrl.u32 s7, $0x1;
	s17 =	sshrl.u32 s11, $0x3;
	s18 =	sshrl.u32 s12, $0x2  }
0xc: {  	s6 =	sadd.s32 s6, s8;
	s14 =	ssub.s32 s7, s26;
	s15 =	sadd.s32 s11, s9  }
0xd: {  	s19 =	sadd.s32 s5, s17;
	s20 =	sadd.s32 s18, s2;
	s21 =	sadd.s32 $0x400, s10  }
0xe: {  	s10 =	sadd.s32 s22, s5;
	s26 =	sshll.u32 s13, $0x6;
	s17 =	simm.s32 $0x15000  }
0xf: {  	s22 =	simm.s32 $0x19000;
	s13 =	simm.s32 $0x2;
	s5 =	simm.s32 $0x14E00  }
0x10: {  	s9 =	simm.s32 $0x14F00;
	s18 =	simm.s32 $0x14780;
	[dreg:$0x6] =	wrdreg s19  }
0x11: {  	s0 =	sadd.s32 s6, s0;
	s16 =	sshrl.u32 s15, $0x3;
	[dreg:$0x7] =	wrdreg s21  }
0x12: {  	s6 =	smax.u32 s14, $0x1;
	s23 =	sor.u32 $0x400, s15;
	s7 =	sor.u32 $0x800, s15  }
0x13: {  	s21 =	sor.u32 $0x1C07, s26;
	s29 =	sshrl.u32 s20, $0x3;
	s20 =	simm.s32 $0x3  }
0x14: {  	s26 =	simm.s32 $0x14C00;
	s19 =	simm.s32 $0x14F80;
	s14 =	simm.s32 $0x1  }
0x15: {  	s8 =	sadd.s32 s1, s16;
	s0 =	sadd.s32 $0xC8400, s0;
	[dreg:$0x9] =	wrdreg s6  }
0x16: {  	s24 =	sshrl.u32 s23, $0x3;
	s25 =	sshrl.u32 s7, $0x3;
	[dreg:$0xa] =	wrdreg s21  }
.Ltmp0:
0x17: {  	s16 =	simm.s32 $0x80;
	[dreg:$0xb] =	wrdreg s29;
	(pc) =	sbr.rel .LBB2_1-.Ltmp0, $4  }
0x18: {  	s23 =	simm.s32 $0x4;
	s6 =	simm.s32 $0x14680;
	[dreg:$0x5] =	wrdreg s8  }
0x19: {  	s7 =	simm.s32 $0x14E80;
	[dreg:$0x8] =	wrdreg s0;
	s11 =	sadd.s32 s24, s1  }
0x1a: {  	s12 =	sadd.s32 s25, s1;
	s24 =	simm.s32 $0x7;
	s25 =	simm.s32 $0x14400  }
0x1b: {  	s1 =	simm.s32 $0x14600;
	s8 =	simm.s32 $0x14700;
	s0 =	simm.s32 $0x0  }
.LBB2_4:
0x1c: {  	_ =	swait.ge [sflag:s31], $0x4000  }
0x1d: {  	[sflag:s31] =	ssyncset.done $0x0  }
0x1e: {  	[sflag:s31] =	ssyncadd.s32 $0xFFFFC000  }
0x1f: {  	[bflag:$0x0] =	sbarrier.arrive $0xFFFF  }
0x20: {  	s15 =	rddreg [dreg:$0x8]  }
0x21: {  	s21 =	rddreg [dreg:$0xa]  }
0x22: {  	s24 =	simm.s32 $0x7;
	s29 =	rddreg [dreg:$0xb]  }
0x23: {  	[hbm:s15], [sflag:s21] =	dma.local [spmem:s29], $0x2800  }
0x24: {  	_ =	swait.ge [sflag:s24], $0x2800  }
0x25: {  	s0 =	rddreg [dreg:$0xc]  }
0x26: {  	s15 =	rddreg [dreg:$0x9];
	s0 =	sadd.s32 $0x1, s0  }
0x27: {  	p0 =	sne.s32 s0, s15  }
.Ltmp1:
0x28: {  	_ = 	snop;
	(pc) =	sbr.rel @!p0 .LBB2_5-.Ltmp1, $3  }
0x29: {  	_ =	sdelay $0x1  }
0x2a: {  	[sflag:s24] =	ssyncset.done $0x0  }
0x2b: {  	[sflag:s24] =	ssyncadd.s32 $0xFFFFD800  }
.LBB2_1:
0x2c: {  	[dreg:$0xc] =	wrdreg s0  }
0x2d: {  	s15 =	rddreg [dreg:$0x5];
	s0 =	simm.s32 $0x14000  }
0x2e: {  	[tilespmem:s0], [sflag:$0x7] =	stream.linear.gather [hbm4b:s15+s3], $0x400, $0x38;
	[tilespmem:$0x1D000] =	vst v63  }
0x2f: {  	_ =	swait.ge [sflag:s24], $0x400  }
0x30: {  	s0 =	smov.u32 s29;
	[sflag:s24] =	ssyncset.done $0x0  }
0x31: {  	s29 =	simm.s32 $0x14800;
	s15 =	rddreg [dreg:$0x6];
	[sflag:s24] =	ssyncadd.s32 $0xFFFFFC00  }
0x32: {  	[tilespmem:s29], [sflag:$0x7] =	stream.linear.gather [hbm4b:s15+s3], $0x400, $0x38;
	[tilespmem:$0x1D000] =	vst v63  }
0x33: {  	_ =	swait.ge [sflag:s24], $0x400  }
0x34: {  	[sflag:s24] =	ssyncset.done $0x0  }
0x35: {  	s29 =	simm.s32 $0x14000;
	[sflag:s24] =	ssyncadd.s32 $0xFFFFFC00  }
0x36: {  	[tilespmem:s17], [sflag:$0x3] =	stream.indirect.gather [hbm4b:s4+s16], $0x80, s29, s16, $0xb8;
	[tilespmem:$0x1D000] =	vst v63  }
0x37: {  	s29 =	rddreg [dreg:$0x7]  }
0x38: {  	[spmem:s0], [sflag:s21] =	dma.local [hbm:s29], $0x2800  }
0x39: {  	_ =	swait.ge [sflag:s24], $0x2800  }
0x3a: {  	[sflag:s24] =	ssyncset.done $0x0  }
0x3b: {  	[sflag:s24] =	ssyncadd.s32 $0xFFFFD800  }
0x3c: {  	s0 =	simm.s32 $0x14080;
	s21 =	simm.s32 $0x0;
	[bflag:$0x0] =	sbarrier.arrive $0xFFFF  }
.LBB2_2:
0x3d: {  	_ =	swait.ge [sflag:s20], $0x4000  }
0x3e: {  	[sflag:s20] =	ssyncset.done $0x0  }
0x3f: {  	s15 =	simm.s32 $0x14800;
	p0 =	seq.s32 s21, $0x0;
	[sflag:s20] =	ssyncadd.s32 $0xFFFFC000  }
0x40: {  	[spmem:s2] =	stream.indirect.scatter.add.f32 [tilespmem:s17], [sflag:$0x5], $0x80, s15, s16, $0xb8;
	[tilespmem:$0x1D000] =	vst v63  }
0x41: {  	s15 =	simm.s32 @!p0 $0x6  }
0x42: {  	_ =	swait.ge @!p0 [sflag:s15], $0x4000  }
0x43: {  	[sflag:s15] =	ssyncset.done @!p0 $0x0  }
0x44: {  	[sflag:s15] =	ssyncadd.s32 @!p0 $0xFFFFC000  }
0x45: {  	[tilespmem:s22], [sflag:$0x4] =	stream.indirect.gather [hbm4b:s4+s16], $0x80, s0, s16, $0xb8;
	[tilespmem:$0x1D000] =	vst v63  }
0x46: {  	_ =	swait.ge [sflag:s23], $0x4000  }
0x47: {  	[sflag:s23] =	ssyncset.done $0x0  }
0x48: {  	s29 =	simm.s32 $0x14880;
	[sflag:s23] =	ssyncadd.s32 $0xFFFFC000  }
0x49: {  	[spmem:s2] =	stream.indirect.scatter.add.f32 [tilespmem:s22], [sflag:$0x6], $0x80, s29, s16, $0xb8;
	[tilespmem:$0x1D000] =	vst v63  }
0x4a: {  	s24 =	sadd.s32 s21, s11;
	s29 =	sadd.s32 s21, s10  }
0x4b: {  	[tilespmem:s25], [sflag:$0x2] =	stream.linear.gather [hbm4b:s24+s3], $0x400, $0x38;
	[tilespmem:$0x1D000] =	vst v63  }
0x4c: {  	s15 =	sadd.s32 $0x80, s29  }
0x4d: {  	[tilespmem:s26], [sflag:$0x2] =	stream.linear.gather [hbm4b:s15+s3], $0x400, $0x38;
	[tilespmem:$0x1D000] =	vst v63  }
0x4e: {  	_ =	swait.ge [sflag:s28], $0x4000  }
0x4f: {  	[sflag:s28] =	ssyncset.done $0x0  }
0x50: {  	s24 =	simm.s32 $0x14100;
	[sflag:s28] =	ssyncadd.s32 $0xFFFFC000  }
0x51: {  	[tilespmem:s17], [sflag:$0x3] =	stream.indirect.gather [hbm4b:s4+s16], $0x80, s24, s16, $0xb8;
	[tilespmem:$0x1D000] =	vst v63  }
0x52: {  	_ =	swait.ge [sflag:s20], $0x4000  }
0x53: {  	[sflag:s20] =	ssyncset.done $0x0  }
0x54: {  	s29 =	simm.s32 $0x14900;
	[sflag:s20] =	ssyncadd.s32 $0xFFFFC000  }
0x55: {  	[spmem:s2] =	stream.indirect.scatter.add.f32 [tilespmem:s17], [sflag:$0x5], $0x80, s29, s16, $0xb8;
	[tilespmem:$0x1D000] =	vst v63  }
0x56: {  	_ =	swait.ge [sflag:s31], $0x4000  }
0x57: {  	[sflag:s31] =	ssyncset.done $0x0  }
0x58: {  	s24 =	simm.s32 $0x14180;
	[sflag:s31] =	ssyncadd.s32 $0xFFFFC000  }
0x59: {  	[tilespmem:s22], [sflag:$0x4] =	stream.indirect.gather [hbm4b:s4+s16], $0x80, s24, s16, $0xb8;
	[tilespmem:$0x1D000] =	vst v63  }
0x5a: {  	_ =	swait.ge [sflag:s23], $0x4000  }
0x5b: {  	[sflag:s23] =	ssyncset.done $0x0  }
0x5c: {  	s29 =	simm.s32 $0x14980;
	[sflag:s23] =	ssyncadd.s32 $0xFFFFC000  }
0x5d: {  	[spmem:s2] =	stream.indirect.scatter.add.f32 [tilespmem:s22], [sflag:$0x6], $0x80, s29, s16, $0xb8;
	[tilespmem:$0x1D000] =	vst v63  }
0x5e: {  	_ =	swait.ge [sflag:s28], $0x4000  }
0x5f: {  	[sflag:s28] =	ssyncset.done $0x0  }
0x60: {  	s24 =	simm.s32 $0x14200;
	[sflag:s28] =	ssyncadd.s32 $0xFFFFC000  }
0x61: {  	[tilespmem:s17], [sflag:$0x3] =	stream.indirect.gather [hbm4b:s4+s16], $0x80, s24, s16, $0xb8;
	[tilespmem:$0x1D000] =	vst v63  }
0x62: {  	_ =	swait.ge [sflag:s20], $0x4000  }
0x63: {  	[sflag:s20] =	ssyncset.done $0x0  }
0x64: {  	s29 =	simm.s32 $0x14A00;
	[sflag:s20] =	ssyncadd.s32 $0xFFFFC000  }
0x65: {  	[spmem:s2] =	stream.indirect.scatter.add.f32 [tilespmem:s17], [sflag:$0x5], $0x80, s29, s16, $0xb8;
	[tilespmem:$0x1D000] =	vst v63  }
0x66: {  	_ =	swait.ge [sflag:s31], $0x4000  }
0x67: {  	[sflag:s31] =	ssyncset.done $0x0  }
0x68: {  	s24 =	simm.s32 $0x14280;
	[sflag:s31] =	ssyncadd.s32 $0xFFFFC000  }
0x69: {  	[tilespmem:s22], [sflag:$0x4] =	stream.indirect.gather [hbm4b:s4+s16], $0x80, s24, s16, $0xb8;
	[tilespmem:$0x1D000] =	vst v63  }
0x6a: {  	_ =	swait.ge [sflag:s23], $0x4000  }
0x6b: {  	[sflag:s23] =	ssyncset.done $0x0  }
0x6c: {  	s29 =	simm.s32 $0x14A80;
	[sflag:s23] =	ssyncadd.s32 $0xFFFFC000  }
0x6d: {  	[spmem:s2] =	stream.indirect.scatter.add.f32 [tilespmem:s22], [sflag:$0x6], $0x80, s29, s16, $0xb8;
	[tilespmem:$0x1D000] =	vst v63  }
0x6e: {  	_ =	swait.ge [sflag:s28], $0x4000  }
0x6f: {  	[sflag:s28] =	ssyncset.done $0x0  }
0x70: {  	s24 =	simm.s32 $0x14300;
	[sflag:s28] =	ssyncadd.s32 $0xFFFFC000  }
0x71: {  	[tilespmem:s17], [sflag:$0x3] =	stream.indirect.gather [hbm4b:s4+s16], $0x80, s24, s16, $0xb8;
	[tilespmem:$0x1D000] =	vst v63  }
0x72: {  	_ =	swait.ge [sflag:s20], $0x4000  }
0x73: {  	[sflag:s20] =	ssyncset.done $0x0  }
0x74: {  	s29 =	simm.s32 $0x14B00;
	[sflag:s20] =	ssyncadd.s32 $0xFFFFC000  }
0x75: {  	[spmem:s2] =	stream.indirect.scatter.add.f32 [tilespmem:s17], [sflag:$0x5], $0x80, s29, s16, $0xb8;
	[tilespmem:$0x1D000] =	vst v63  }
0x76: {  	_ =	swait.ge [sflag:s31], $0x4000  }
0x77: {  	[sflag:s31] =	ssyncset.done $0x0  }
0x78: {  	s24 =	simm.s32 $0x14380;
	[sflag:s31] =	ssyncadd.s32 $0xFFFFC000  }
0x79: {  	[tilespmem:s22], [sflag:$0x4] =	stream.indirect.gather [hbm4b:s4+s16], $0x80, s24, s16, $0xb8;
	[tilespmem:$0x1D000] =	vst v63  }
0x7a: {  	_ =	swait.ge [sflag:s23], $0x4000  }
0x7b: {  	[sflag:s23] =	ssyncset.done $0x0  }
0x7c: {  	s29 =	simm.s32 $0x14B80;
	[sflag:s23] =	ssyncadd.s32 $0xFFFFC000  }
0x7d: {  	[spmem:s2] =	stream.indirect.scatter.add.f32 [tilespmem:s22], [sflag:$0x6], $0x80, s29, s16, $0xb8;
	[tilespmem:$0x1D000] =	vst v63  }
0x7e: {  	_ =	swait.ge [sflag:s28], $0x4000  }
0x7f: {  	[sflag:s28] =	ssyncset.done $0x0  }
0x80: {  	[sflag:s28] =	ssyncadd.s32 $0xFFFFC000  }
0x81: {  	_ =	swait.ge [sflag:s13], $0x400  }
0x82: {  	[sflag:s13] =	ssyncset.done $0x0  }
0x83: {  	[sflag:s13] =	ssyncadd.s32 $0xFFFFFC00  }
0x84: {  	_ =	swait.ge [sflag:s13], $0x400  }
0x85: {  	[sflag:s13] =	ssyncset.done $0x0  }
0x86: {  	[sflag:s13] =	ssyncadd.s32 $0xFFFFFC00  }
0x87: {  	[tilespmem:s17], [sflag:$0x3] =	stream.indirect.gather [hbm4b:s4+s16], $0x80, s25, s16, $0xb8;
	[tilespmem:$0x1D000] =	vst v63  }
0x88: {  	_ =	swait.ge [sflag:s20], $0x4000  }
0x89: {  	[sflag:s20] =	ssyncset.done $0x0  }
0x8a: {  	[sflag:s20] =	ssyncadd.s32 $0xFFFFC000  }
0x8b: {  	[spmem:s2] =	stream.indirect.scatter.add.f32 [tilespmem:s17], [sflag:$0x5], $0x80, s26, s16, $0xb8;
	[tilespmem:$0x1D000] =	vst v63  }
0x8c: {  	_ =	swait.ge [sflag:s31], $0x4000  }
0x8d: {  	[sflag:s31] =	ssyncset.done $0x0  }
0x8e: {  	s24 =	simm.s32 $0x14480;
	[sflag:s31] =	ssyncadd.s32 $0xFFFFC000  }
0x8f: {  	[tilespmem:s22], [sflag:$0x4] =	stream.indirect.gather [hbm4b:s4+s16], $0x80, s24, s16, $0xb8;
	[tilespmem:$0x1D000] =	vst v63  }
0x90: {  	_ =	swait.ge [sflag:s23], $0x4000  }
0x91: {  	[sflag:s23] =	ssyncset.done $0x0  }
0x92: {  	p0 =	seq.s32 s21, $0x900;
	s29 =	simm.s32 $0x14C80;
	[sflag:s23] =	ssyncadd.s32 $0xFFFFC000  }
0x93: {  	[spmem:s2] =	stream.indirect.scatter.add.f32 [tilespmem:s22], [sflag:$0x6], $0x80, s29, s16, $0xb8;
	[tilespmem:$0x1D000] =	vst v63  }
0x94: {  	s15 =	sadd.s32 @!p0 s21, s12;
	s24 =	simm.s32 @!p0 $0x0;
	s29 =	simm.s32 @!p0 $0x14000  }
0x95: {  	[tilespmem:s29], [sflag:$0x1] =	stream.linear.gather @!p0 [hbm4b:s15+s24], $0x400, $0x38;
	[tilespmem:$0x1D000] =	vst v63  }
0x96: {  	s15 =	sadd.s32 @!p0 s21, s10  }
0x97: {  	s29 =	simm.s32 @!p0 $0x14800;
	s15 =	sadd.s32 @!p0 $0x100, s15  }
0x98: {  	[tilespmem:s29], [sflag:$0x1] =	stream.linear.gather @!p0 [hbm4b:s15+s24], $0x400, $0x38;
	[tilespmem:$0x1D000] =	vst v63  }
0x99: {  	_ =	swait.ge [sflag:s28], $0x4000  }
0x9a: {  	[sflag:s28] =	ssyncset.done $0x0  }
0x9b: {  	s24 =	simm.s32 $0x14500;
	[sflag:s28] =	ssyncadd.s32 $0xFFFFC000  }
0x9c: {  	[tilespmem:s17], [sflag:$0x3] =	stream.indirect.gather [hbm4b:s4+s16], $0x80, s24, s16, $0xb8;
	[tilespmem:$0x1D000] =	vst v63  }
0x9d: {  	_ =	swait.ge [sflag:s20], $0x4000  }
0x9e: {  	[sflag:s20] =	ssyncset.done $0x0  }
0x9f: {  	s29 =	simm.s32 $0x14D00;
	[sflag:s20] =	ssyncadd.s32 $0xFFFFC000  }
0xa0: {  	[spmem:s2] =	stream.indirect.scatter.add.f32 [tilespmem:s17], [sflag:$0x5], $0x80, s29, s16, $0xb8;
	[tilespmem:$0x1D000] =	vst v63  }
0xa1: {  	_ =	swait.ge [sflag:s31], $0x4000  }
0xa2: {  	[sflag:s31] =	ssyncset.done $0x0  }
0xa3: {  	s24 =	simm.s32 $0x14580;
	[sflag:s31] =	ssyncadd.s32 $0xFFFFC000  }
0xa4: {  	[tilespmem:s22], [sflag:$0x4] =	stream.indirect.gather [hbm4b:s4+s16], $0x80, s24, s16, $0xb8;
	[tilespmem:$0x1D000] =	vst v63  }
0xa5: {  	_ =	swait.ge [sflag:s23], $0x4000  }
0xa6: {  	[sflag:s23] =	ssyncset.done $0x0  }
0xa7: {  	s29 =	simm.s32 $0x14D80;
	[sflag:s23] =	ssyncadd.s32 $0xFFFFC000  }
0xa8: {  	[spmem:s2] =	stream.indirect.scatter.add.f32 [tilespmem:s22], [sflag:$0x6], $0x80, s29, s16, $0xb8;
	[tilespmem:$0x1D000] =	vst v63  }
0xa9: {  	_ =	swait.ge [sflag:s28], $0x4000  }
0xaa: {  	[sflag:s28] =	ssyncset.done $0x0  }
0xab: {  	[sflag:s28] =	ssyncadd.s32 $0xFFFFC000  }
0xac: {  	[tilespmem:s17], [sflag:$0x3] =	stream.indirect.gather [hbm4b:s4+s16], $0x80, s1, s16, $0xb8;
	[tilespmem:$0x1D000] =	vst v63  }
0xad: {  	_ =	swait.ge [sflag:s20], $0x4000  }
0xae: {  	[sflag:s20] =	ssyncset.done $0x0  }
0xaf: {  	[sflag:s20] =	ssyncadd.s32 $0xFFFFC000  }
0xb0: {  	[spmem:s2] =	stream.indirect.scatter.add.f32 [tilespmem:s17], [sflag:$0x5], $0x80, s5, s16, $0xb8;
	[tilespmem:$0x1D000] =	vst v63  }
0xb1: {  	_ =	swait.ge [sflag:s31], $0x4000  }
0xb2: {  	[sflag:s31] =	ssyncset.done $0x0  }
0xb3: {  	[sflag:s31] =	ssyncadd.s32 $0xFFFFC000  }
0xb4: {  	[tilespmem:s22], [sflag:$0x4] =	stream.indirect.gather [hbm4b:s4+s16], $0x80, s6, s16, $0xb8;
	[tilespmem:$0x1D000] =	vst v63  }
0xb5: {  	_ =	swait.ge [sflag:s23], $0x4000  }
0xb6: {  	[sflag:s23] =	ssyncset.done $0x0  }
0xb7: {  	[sflag:s23] =	ssyncadd.s32 $0xFFFFC000  }
0xb8: {  	[spmem:s2] =	stream.indirect.scatter.add.f32 [tilespmem:s22], [sflag:$0x6], $0x80, s7, s16, $0xb8;
	[tilespmem:$0x1D000] =	vst v63  }
0xb9: {  	_ =	swait.ge [sflag:s28], $0x4000  }
0xba: {  	[sflag:s28] =	ssyncset.done $0x0  }
0xbb: {  	[sflag:s28] =	ssyncadd.s32 $0xFFFFC000  }
0xbc: {  	[tilespmem:s17], [sflag:$0x3] =	stream.indirect.gather [hbm4b:s4+s16], $0x80, s8, s16, $0xb8;
	[tilespmem:$0x1D000] =	vst v63  }
0xbd: {  	_ =	swait.ge [sflag:s20], $0x4000  }
0xbe: {  	[sflag:s20] =	ssyncset.done $0x0  }
0xbf: {  	[sflag:s20] =	ssyncadd.s32 $0xFFFFC000  }
0xc0: {  	[spmem:s2] =	stream.indirect.scatter.add.f32 [tilespmem:s17], [sflag:$0x5], $0x80, s9, s16, $0xb8;
	[tilespmem:$0x1D000] =	vst v63  }
0xc1: {  	_ =	swait.ge [sflag:s31], $0x4000  }
0xc2: {  	[sflag:s31] =	ssyncset.done $0x0  }
0xc3: {  	[sflag:s31] =	ssyncadd.s32 $0xFFFFC000  }
0xc4: {  	[tilespmem:s22], [sflag:$0x4] =	stream.indirect.gather [hbm4b:s4+s16], $0x80, s18, s16, $0xb8;
	[tilespmem:$0x1D000] =	vst v63  }
0xc5: {  	_ =	swait.ge [sflag:s23], $0x4000  }
0xc6: {  	[sflag:s23] =	ssyncset.done $0x0  }
.Ltmp2:
0xc7: {  	[sflag:s23] =	ssyncadd.s32 $0xFFFFC000;
	(pc) =	sbr.rel @p0 .LBB2_4-.Ltmp2, $4  }
0xc8: {  	[spmem:s2] =	stream.indirect.scatter.add.f32 [tilespmem:s22], [sflag:$0x6], $0x80, s19, s16, $0xb8;
	[tilespmem:$0x1D000] =	vst v63  }
0xc9: {  	_ =	swait.ge [sflag:s28], $0x4000  }
0xca: {  	[sflag:s28] =	ssyncset.done $0x0  }
0xcb: {  	[sflag:s28] =	ssyncadd.s32 $0xFFFFC000  }
0xcc: {  	_ =	swait.ge [sflag:s14], $0x400  }
0xcd: {  	[sflag:s14] =	ssyncset.done $0x0  }
.Ltmp3:
0xce: {  	[sflag:s14] =	ssyncadd.s32 $0xFFFFFC00;
	(pc) =	sbr.rel .LBB2_2-.Ltmp3, $4  }
0xcf: {  	_ =	swait.ge [sflag:s14], $0x400  }
0xd0: {  	[sflag:s14] =	ssyncset.done $0x0  }
0xd1: {  	s21 =	sadd.s32 $0x100, s21;
	[sflag:s14] =	ssyncadd.s32 $0xFFFFFC00  }
0xd2: {  	[tilespmem:s17], [sflag:$0x3] =	stream.indirect.gather [hbm4b:s4+s16], $0x80, s30, s16, $0xb8;
	[tilespmem:$0x1D000] =	vst v63  }
.LBB2_5:
0xd3: {  	_ =	sfence.sel $0x180000  }
0xd4: {  	[bflag:$0x0] =	sbarrier.arrive $0xFFFF  }
0xd5: {  	_ =	strace $0x9000004D  }
0xd6: {  	s0 =	stileid.u32;
	[bflag:$0x2] =	sbarrier.arrive $0xFFFF  }
0xd7: {  	p0 =	sne.s32 s0, $0x0;
	s0 =	rddreg [dreg:$0x4]  }
0xd8: {  	s0 =	sadd.s32 @!p0 $0x100000, s0  }
0xd9: {  	[sflag:s0] =	ssyncadd.tile.s32 @!p0 $0x1;
	_ =	shalt  }
.Lfunc_end2:
_tile_overlayer_lowered:
.L_overlay_start_2:
0xda: {  	(tag) =	ssettag $0x2  }
0xdb: {  	s0 =	rddreg [dreg:$0x0];
	s2 =	stileid.u32  }
0xdc: {  	s1 =	rddreg [dreg:$0x1];
	p0 =	sne.s32 s2, $0x0  }
0xdd: {  	s3 =	rddreg [dreg:$0x2];
	[bflag:$0x3] =	sbarrier.arrive $0xFFFF;
	s2 =	simm.s32 @!p0 $0x1C07  }
0xde: {  	[timem:s3], [sflag:s2] =	dma.local @!p0 [hbm:s0], s1  }
0xdf: {  	s0 =	simm.s32 @!p0 $0x7  }
0xe0: {  	_ =	swait.ge @!p0 [sflag:s0], s1  }
0xe1: {  	s1 =	ssub.s32 @!p0 $0x0, s1;
	[sflag:s0] =	ssyncset.done @!p0 $0x0  }
0xe2: {  	[sflag:s0] =	ssyncadd.s32 @!p0 s1  }
0xe3: {  	[bflag:$0x3] =	sbarrier.arrive $0xFFFF  }
0xe4: {  	_ =	shalt  }

// kernel: kernel.9.cloned.1.call-start
scs
__scs_entry_jumppad:
0x0: {  	(pc) =	sbr.rel $0x88, $3  }
0x1: {  	(tag) =	ssettag $0x0;
	lr =	simm.s32 $0x1  }
0x2: {  	[smem:$0x3F8D] =	sst lr;
	_ =	strace $0xD0000000  }
0x3: {  	_ = 	snop  }
0x4: {  	_ = 	snop  }
0x5: {  	_ = 	snop  }
0x6: {  	_ = 	snop  }
0x7: {  	_ = 	snop  }
__scs_overlays_trampoline_lowered:
0x8: {  	[smem:$0x3F9C] =	sst s0  }
0x9: {  	[smem:$0x3F9D] =	sst s1  }
0xa: {  	[smem:$0x3F9E] =	sst s2  }
0xb: {  	[smem:$0x3F9F] =	sst s3  }
0xc: {  	[smem:$0x3FA0] =	sst s4  }
0xd: {  	[smem:$0x3FA1] =	sst s5  }
0xe: {  	[smem:$0x3FA2] =	sst s6  }
0xf: {  	[smem:$0x3FA3] =	sst s7  }
0x10: {  	[smem:$0x3FA4] =	sst s8  }
0x11: {  	[smem:$0x3FA5] =	sst s9;
	s0 =	simm.s32 @!p0 $0x0  }
0x12: {  	s1 =	sld [smem:$0x3F8B];
	s0 =	simm.s32 @p0 $0x1  }
0x13: {  	[smem:$0x3FA6] =	sst s0;
	s0 =	simm.s32 @!p1 $0x0  }
0x14: {  	s2 =	sld [smem:$0x3F8A];
	s0 =	simm.s32 @p1 $0x1  }
0x15: {  	[smem:$0x3FA7] =	sst s0;
	s0 =	simm.s32 @!p2 $0x0  }
0x16: {  	s3 =	sld [smem:$0x3FDB];
	s0 =	simm.s32 @p2 $0x1  }
0x17: {  	s4 =	simm.s32 $0x1BF5;
	[smem:$0x3FA9] =	sst s0  }
0x18: {  	s0 =	sld [smem:$0x3F8C];
	_ =	swait.ge [sflag:s4], $0x0  }
0x19: {  	s7 =	sld [smem:$0x3F8D]  }
0x1a: {  	s8 =	sadd.s32 $0xFFFFE003, lr  }
0x1b: {  	s9 =	sadd.s32 $0xFFFFFEF7, lr;
	s5 =	simm.s32 $0xFFFFFFFF;
	p2 =	slt.u32 s8, $0xFFFFF086  }
0x1c: {  	p1 =	slt.u32 s9, $0xF7A;
	s5 =	simm.s32 @!p2 $0x0  }
0x1d: {  	s5 =	simm.s32 @p1 $0x1;
	p0 =	seq.s32 s7, s2  }
0x1e: {  	s7 =	smul.u32 @!p0 $0xF7A, s2;
	p2 =	seq.s32 @!p0 s5, $0x0  }
0x1f: {  	s9 =	smul.u32 $0xF7A, s1;
	s8 =	simm.s32 @!p0 $0x1BF5;
	p2 =	por !p2, p0  }
0x20: {  	[sflag:s8] =	ssyncset.s32 @!p0 $0xFFFFF086;
	s6 =	sadd.s32 @!p0 s3, s7;
	s7 =	simm.s32 @!p0 $0x108  }
0x21: {  	s3 =	sadd.s32 s3, s9;
	s6 =	sadd.s32 @!p0 $0x88, s6;
	s7 =	simm.s32 @p2 $0x1082  }
0x22: {  	[simem:s7], [sflag:s8] =	dma.local @!p0 [hbm:s6], $0xF7A  }
0x23: {  	s9 =	sor.u32 $0xD0000000, s2;
	s6 =	simm.s32 $0x108;
	_ =	swait.ge @!p0 [sflag:s8], $0x0  }
0x24: {  	s3 =	sadd.s32 $0x88, s3;
	s6 =	simm.s32 @!p1 $0x1082;
	[sflag:s4] =	ssyncset.s32 $0xFFFFF086  }
0x25: {  	[simem:s6], [sflag:s4] =	dma.local [hbm:s3], $0xF7A  }
0x26: {  	[smem:$0x3F8D] =	sst s1;
	(tag) =	ssettag s2;
	_ =	strace s9  }
0x27: {  	s1 =	sld [smem:$0x3F9D]  }
0x28: {  	s2 =	sld [smem:$0x3F9E]  }
0x29: {  	s4 =	sld [smem:$0x3FA0]  }
0x2a: {  	p0 =	seq.s32 s5, $0x0;
	s5 =	sld [smem:$0x3FA1]  }
0x2b: {  	s6 =	sld [smem:$0x3FA2]  }
0x2c: {  	s7 =	sld [smem:$0x3FA3]  }
0x2d: {  	s3 =	simm.s32 $0x108;
	s8 =	sld [smem:$0x3FA4]  }
0x2e: {  	s3 =	simm.s32 @!p0 $0x1082;
	s9 =	sld [smem:$0x3FA5]  }
0x2f: {  	lr =	sadd.s32 s0, s3;
	s0 =	sld [smem:$0x3F9C]  }
0x30: {  	s3 =	sld [smem:$0x3F9F]  }
0x31: {  	[smem:$0x3FA8] =	sst s10  }
0x32: {  	s10 =	sld [smem:$0x3FA6];
	_ =	sdelay $0x3  }
0x33: {  	p0 =	seq.s32 s10, $0x1;
	s10 =	sld [smem:$0x3FA8];
	_ =	sdelay $0x3  }
0x34: {  	[smem:$0x3FA8] =	sst s10  }
0x35: {  	s10 =	sld [smem:$0x3FA7];
	_ =	sdelay $0x3  }
0x36: {  	p1 =	seq.s32 s10, $0x1;
	s10 =	sld [smem:$0x3FA8];
	_ =	sdelay $0x3  }
0x37: {  	[smem:$0x3FA8] =	sst s10  }
0x38: {  	s10 =	sld [smem:$0x3FA9]  }
0x39: {  	_ = 	snop;
	(pc) =	sbr.ind lr, $3  }
0x3a: {  	_ = 	snop  }
0x3b: {  	_ = 	snop  }
0x3c: {  	p2 =	seq.s32 s10, $0x1;
	s10 =	sld [smem:$0x3FA8]  }
0x3d: {  	_ =	shalt  }
0x3e: {  	_ =	shalt  }
0x3f: {  	_ =	shalt  }
0x40: {  	_ =	shalt  }
0x41: {  	_ =	shalt  }
0x42: {  	_ =	shalt  }
0x43: {  	_ =	shalt  }
0x44: {  	_ =	shalt  }
0x45: {  	_ =	shalt  }
0x46: {  	_ =	shalt  }
0x47: {  	_ =	shalt  }
0x48: {  	_ =	shalt  }
0x49: {  	_ =	shalt  }
0x4a: {  	_ =	shalt  }
0x4b: {  	_ =	shalt  }
0x4c: {  	_ =	shalt  }
0x4d: {  	_ =	shalt  }
0x4e: {  	_ =	shalt  }
0x4f: {  	_ =	shalt  }
0x50: {  	_ =	shalt  }
0x51: {  	_ =	shalt  }
0x52: {  	_ =	shalt  }
0x53: {  	_ =	shalt  }
0x54: {  	_ =	shalt  }
0x55: {  	_ =	shalt  }
0x56: {  	_ =	shalt  }
0x57: {  	_ =	shalt  }
0x58: {  	_ =	shalt  }
0x59: {  	_ =	shalt  }
0x5a: {  	_ =	shalt  }
0x5b: {  	_ =	shalt  }
0x5c: {  	_ =	shalt  }
0x5d: {  	_ =	shalt  }
0x5e: {  	_ =	shalt  }
0x5f: {  	_ =	shalt  }
0x60: {  	_ =	shalt  }
0x61: {  	_ =	shalt  }
0x62: {  	_ =	shalt  }
0x63: {  	_ =	shalt  }
0x64: {  	_ =	shalt  }
0x65: {  	_ =	shalt  }
0x66: {  	_ =	shalt  }
0x67: {  	_ =	shalt  }
0x68: {  	_ =	shalt  }
0x69: {  	_ =	shalt  }
0x6a: {  	_ =	shalt  }
0x6b: {  	_ =	shalt  }
0x6c: {  	_ =	shalt  }
0x6d: {  	_ =	shalt  }
0x6e: {  	_ =	shalt  }
0x6f: {  	_ =	shalt  }
0x70: {  	_ =	shalt  }
0x71: {  	_ =	shalt  }
0x72: {  	_ =	shalt  }
0x73: {  	_ =	shalt  }
0x74: {  	_ =	shalt  }
0x75: {  	_ =	shalt  }
0x76: {  	_ =	shalt  }
0x77: {  	_ =	shalt  }
0x78: {  	_ =	shalt  }
0x79: {  	_ =	shalt  }
0x7a: {  	_ =	shalt  }
0x7b: {  	_ =	shalt  }
0x7c: {  	_ =	shalt  }
0x7d: {  	_ =	shalt  }
0x7e: {  	_ =	shalt  }
0x7f: {  	_ =	shalt  }
0x80: {  	_ =	shalt  }
0x81: {  	_ =	shalt  }
0x82: {  	_ =	shalt  }
0x83: {  	_ =	shalt  }
0x84: {  	_ =	shalt  }
0x85: {  	_ =	shalt  }
0x86: {  	_ =	shalt  }
0x87: {  	_ =	shalt  }
.Lfunc_end0:
.L_simem_size_0:
called_computation_lowered:
.L_overlay_start_0:
0x88: {  	s2 =	sld [smem:$0x3FD9]  }
0x89: {  	s3 =	sld [smem:$0x3FFE];
	_ =	sdelay $0x1  }
0x8a: {  	s1 =	srdreg.scid  }
0x8b: {  	s0 =	sand.u32 $0x1, s1  }
0x8c: {  	s14 =	sshll.u32 s0, $0xA;
	s2 =	sadd.s32 s3, s2  }
0x8d: {  	s2 =	sadd.s32 s2, s14  }
0x8e: {  	[smem:$0x3FB4] =	sst s2  }
0x8f: {  	_ = 	snop  }
0x90: {  	s2 =	sld [smem:$0x3FD0];
	_ =	sdelay $0x2  }
0x91: {  	s15 =	simm.s32 $0xA;
	s4 =	simm.s32 $0x10  }
0x92: {  	[smem:s4], [sflag:s15] =	dma.local [hbm:s2], $0x1  }
0x93: {  	_ =	swait.eq [sflag:s15], $0x1  }
0x94: {  	[sflag:s15] =	ssyncset.done $0x0  }
0x95: {  	s16 =	sld [smem:$0x10];
	[sflag:s15] =	ssyncadd.s32 $0xFFFFFFFF  }
0x96: {  	s17 =	sld [smem:$0x11];
	(tm) =	ssettm $0x1  }
0x97: {  	s18 =	sld [smem:$0x3FFB];
	_ =	sdelay $0x3  }
0x98: {  	_ =	strace s18  }
0x99: {  	s4 =	sld [smem:$0x3FFC];
	_ =	sdelay $0x3  }
0x9a: {  	_ =	strace s4  }
0x9b: {  	s4 =	sld [smem:$0x3FFD];
	_ =	sdelay $0x3  }
0x9c: {  	_ =	strace s4  }
0x9d: {  	_ =	strace $0x8FFFFFFF  }
0x9e: {  	s19 =	sld [smem:$0x3FDB];
	_ =	sdelay $0x1  }
0x9f: {  	s5 =	simm.s32 $_scs_section_size  }
0xa0: {  	s6 =	simm.s32 $_size__tile_overlayer_lowered;
	s7 =	simm.s32 $_tile_overlayer_lowered  }
0xa1: {  	s22 =	simm.s32 $0x1BFF;
	s21 =	sshll.u32 s7, $0x1;
	s4 =	sadd.s32 s5, s19  }
0xa2: {  	s8 =	simm.s32 $0x0;
	s20 =	sshll.u32 s6, $0x1;
	s6 =	sadd.s32 s21, s4  }
0xa3: {  	[timem:s8], [sflag:s22] =	dma.local [hbm:s6], s20  }
0xa4: {  	_ =	swait.ge [sflag:s22], s20  }
0xa5: {  	s5 =	ssub.s32 $0x0, s20;
	[sflag:s22] =	ssyncset.done $0x0  }
0xa6: {  	[sflag:s22] =	ssyncadd.s32 s5;
	_ =	sdelay $0x1  }
0xa7: {  	s23 =	simm.s32 $0x1B8B  }
0xa8: {  	_ =	swait.ge [sflag:s23], $0x1  }
0xa9: {  	[sflag:s23] =	ssyncset.done $0x0  }
0xaa: {  	s25 =	simm.s32 $0x1B8E;
	s24 =	sld [smem:$0x3FFE];
	[sflag:s23] =	ssyncadd.s32 $0xFFFFFFFF  }
0xab: {  	s26 =	simm.s32 $execute0_lowered;
	[smem:$0x3FD2] =	sst s25  }
0xac: {  	s6 =	sshll.u32 s26, $0x1;
	_ =	strace $0x80000046;
	[dreg:$0x1] =	wrdreg $0xFFFFFFFF  }
0xad: {  	s28 =	simm.s32 $_size_execute0_lowered;
	s4 =	sadd.s32 s4, s6;
	[dreg:$0x0] =	wrdreg $0x0  }
0xae: {  	s6 =	sshll.u32 s28, $0x1;
	[dreg:$0x2] =	wrdreg s4  }
0xaf: {  	[dreg:$0x3] =	wrdreg s6  }
0xb0: {  	[dreg:$0x4] =	wrdreg $0xC0  }
0xb1: {  	_ =	task [dreg:s8], $0x5FFFF  }
0xb2: {  	[dreg:$0x1] =	wrdreg $0xFFFFFFFF  }
0xb3: {  	[dreg:$0x0] =	wrdreg $0x60  }
0xb4: {  	[dreg:$0x2] =	wrdreg s17  }
0xb5: {  	[dreg:$0x3] =	wrdreg s24  }
0xb6: {  	[dreg:$0x4] =	wrdreg s16  }
0xb7: {  	[dreg:$0x5] =	wrdreg $0x0  }
0xb8: {  	[dreg:$0x6] =	wrdreg $0x9  }
0xb9: {  	_ =	task.clear_ibuf [dreg:s8], $0x7FFFF;
	_ =	strace $0x90000046  }
0xba: {  	s29 =	simm.s32 $0x9;
	_ =	strace $0x80000048  }
0xbb: {  	_ =	swait.ge [sflag:s29], $0x1  }
0xbc: {  	[sflag:s29] =	ssyncadd.s32 $0xFFFFFFFF  }
0xbd: {  	_ =	strace $0x90000048  }
0xbe: {  	_ =	sfence  }
0xbf: {  	s30 =	sld [smem:$0x0];
	_ =	sdelay $0x2  }
0xc0: {  	s31 =	sshll.u32 s1, $0xD;
	s1 =	sshrl.u32 s1, $0x2  }
0xc1: {  	s3 =	sand.u32 $0x4000, s31;
	s1 =	sadd.s32 s1, s30  }
0xc2: {  	s0 =	sor.u32 s3, s0;
	s1 =	sshll.u32 s1, $0x11  }
0xc3: {  	s0 =	sor.u32 s1, s0  }
0xc4: {  	s0 =	sadd.s32 $0x8F2B, s0  }
0xc5: {  	[sflag:s0] =	ssyncadd.remote.s32 $0x1  }
0xc6: {  	_ =	sfence.sel $0xFFFF  }
0xc7: {  	[dreg:$0x0] =	wrdreg $0xFFFFFFFF;
	(pc) =	sbr.abs _section_cstart, $3  }
0xc8: {  	[dreg:$0x1] =	wrdreg $0xFFFFFFFF  }
0xc9: {  	_ =	task.clear_ibuf [dreg:s8], $0x2FFFF;
	_ =	strace $0x9FFFFFFF  }
0xca: {  	(tm) =	ssettm $0x7FFFFFFF  }
0xcb: {  	_ =	shalt  }
tec
execute0_lowered:
.L_overlay_start_1:
0x0: {  	(tag) =	ssettag $0x1  }
0x1: {  	s5 =	rddreg [dreg:$0x0]  }
0x2: {  	s6 =	rddreg [dreg:$0x1]  }
0x3: {  	s2 =	rddreg [dreg:$0x2];
	s0 =	stileid.u32  }
0x4: {  	s1 =	srdreg.scid;
	s3 =	rddreg [dreg:$0x3]  }
0x5: {  	s4 =	simm.s32 $0x0;
	s14 =	simm.s32 $0x80;
	s15 =	simm.s32 $0x14080  }
0x6: {  	s16 =	simm.s32 $0x14100;
	s17 =	simm.s32 $0x14180;
	s18 =	simm.s32 $0x1  }
0x7: {  	s19 =	simm.s32 $0x2;
	s20 =	simm.s32 $0x3;
	s21 =	simm.s32 $0x4  }
0x8: {  	s7 =	smul.u32 $0x2800, s0;
	s8 =	sand.u32 $0x1, s1;
	s1 =	rddreg [dreg:$0x4]  }
0x9: {  	s22 =	simm.s32 $0x0;
	[smem:$0x7FF] =	sst s4;
	s10 =	smul.u32 $0x50000, s0  }
0xa: {  	s12 =	sshll.u32 s0, $0x6;
	s9 =	smul.u32 $0x28000, s8;
	s31 =	ssub.s32 $0x2, s8  }
0xb: {  	_ =	strace $0x80000047;
	s12 =	sor.u32 $0x1C05, s12;
	s8 =	sshrl.u32 s31, $0x1  }
0xc: {  	s10 =	sshrl.u32 s10, $0x2;
	s9 =	sadd.s32 s7, s9;
	s7 =	sadd.s32 s7, s6  }
0xd: {  	s8 =	ssub.s32 s31, s8;
	s13 =	sadd.s32 s10, s3;
	s10 =	simm.s32 $0x5  }
0xe: {  	s11 =	sadd.s32 s9, s6;
	s9 =	sshrl.u32 s9, $0x3;
	s6 =	sadd.s32 $0x400, s7  }
0xf: {  	s8 =	smax.u32 s8, $0x1;
	s13 =	sshrl.u32 s13, $0x3;
	s5 =	sadd.s32 s5, s9  }
0x10: {  	s7 =	sadd.s32 $0x28400, s11;
	s9 =	simm.s32 $0x14000;
	s11 =	simm.s32 $0x16800  }
.LBB2_1:
0x11: {  	[tilespmem:s9], [sflag:$0x5] =	stream.linear.gather [hbm4b:s5+s4], $0x2800, $0x38;
	[tilespmem:$0x1A800] =	vst v63  }
0x12: {  	_ =	swait.ge [sflag:s10], $0x2800  }
0x13: {  	[sflag:s10] =	ssyncset.done $0x0  }
0x14: {  	[sflag:s10] =	ssyncadd.s32 $0xFFFFD800  }
0x15: {  	[tilespmem:s11], [sflag:$0x5] =	stream.linear.gather [hbm4b:s2+s4], $0x4000, $0x38;
	[tilespmem:$0x1A800] =	vst v63  }
0x16: {  	_ =	swait.ge [sflag:s10], $0x4000  }
0x17: {  	[sflag:s10] =	ssyncset.done $0x0  }
0x18: {  	[sflag:s10] =	ssyncadd.s32 $0xFFFFC000  }
0x19: {  	[spmem:s13], [sflag:s12] =	dma.local [hbm:s6], $0x2800  }
0x1a: {  	_ =	swait.ge [sflag:s10], $0x2800  }
0x1b: {  	[sflag:s10] =	ssyncset.done $0x0  }
0x1c: {  	[sflag:s10] =	ssyncadd.s32 $0xFFFFD800  }
0x1d: {  	[bflag:$0x0] =	sbarrier.arrive $0xFFFF  }
0x1e: {  	[spmem:s3] =	stream.indirect.scatter.add.f32 [tilespmem:s11], [sflag:$0x1], $0x80, s9, s14, $0xb8;
	[tilespmem:$0x1A800] =	vst v63  }
0x1f: {  	_ = 	snop  }
0x20: {  	[spmem:s3] =	stream.indirect.scatter.add.f32 [tilespmem:s11], [sflag:$0x2], $0x80, s15, s14, $0xb8;
	[tilespmem:$0x1A800] =	vst v63  }
0x21: {  	_ = 	snop  }
0x22: {  	[spmem:s3] =	stream.indirect.scatter.add.f32 [tilespmem:s11], [sflag:$0x3], $0x80, s16, s14, $0xb8;
	[tilespmem:$0x1A800] =	vst v63  }
0x23: {  	_ = 	snop  }
0x24: {  	[spmem:s3] =	stream.indirect.scatter.add.f32 [tilespmem:s11], [sflag:$0x4], $0x80, s17, s14, $0xb8;
	[tilespmem:$0x1A800] =	vst v63  }
0x25: {  	_ =	swait.ge [sflag:s18], $0x4000  }
0x26: {  	[sflag:s18] =	ssyncset.done $0x0  }
0x27: {  	[sflag:s18] =	ssyncadd.s32 $0xFFFFC000  }
0x28: {  	_ =	swait.ge [sflag:s19], $0x4000  }
0x29: {  	[sflag:s19] =	ssyncset.done $0x0  }
0x2a: {  	[sflag:s19] =	ssyncadd.s32 $0xFFFFC000  }
0x2b: {  	_ =	swait.ge [sflag:s20], $0x4000  }
0x2c: {  	[sflag:s20] =	ssyncset.done $0x0  }
0x2d: {  	[sflag:s20] =	ssyncadd.s32 $0xFFFFC000  }
0x2e: {  	_ =	swait.ge [sflag:s21], $0x4000  }
0x2f: {  	[sflag:s21] =	ssyncset.done $0x0  }
0x30: {  	s23 =	simm.s32 $0x14200;
	[sflag:s21] =	ssyncadd.s32 $0xFFFFC000  }
0x31: {  	[spmem:s3] =	stream.indirect.scatter.add.f32 [tilespmem:s11], [sflag:$0x1], $0x80, s23, s14, $0xb8;
	[tilespmem:$0x1A800] =	vst v63  }
0x32: {  	s30 =	simm.s32 $0x14280  }
0x33: {  	[spmem:s3] =	stream.indirect.scatter.add.f32 [tilespmem:s11], [sflag:$0x2], $0x80, s30, s14, $0xb8;
	[tilespmem:$0x1A800] =	vst v63  }
0x34: {  	s31 =	simm.s32 $0x14300;
	s24 =	simm.s32 $0x14380;
	s23 =	simm.s32 $0xFFFF7000  }
0x35: {  	[spmem:s3] =	stream.indirect.scatter.add.f32 [tilespmem:s11], [sflag:$0x3], $0x80, s31, s14, $0xb8;
	[tilespmem:$0x1A800] =	vst v63  }
.LBB2_2:
0x36: {  	[spmem:s3] =	stream.indirect.scatter.add.f32 [tilespmem:s11], [sflag:$0x4], $0x80, s24, s14, $0xb8;
	[tilespmem:$0x1A800] =	vst v63  }
0x37: {  	s24 =	smov.u32 s23  }
0x38: {  	p0 =	sne.s32 s23, $0xFFFFF800;
	s23 =	sadd.s32 $0x800, s23;
	_ =	swait.ge [sflag:s18], $0x4000  }
0x39: {  	[sflag:s18] =	ssyncset.done $0x0  }
0x3a: {  	[sflag:s18] =	ssyncadd.s32 $0xFFFFC000  }
0x3b: {  	_ =	swait.ge [sflag:s19], $0x4000  }
0x3c: {  	[sflag:s19] =	ssyncset.done $0x0  }
0x3d: {  	[sflag:s19] =	ssyncadd.s32 $0xFFFFC000  }
0x3e: {  	_ =	swait.ge [sflag:s20], $0x4000  }
0x3f: {  	[sflag:s20] =	ssyncset.done $0x0  }
0x40: {  	[sflag:s20] =	ssyncadd.s32 $0xFFFFC000  }
0x41: {  	_ =	swait.ge [sflag:s21], $0x4000  }
0x42: {  	s24 =	sshra.s32 s24, $0x2;
	[sflag:s21] =	ssyncset.done $0x0  }
0x43: {  	s25 =	sadd.s32 $0x16800, s24;
	[sflag:s21] =	ssyncadd.s32 $0xFFFFC000  }
0x44: {  	[spmem:s3] =	stream.indirect.scatter.add.f32 [tilespmem:s11], [sflag:$0x1], $0x80, s25, s14, $0xb8;
	[tilespmem:$0x1A800] =	vst v63  }
.Ltmp0:
0x45: {  	s25 =	sadd.s32 $0x16880, s24;
	(pc) =	sbr.rel @p0 .LBB2_2-.Ltmp0, $4  }
0x46: {  	[spmem:s3] =	stream.indirect.scatter.add.f32 [tilespmem:s11], [sflag:$0x2], $0x80, s25, s14, $0xb8;
	[tilespmem:$0x1A800] =	vst v63  }
0x47: {  	s25 =	sadd.s32 $0x16900, s24  }
0x48: {  	[spmem:s3] =	stream.indirect.scatter.add.f32 [tilespmem:s11], [sflag:$0x3], $0x80, s25, s14, $0xb8;
	[tilespmem:$0x1A800] =	vst v63  }
0x49: {  	s24 =	sadd.s32 $0x16980, s24  }
0x4a: {  	[spmem:s3] =	stream.indirect.scatter.add.f32 [tilespmem:s11], [sflag:$0x4], $0x80, s24, s14, $0xb8;
	[tilespmem:$0x1A800] =	vst v63  }
0x4b: {  	_ =	swait.ge [sflag:s18], $0x4000  }
0x4c: {  	[sflag:s18] =	ssyncset.done $0x0  }
0x4d: {  	[sflag:s18] =	ssyncadd.s32 $0xFFFFC000  }
0x4e: {  	_ =	swait.ge [sflag:s19], $0x4000  }
0x4f: {  	[sflag:s19] =	ssyncset.done $0x0  }
0x50: {  	[sflag:s19] =	ssyncadd.s32 $0xFFFFC000  }
0x51: {  	_ =	swait.ge [sflag:s20], $0x4000  }
0x52: {  	[sflag:s20] =	ssyncset.done $0x0  }
0x53: {  	[sflag:s20] =	ssyncadd.s32 $0xFFFFC000  }
0x54: {  	_ =	swait.ge [sflag:s21], $0x4000  }
0x55: {  	s22 =	sadd.s32 $0x1, s22;
	[sflag:s21] =	ssyncset.done $0x0  }
0x56: {  	p0 =	sne.s32 s22, s8;
	[sflag:s21] =	ssyncadd.s32 $0xFFFFC000  }
.Ltmp1:
0x57: {  	[bflag:$0x0] =	sbarrier.arrive $0xFFFF;
	(pc) =	sbr.rel @p0 .LBB2_1-.Ltmp1, $4  }
0x58: {  	[hbm:s7], [sflag:s12] =	dma.local [spmem:s13], $0x2800  }
0x59: {  	_ =	swait.ge [sflag:s10], $0x2800  }
0x5a: {  	[sflag:s10] =	ssyncset.done $0x0  }
0x5b: {  	[sflag:s10] =	ssyncadd.s32 $0xFFFFD800  }
0x5c: {  	_ =	sfence.sel $0x180000  }
0x5d: {  	[bflag:$0x0] =	sbarrier.arrive $0xFFFF  }
0x5e: {  	p0 =	sne.s32 s0, $0x0;
	_ =	strace $0x90000047  }
0x5f: {  	s0 =	sadd.s32 @!p0 $0x100000, s1;
	[bflag:$0x2] =	sbarrier.arrive $0xFFFF  }
0x60: {  	[sflag:s0] =	ssyncadd.tile.s32 @!p0 $0x1;
	_ =	shalt  }
.Lfunc_end2:
_tile_overlayer_lowered:
.L_overlay_start_2:
0x61: {  	(tag) =	ssettag $0x2  }
0x62: {  	s0 =	rddreg [dreg:$0x0];
	s2 =	stileid.u32  }
0x63: {  	s1 =	rddreg [dreg:$0x1];
	p0 =	sne.s32 s2, $0x0  }
0x64: {  	s3 =	rddreg [dreg:$0x2];
	[bflag:$0x3] =	sbarrier.arrive $0xFFFF;
	s2 =	simm.s32 @!p0 $0x1C05  }
0x65: {  	[timem:s3], [sflag:s2] =	dma.local @!p0 [hbm:s0], s1  }
0x66: {  	s0 =	simm.s32 @!p0 $0x5  }
0x67: {  	_ =	swait.ge @!p0 [sflag:s0], s1  }
0x68: {  	s1 =	ssub.s32 @!p0 $0x0, s1;
	[sflag:s0] =	ssyncset.done @!p0 $0x0  }
0x69: {  	[sflag:s0] =	ssyncadd.s32 @!p0 s1  }
0x6a: {  	[bflag:$0x3] =	sbarrier.arrive $0xFFFF  }
0x6b: {  	_ =	shalt  }

</sc_bundles>
